<compile_context>
chip_gen: v7x
topology: tpu7x:2x2x1
jax: 0.10.2.dev20260603
libtpu: 0.0.44.dev20260713+nightly
codegen_flags: <defaults>
</compile_context>

<pallas_src>
import functools

import jax
import jax.numpy as jnp
from jax import lax
from jax.experimental import pallas as pl
from jax.experimental.pallas import tpu as pltpu
from jax.experimental.pallas import tpu_sc as plsc

ROWS = 400
COLS = 500
D = 128
L = 16
H1 = 248
H2 = COLS - H1
NC, NS = 2, 16
NW = NC * NS
KFULL = ROWS // NW
EXTRA = ROWS - KFULL * NW
TABLE_ROWS = 50


def _body(x3, table1, pos2, out3,
          tbuf, xa, xb, p0, p1,
          stb, sxa, sxb, sp0, sp1, soa, sob):
    wid = lax.axis_index("s") * NC + lax.axis_index("c")

    pltpu.async_copy(table1, tbuf, stb).wait()
    cols = [lax.iota(jnp.int32, L) + j * L for j in range(D // L)]

    def rowid(k):
        return k * NW + wid

    def issue_xa(k):
        pltpu.async_copy(x3.at[rowid(k), pl.ds(0, H1)], xa, sxa)

    def issue_xb(k):
        pltpu.async_copy(x3.at[rowid(k), pl.ds(H1, H2)], xb, sxb)

    def wait_xa():
        pltpu.make_async_copy(x3.at[0, pl.ds(0, H1)], xa, sxa).wait()

    def wait_xb():
        pltpu.make_async_copy(x3.at[0, pl.ds(H1, H2)], xb, sxb).wait()

    def issue_p(k, pref, sp):
        pltpu.async_copy(pos2.at[rowid(k)], pref, sp)

    def wait_p(pref, sp):
        pltpu.make_async_copy(pos2.at[0], pref, sp).wait()

    def issue_oa(k):
        pltpu.async_copy(xa, out3.at[rowid(k), pl.ds(0, H1)], soa)

    def issue_ob(k):
        pltpu.async_copy(xb, out3.at[rowid(k), pl.ds(H1, H2)], sob)

    def wait_oa():
        pltpu.make_async_copy(xa, out3.at[0, pl.ds(0, H1)], soa).wait()

    def wait_ob():
        pltpu.make_async_copy(xb, out3.at[0, pl.ds(H1, H2)], sob).wait()

    def valid(k):
        return (k < KFULL) | ((k == KFULL) & (wid < EXTRA))

    def add_half(xref, pref, ntok, off):
        @plsc.parallel_loop(0, ntok, unroll=2)
        def _tok(t):
            posv = plsc.load_gather(pref, [jnp.full((L,), t + off, jnp.int32)])
            base = posv * D
            for j in range(D // L):
                rows = plsc.load_gather(tbuf, [base + cols[j]])
                plsc.addupdate(xref.at[t, pl.ds(j * L, L)], rows)

    issue_p(0, p0, sp0)
    issue_p(1, p1, sp1)
    issue_xa(0)
    issue_xb(0)

    def pair_body(p, carry):
        k0 = 2 * p
        k1 = k0 + 1
        wait_p(p0, sp0)
        wait_xa()
        add_half(xa, p0, H1, 0)
        issue_oa(k0)
        wait_xb()
        add_half(xb, p0, H2, H1)
        issue_ob(k0)

        @pl.when(valid(k0 + 2))
        def _():
            issue_p(k0 + 2, p0, sp0)

        wait_oa()
        issue_xa(k1)
        wait_p(p1, sp1)
        wait_xa()
        add_half(xa, p1, H1, 0)
        issue_oa(k1)
        wait_ob()
        issue_xb(k1)
        wait_xb()
        add_half(xb, p1, H2, H1)
        issue_ob(k1)

        @pl.when(valid(k1 + 2))
        def _():
            issue_p(k1 + 2, p1, sp1)

        @pl.when(valid(k0 + 2))
        def _():
            wait_oa()
            issue_xa(k0 + 2)
            wait_ob()
            issue_xb(k0 + 2)
        return carry

    lax.fori_loop(0, KFULL // 2, pair_body, 0)

    @pl.when(wid < EXTRA)
    def _extra():
        wait_p(p0, sp0)
        wait_xa()
        add_half(xa, p0, H1, 0)
        issue_oa(KFULL)
        wait_xb()
        add_half(xb, p0, H2, H1)
        issue_ob(KFULL)

    wait_oa()
    wait_ob()


@jax.jit
def kernel(x, emb_table, pos_matrix):
    table1 = emb_table.reshape(TABLE_ROWS * D)
    mesh = plsc.VectorSubcoreMesh(core_axis_name="c", subcore_axis_name="s")
    run = functools.partial(
        pl.kernel,
        mesh=mesh,
        out_type=jax.ShapeDtypeStruct((ROWS, COLS, D), jnp.float32),
        compiler_params=pltpu.CompilerParams(
            needs_layout_passes=False, use_tc_tiling_on_sc=True),
        scratch_types=[
            pltpu.VMEM((TABLE_ROWS * D,), jnp.float32),
            pltpu.VMEM((H1, D), jnp.float32),
            pltpu.VMEM((H2, D), jnp.float32),
            pltpu.VMEM((COLS,), jnp.int32),
            pltpu.VMEM((COLS,), jnp.int32),
        ] + [pltpu.SemaphoreType.DMA] * 7,
    )(_body)
    return run(x, table1, pos_matrix)

# --- scband reference (transcript-rebuilt; emitter-appended) ---
"""Pipeline reference for scband-cross-attn-history-positional-encoding-35596688949640 (READ-ONLY COPY).

The authoritative reference and input builder live on the scoring server;
editing this copy changes nothing except your own understanding.
"""

import jax, jax.numpy as jnp
import numpy as np

POS_DIM = 128
MAX_SEQ_LEN = 50  # even, so no adjustment; halfpoint = 25
NUM_CTX = 10
SEG_LENS = [50] * 8


def _create_sequence_pos_matrix(segment_length, max_segment_length):
    halfpoint = MAX_SEQ_LEN // 2
    pos = (np.arange(max_segment_length)[None, :].repeat(segment_length, axis=0)
           - np.arange(segment_length)[:, None] + halfpoint)
    pos = np.clip(pos, 0, MAX_SEQ_LEN - 1)
    pos = np.repeat(pos, NUM_CTX, axis=1)  # repeat_interleave along dim=1
    return pos.astype(np.int32)


def setup_inputs(seed: int = 0) -> dict:
    key = jax.random.key(seed)
    k_x, k_emb = jax.random.split(key)
    max_seg = max(SEG_LENS)
    pos_matrices = np.concatenate(
        [_create_sequence_pos_matrix(sl, max_seg) for sl in SEG_LENS], axis=0)
    total_rows = pos_matrices.shape[0]          # 400
    cols = pos_matrices.shape[1]                # 500
    x = jax.random.normal(k_x, (total_rows, cols, POS_DIM), dtype=jnp.float32)
    emb_table = jax.random.uniform(k_emb, (MAX_SEQ_LEN, POS_DIM),
                                   dtype=jnp.float32, minval=-0.1, maxval=0.1)
    pos_matrix = jnp.asarray(pos_matrices, dtype=jnp.int32)
    return {"x": x, "emb_table": emb_table, "pos_matrix": pos_matrix}


def reference(x, emb_table, pos_matrix):
    # init_batch_pos_embs: embedding lookup -> pos_embs [rows, cols, pos_dim]
    pos_embs = jnp.take(emb_table, pos_matrix, axis=0)
    # forward: x + pos_embs
    return x + pos_embs

if __name__ == "__main__":
    import jax
    _d = setup_inputs()
    print(jax.jit(kernel)(*tuple(_d.values())))

</pallas_src>

<mosaic_0001>
#map = affine_map<(d0, d1) -> (0, 0, 0)>
#map1 = affine_map<(d0, d1) -> (0)>
#map2 = affine_map<(d0, d1) -> (0, 0)>
module attributes {stable_mosaic.version = 14 : i64} {
  func.func @_body(%arg0: i32, %arg1: i32, %arg2: memref<400x500x128xf32, #tpu.memory_space<hbm>>, %arg3: memref<6400xf32, #tpu.memory_space<hbm>>, %arg4: memref<400x500xi32, #tpu.memory_space<hbm>>, %arg5: memref<400x500x128xf32, #tpu.memory_space<hbm>>, %arg6: memref<6400xf32, #tpu.memory_space<vmem>>, %arg7: memref<248x128xf32, #tpu.memory_space<vmem>>, %arg8: memref<252x128xf32, #tpu.memory_space<vmem>>, %arg9: memref<500xi32, #tpu.memory_space<vmem>>, %arg10: memref<500xi32, #tpu.memory_space<vmem>>, %arg11: memref<!tpu.dma_semaphore, #tpu.memory_space<semaphore_mem>>, %arg12: memref<!tpu.dma_semaphore, #tpu.memory_space<semaphore_mem>>, %arg13: memref<!tpu.dma_semaphore, #tpu.memory_space<semaphore_mem>>, %arg14: memref<!tpu.dma_semaphore, #tpu.memory_space<semaphore_mem>>, %arg15: memref<!tpu.dma_semaphore, #tpu.memory_space<semaphore_mem>>, %arg16: memref<!tpu.dma_semaphore, #tpu.memory_space<semaphore_mem>>, %arg17: memref<!tpu.dma_semaphore, #tpu.memory_space<semaphore_mem>>) attributes {dimension_semantics = [#tpu.dimension_semantics<core_parallel>, #tpu.dimension_semantics<subcore_parallel>], iteration_bounds = array<i64: 2, 16>, scalar_prefetch = 0 : i64, scratch_operands = 12 : i64, tpu.core_type = #tpu.core_type<sc_vector_subcore>, window_params = [{transform_indices = #map}, {transform_indices = #map1}, {transform_indices = #map2}, {transform_indices = #map}]} {
    %mul3A = arith.constant 2 : i32
    %mul3A_0 = arith.muli %arg1, %mul3A : i32
    %add3A = arith.addi %mul3A_0, %arg0 : i32
    tpu.enqueue_dma source(%arg3 : memref<6400xf32, #tpu.memory_space<hbm>>) target(%arg6 : memref<6400xf32, #tpu.memory_space<vmem>>) target_semaphore(%arg11 : memref<!tpu.dma_semaphore, #tpu.memory_space<semaphore_mem>>)
    tpu.wait_dma2 semaphore(%arg11 : memref<!tpu.dma_semaphore, #tpu.memory_space<semaphore_mem>>) src(%arg3 : memref<6400xf32, #tpu.memory_space<hbm>>) dst(%arg6 : memref<6400xf32, #tpu.memory_space<vmem>>)
    %iota3A = tpu.iota {dimensions = array<i32: 0>} : vector<16xi32>
    %add3A_1 = arith.constant 0 : i32
    %add3A_2 = vector.broadcast %add3A_1 : i32 to vector<16xi32>
    %add3A_3 = arith.addi %iota3A, %add3A_2 : vector<16xi32>
    %iota3A_4 = tpu.iota {dimensions = array<i32: 0>} : vector<16xi32>
    %add3A_5 = arith.constant 16 : i32
    %add3A_6 = vector.broadcast %add3A_5 : i32 to vector<16xi32>
    %add3A_7 = arith.addi %iota3A_4, %add3A_6 : vector<16xi32>
    %iota3A_8 = tpu.iota {dimensions = array<i32: 0>} : vector<16xi32>
    %add3A_9 = arith.constant 32 : i32
    %add3A_10 = vector.broadcast %add3A_9 : i32 to vector<16xi32>
    %add3A_11 = arith.addi %iota3A_8, %add3A_10 : vector<16xi32>
    %iota3A_12 = tpu.iota {dimensions = array<i32: 0>} : vector<16xi32>
    %add3A_13 = arith.constant 48 : i32
    %add3A_14 = vector.broadcast %add3A_13 : i32 to vector<16xi32>
    %add3A_15 = arith.addi %iota3A_12, %add3A_14 : vector<16xi32>
    %iota3A_16 = tpu.iota {dimensions = array<i32: 0>} : vector<16xi32>
    %add3A_17 = arith.constant 64 : i32
    %add3A_18 = vector.broadcast %add3A_17 : i32 to vector<16xi32>
    %add3A_19 = arith.addi %iota3A_16, %add3A_18 : vector<16xi32>
    %iota3A_20 = tpu.iota {dimensions = array<i32: 0>} : vector<16xi32>
    %add3A_21 = arith.constant 80 : i32
    %add3A_22 = vector.broadcast %add3A_21 : i32 to vector<16xi32>
    %add3A_23 = arith.addi %iota3A_20, %add3A_22 : vector<16xi32>
    %iota3A_24 = tpu.iota {dimensions = array<i32: 0>} : vector<16xi32>
    %add3A_25 = arith.constant 96 : i32
    %add3A_26 = vector.broadcast %add3A_25 : i32 to vector<16xi32>
    %add3A_27 = arith.addi %iota3A_24, %add3A_26 : vector<16xi32>
    %iota3A_28 = tpu.iota {dimensions = array<i32: 0>} : vector<16xi32>
    %add3A_29 = arith.constant 112 : i32
    %add3A_30 = vector.broadcast %add3A_29 : i32 to vector<16xi32>
    %add3A_31 = arith.addi %iota3A_28, %add3A_30 : vector<16xi32>
    %add3A_32 = arith.constant 0 : i32
    %add3A_33 = arith.addi %add3A_32, %add3A : i32
    %dma_start3A = arith.constant 0 : i32
    %dma_start3A_34 = tpu.memref_slice %arg4[%add3A_33, %dma_start3A] : memref<400x500xi32, #tpu.memory_space<hbm>> -> memref<1x500xi32, #tpu.memory_space<hbm>>
    %dma_start3A_35 = tpu.memref_squeeze %dma_start3A_34 : memref<1x500xi32, #tpu.memory_space<hbm>> -> memref<500xi32, #tpu.memory_space<hbm>>
    %dma_start3A_36 = arith.constant 0 : i32
    %dma_start3A_37 = tpu.memref_slice %arg4[%add3A_33, %dma_start3A_36] : memref<400x500xi32, #tpu.memory_space<hbm>> -> memref<1x500xi32, #tpu.memory_space<hbm>>
    %dma_start3A_38 = tpu.memref_squeeze %dma_start3A_37 : memref<1x500xi32, #tpu.memory_space<hbm>> -> memref<500xi32, #tpu.memory_space<hbm>>
    tpu.enqueue_dma source(%dma_start3A_38 : memref<500xi32, #tpu.memory_space<hbm>>) target(%arg9 : memref<500xi32, #tpu.memory_space<vmem>>) target_semaphore(%arg14 : memref<!tpu.dma_semaphore, #tpu.memory_space<semaphore_mem>>)
    %add3A_39 = arith.constant 32 : i32
    %add3A_40 = arith.addi %add3A_39, %add3A : i32
    %dma_start3A_41 = arith.constant 0 : i32
    %dma_start3A_42 = tpu.memref_slice %arg4[%add3A_40, %dma_start3A_41] : memref<400x500xi32, #tpu.memory_space<hbm>> -> memref<1x500xi32, #tpu.memory_space<hbm>>
    %dma_start3A_43 = tpu.memref_squeeze %dma_start3A_42 : memref<1x500xi32, #tpu.memory_space<hbm>> -> memref<500xi32, #tpu.memory_space<hbm>>
    %dma_start3A_44 = arith.constant 0 : i32
    %dma_start3A_45 = tpu.memref_slice %arg4[%add3A_40, %dma_start3A_44] : memref<400x500xi32, #tpu.memory_space<hbm>> -> memref<1x500xi32, #tpu.memory_space<hbm>>
    %dma_start3A_46 = tpu.memref_squeeze %dma_start3A_45 : memref<1x500xi32, #tpu.memory_space<hbm>> -> memref<500xi32, #tpu.memory_space<hbm>>
    tpu.enqueue_dma source(%dma_start3A_46 : memref<500xi32, #tpu.memory_space<hbm>>) target(%arg10 : memref<500xi32, #tpu.memory_space<vmem>>) target_semaphore(%arg15 : memref<!tpu.dma_semaphore, #tpu.memory_space<semaphore_mem>>)
    %add3A_47 = arith.constant 0 : i32
    %add3A_48 = arith.addi %add3A_47, %add3A : i32
    %dma_start3A_49 = arith.constant 0 : i32
    %dma_start3A_50 = arith.constant 0 : i32
    %dma_start3A_51 = tpu.memref_slice %arg2[%add3A_48, %dma_start3A_49, %dma_start3A_50] : memref<400x500x128xf32, #tpu.memory_space<hbm>> -> memref<1x248x128xf32, #tpu.memory_space<hbm>>
    %dma_start3A_52 = tpu.memref_squeeze %dma_start3A_51 : memref<1x248x128xf32, #tpu.memory_space<hbm>> -> memref<248x128xf32, #tpu.memory_space<hbm>>
    %dma_start3A_53 = arith.constant 0 : i32
    %dma_start3A_54 = arith.constant 0 : i32
    %dma_start3A_55 = tpu.memref_slice %arg2[%add3A_48, %dma_start3A_53, %dma_start3A_54] : memref<400x500x128xf32, #tpu.memory_space<hbm>> -> memref<1x248x128xf32, #tpu.memory_space<hbm>>
    %dma_start3A_56 = tpu.memref_squeeze %dma_start3A_55 : memref<1x248x128xf32, #tpu.memory_space<hbm>> -> memref<248x128xf32, #tpu.memory_space<hbm>>
    tpu.enqueue_dma source(%dma_start3A_56 : memref<248x128xf32, #tpu.memory_space<hbm>>) target(%arg7 : memref<248x128xf32, #tpu.memory_space<vmem>>) target_semaphore(%arg12 : memref<!tpu.dma_semaphore, #tpu.memory_space<semaphore_mem>>)
    %add3A_57 = arith.constant 0 : i32
    %add3A_58 = arith.addi %add3A_57, %add3A : i32
    %dma_start3A_59 = arith.constant 248 : i32
    %dma_start3A_60 = arith.constant 0 : i32
    %dma_start3A_61 = tpu.memref_slice %arg2[%add3A_58, %dma_start3A_59, %dma_start3A_60] : memref<400x500x128xf32, #tpu.memory_space<hbm>> -> memref<1x252x128xf32, #tpu.memory_space<hbm>>
    %dma_start3A_62 = tpu.memref_squeeze %dma_start3A_61 : memref<1x252x128xf32, #tpu.memory_space<hbm>> -> memref<252x128xf32, #tpu.memory_space<hbm>>
    %dma_start3A_63 = arith.constant 248 : i32
    %dma_start3A_64 = arith.constant 0 : i32
    %dma_start3A_65 = tpu.memref_slice %arg2[%add3A_58, %dma_start3A_63, %dma_start3A_64] : memref<400x500x128xf32, #tpu.memory_space<hbm>> -> memref<1x252x128xf32, #tpu.memory_space<hbm>>
    %dma_start3A_66 = tpu.memref_squeeze %dma_start3A_65 : memref<1x252x128xf32, #tpu.memory_space<hbm>> -> memref<252x128xf32, #tpu.memory_space<hbm>>
    tpu.enqueue_dma source(%dma_start3A_66 : memref<252x128xf32, #tpu.memory_space<hbm>>) target(%arg8 : memref<252x128xf32, #tpu.memory_space<vmem>>) target_semaphore(%arg13 : memref<!tpu.dma_semaphore, #tpu.memory_space<semaphore_mem>>)
    %scan3A = arith.constant 0 : i32
    %scan3A_67 = arith.constant 0 : i32
    %scan3A_68 = arith.constant 6 : i32
    %scan3A_69 = arith.addi %scan3A_67, %scan3A_68 : i32
    %scan3A_70 = arith.constant 1 : i32
    scf.for %scan3A_91 = %scan3A_67 to %scan3A_69 step %scan3A_70  : i32 {
      %mul3A_92 = arith.constant 2 : i32
      %mul3A_93 = arith.muli %mul3A_92, %scan3A_91 : i32
      %add3A_94 = arith.constant 1 : i32
      %add3A_95 = arith.addi %mul3A_93, %add3A_94 : i32
      %dma_wait3A_96 = arith.constant 0 : i32
      %dma_wait3A_97 = arith.constant 0 : i32
      %dma_wait3A_98 = tpu.memref_slice %arg4[%dma_wait3A_96, %dma_wait3A_97] : memref<400x500xi32, #tpu.memory_space<hbm>> -> memref<1x500xi32, #tpu.memory_space<hbm>>
      %dma_wait3A_99 = tpu.memref_squeeze %dma_wait3A_98 : memref<1x500xi32, #tpu.memory_space<hbm>> -> memref<500xi32, #tpu.memory_space<hbm>>
      %dma_wait3A_100 = arith.constant 0 : i32
      %dma_wait3A_101 = tpu.memref_slice %arg4[%dma_wait3A_96, %dma_wait3A_100] : memref<400x500xi32, #tpu.memory_space<hbm>> -> memref<1x500xi32, #tpu.memory_space<hbm>>
      %dma_wait3A_102 = tpu.memref_squeeze %dma_wait3A_101 : memref<1x500xi32, #tpu.memory_space<hbm>> -> memref<500xi32, #tpu.memory_space<hbm>>
      tpu.wait_dma2 semaphore(%arg14 : memref<!tpu.dma_semaphore, #tpu.memory_space<semaphore_mem>>) src(%dma_wait3A_102 : memref<500xi32, #tpu.memory_space<hbm>>) dst(%arg9 : memref<500xi32, #tpu.memory_space<vmem>>)
      %dma_wait3A_103 = arith.constant 0 : i32
      %dma_wait3A_104 = arith.constant 0 : i32
      %dma_wait3A_105 = arith.constant 0 : i32
      %dma_wait3A_106 = tpu.memref_slice %arg2[%dma_wait3A_103, %dma_wait3A_104, %dma_wait3A_105] : memref<400x500x128xf32, #tpu.memory_space<hbm>> -> memref<1x248x128xf32, #tpu.memory_space<hbm>>
      %dma_wait3A_107 = tpu.memref_squeeze %dma_wait3A_106 : memref<1x248x128xf32, #tpu.memory_space<hbm>> -> memref<248x128xf32, #tpu.memory_space<hbm>>
      %dma_wait3A_108 = arith.constant 0 : i32
      %dma_wait3A_109 = arith.constant 0 : i32
      %dma_wait3A_110 = tpu.memref_slice %arg2[%dma_wait3A_103, %dma_wait3A_108, %dma_wait3A_109] : memref<400x500x128xf32, #tpu.memory_space<hbm>> -> memref<1x248x128xf32, #tpu.memory_space<hbm>>
      %dma_wait3A_111 = tpu.memref_squeeze %dma_wait3A_110 : memref<1x248x128xf32, #tpu.memory_space<hbm>> -> memref<248x128xf32, #tpu.memory_space<hbm>>
      tpu.wait_dma2 semaphore(%arg12 : memref<!tpu.dma_semaphore, #tpu.memory_space<semaphore_mem>>) src(%dma_wait3A_111 : memref<248x128xf32, #tpu.memory_space<hbm>>) dst(%arg7 : memref<248x128xf32, #tpu.memory_space<vmem>>)
      %parallel_loop3A = arith.constant 0 : i32
      %parallel_loop3A_112 = arith.constant 248 : i32
      %parallel_loop3A_113 = arith.constant 1 : i32
      scf.for %parallel_loop3A_277 = %parallel_loop3A to %parallel_loop3A_112 step %parallel_loop3A_113  : i32 {
        %parallel_loop3A_278 = arith.constant 0 : i32
        %parallel_loop3A_279 = arith.addi %parallel_loop3A_277, %parallel_loop3A_278 : i32
        %parallel_loop3A_280 = vector.broadcast %parallel_loop3A_279 : i32 to vector<16xi32>
        %parallel_loop3A_281 = tpu.vector_load_idx %arg9[%parallel_loop3A_280] : memref<500xi32, #tpu.memory_space<vmem>>[vector<16xi32>], vector<16xi32>,
        %parallel_loop3A_282 = arith.constant 128 : i32
        %parallel_loop3A_283 = vector.broadcast %parallel_loop3A_282 : i32 to vector<16xi32>
        %parallel_loop3A_284 = arith.muli %parallel_loop3A_281, %parallel_loop3A_283 : vector<16xi32>
        %parallel_loop3A_285 = arith.addi %parallel_loop3A_284, %add3A_3 : vector<16xi32>
        %parallel_loop3A_286 = tpu.vector_load_idx %arg6[%parallel_loop3A_285] : memref<6400xf32, #tpu.memory_space<vmem>>[vector<16xi32>], vector<16xf32>,
        %parallel_loop3A_287 = arith.index_cast %parallel_loop3A_277 : i32 to index
        %parallel_loop3A_288 = arith.constant 0 : index
        %parallel_loop3A_289 = tpu.vector_load %arg7[%parallel_loop3A_287, %parallel_loop3A_288] {strides = array<i32>} : memref<248x128xf32, #tpu.memory_space<vmem>>, vector<16xf32>,
        tpu.vector_store %arg7[%parallel_loop3A_287, %parallel_loop3A_288], %parallel_loop3A_286 {add = true, strides = array<i32>} : memref<248x128xf32, #tpu.memory_space<vmem>>, vector<16xf32>,
        %parallel_loop3A_290 = arith.addi %parallel_loop3A_284, %add3A_7 : vector<16xi32>
        %parallel_loop3A_291 = tpu.vector_load_idx %arg6[%parallel_loop3A_290] : memref<6400xf32, #tpu.memory_space<vmem>>[vector<16xi32>], vector<16xf32>,
        %parallel_loop3A_292 = arith.index_cast %parallel_loop3A_277 : i32 to index
        %parallel_loop3A_293 = arith.constant 16 : index
        %parallel_loop3A_294 = tpu.vector_load %arg7[%parallel_loop3A_292, %parallel_loop3A_293] {strides = array<i32>} : memref<248x128xf32, #tpu.memory_space<vmem>>, vector<16xf32>,
        tpu.vector_store %arg7[%parallel_loop3A_292, %parallel_loop3A_293], %parallel_loop3A_291 {add = true, strides = array<i32>} : memref<248x128xf32, #tpu.memory_space<vmem>>, vector<16xf32>,
        %parallel_loop3A_295 = arith.addi %parallel_loop3A_284, %add3A_11 : vector<16xi32>
        %parallel_loop3A_296 = tpu.vector_load_idx %arg6[%parallel_loop3A_295] : memref<6400xf32, #tpu.memory_space<vmem>>[vector<16xi32>], vector<16xf32>,
        %parallel_loop3A_297 = arith.index_cast %parallel_loop3A_277 : i32 to index
        %parallel_loop3A_298 = arith.constant 32 : index
        %parallel_loop3A_299 = tpu.vector_load %arg7[%parallel_loop3A_297, %parallel_loop3A_298] {strides = array<i32>} : memref<248x128xf32, #tpu.memory_space<vmem>>, vector<16xf32>,
        tpu.vector_store %arg7[%parallel_loop3A_297, %parallel_loop3A_298], %parallel_loop3A_296 {add = true, strides = array<i32>} : memref<248x128xf32, #tpu.memory_space<vmem>>, vector<16xf32>,
        %parallel_loop3A_300 = arith.addi %parallel_loop3A_284, %add3A_15 : vector<16xi32>
        %parallel_loop3A_301 = tpu.vector_load_idx %arg6[%parallel_loop3A_300] : memref<6400xf32, #tpu.memory_space<vmem>>[vector<16xi32>], vector<16xf32>,
        %parallel_loop3A_302 = arith.index_cast %parallel_loop3A_277 : i32 to index
        %parallel_loop3A_303 = arith.constant 48 : index
        %parallel_loop3A_304 = tpu.vector_load %arg7[%parallel_loop3A_302, %parallel_loop3A_303] {strides = array<i32>} : memref<248x128xf32, #tpu.memory_space<vmem>>, vector<16xf32>,
        tpu.vector_store %arg7[%parallel_loop3A_302, %parallel_loop3A_303], %parallel_loop3A_301 {add = true, strides = array<i32>} : memref<248x128xf32, #tpu.memory_space<vmem>>, vector<16xf32>,
        %parallel_loop3A_305 = arith.addi %parallel_loop3A_284, %add3A_19 : vector<16xi32>
        %parallel_loop3A_306 = tpu.vector_load_idx %arg6[%parallel_loop3A_305] : memref<6400xf32, #tpu.memory_space<vmem>>[vector<16xi32>], vector<16xf32>,
        %parallel_loop3A_307 = arith.index_cast %parallel_loop3A_277 : i32 to index
        %parallel_loop3A_308 = arith.constant 64 : index
        %parallel_loop3A_309 = tpu.vector_load %arg7[%parallel_loop3A_307, %parallel_loop3A_308] {strides = array<i32>} : memref<248x128xf32, #tpu.memory_space<vmem>>, vector<16xf32>,
        tpu.vector_store %arg7[%parallel_loop3A_307, %parallel_loop3A_308], %parallel_loop3A_306 {add = true, strides = array<i32>} : memref<248x128xf32, #tpu.memory_space<vmem>>, vector<16xf32>,
        %parallel_loop3A_310 = arith.addi %parallel_loop3A_284, %add3A_23 : vector<16xi32>
        %parallel_loop3A_311 = tpu.vector_load_idx %arg6[%parallel_loop3A_310] : memref<6400xf32, #tpu.memory_space<vmem>>[vector<16xi32>], vector<16xf32>,
        %parallel_loop3A_312 = arith.index_cast %parallel_loop3A_277 : i32 to index
        %parallel_loop3A_313 = arith.constant 80 : index
        %parallel_loop3A_314 = tpu.vector_load %arg7[%parallel_loop3A_312, %parallel_loop3A_313] {strides = array<i32>} : memref<248x128xf32, #tpu.memory_space<vmem>>, vector<16xf32>,
        tpu.vector_store %arg7[%parallel_loop3A_312, %parallel_loop3A_313], %parallel_loop3A_311 {add = true, strides = array<i32>} : memref<248x128xf32, #tpu.memory_space<vmem>>, vector<16xf32>,
        %parallel_loop3A_315 = arith.addi %parallel_loop3A_284, %add3A_27 : vector<16xi32>
        %parallel_loop3A_316 = tpu.vector_load_idx %arg6[%parallel_loop3A_315] : memref<6400xf32, #tpu.memory_space<vmem>>[vector<16xi32>], vector<16xf32>,
        %parallel_loop3A_317 = arith.index_cast %parallel_loop3A_277 : i32 to index
        %parallel_loop3A_318 = arith.constant 96 : index
        %parallel_loop3A_319 = tpu.vector_load %arg7[%parallel_loop3A_317, %parallel_loop3A_318] {strides = array<i32>} : memref<248x128xf32, #tpu.memory_space<vmem>>, vector<16xf32>,
        tpu.vector_store %arg7[%parallel_loop3A_317, %parallel_loop3A_318], %parallel_loop3A_316 {add = true, strides = array<i32>} : memref<248x128xf32, #tpu.memory_space<vmem>>, vector<16xf32>,
        %parallel_loop3A_320 = arith.addi %parallel_loop3A_284, %add3A_31 : vector<16xi32>
        %parallel_loop3A_321 = tpu.vector_load_idx %arg6[%parallel_loop3A_320] : memref<6400xf32, #tpu.memory_space<vmem>>[vector<16xi32>], vector<16xf32>,
        %parallel_loop3A_322 = arith.index_cast %parallel_loop3A_277 : i32 to index
        %parallel_loop3A_323 = arith.constant 112 : index
        %parallel_loop3A_324 = tpu.vector_load %arg7[%parallel_loop3A_322, %parallel_loop3A_323] {strides = array<i32>} : memref<248x128xf32, #tpu.memory_space<vmem>>, vector<16xf32>,
        tpu.vector_store %arg7[%parallel_loop3A_322, %parallel_loop3A_323], %parallel_loop3A_321 {add = true, strides = array<i32>} : memref<248x128xf32, #tpu.memory_space<vmem>>, vector<16xf32>,
      } {sc.loop_unroll_factor = 2 : i64, sc.parallel_access}
      %mul3A_114 = arith.constant 32 : i32
      %mul3A_115 = arith.muli %mul3A_93, %mul3A_114 : i32
      %add3A_116 = arith.addi %mul3A_115, %add3A : i32
      %dma_start3A_117 = arith.constant 0 : i32
      %dma_start3A_118 = arith.constant 0 : i32
      %dma_start3A_119 = tpu.memref_slice %arg5[%add3A_116, %dma_start3A_117, %dma_start3A_118] : memref<400x500x128xf32, #tpu.memory_space<hbm>> -> memref<1x248x128xf32, #tpu.memory_space<hbm>>
      %dma_start3A_120 = tpu.memref_squeeze %dma_start3A_119 : memref<1x248x128xf32, #tpu.memory_space<hbm>> -> memref<248x128xf32, #tpu.memory_space<hbm>>
      %dma_start3A_121 = arith.constant 0 : i32
      %dma_start3A_122 = arith.constant 0 : i32
      %dma_start3A_123 = tpu.memref_slice %arg5[%add3A_116, %dma_start3A_121, %dma_start3A_122] : memref<400x500x128xf32, #tpu.memory_space<hbm>> -> memref<1x248x128xf32, #tpu.memory_space<hbm>>
      %dma_start3A_124 = tpu.memref_squeeze %dma_start3A_123 : memref<1x248x128xf32, #tpu.memory_space<hbm>> -> memref<248x128xf32, #tpu.memory_space<hbm>>
      tpu.enqueue_dma source(%arg7 : memref<248x128xf32, #tpu.memory_space<vmem>>) target(%dma_start3A_124 : memref<248x128xf32, #tpu.memory_space<hbm>>) target_semaphore(%arg16 : memref<!tpu.dma_semaphore, #tpu.memory_space<semaphore_mem>>)
      %dma_wait3A_125 = arith.constant 0 : i32
      %dma_wait3A_126 = arith.constant 248 : i32
      %dma_wait3A_127 = arith.constant 0 : i32
      %dma_wait3A_128 = tpu.memref_slice %arg2[%dma_wait3A_125, %dma_wait3A_126, %dma_wait3A_127] : memref<400x500x128xf32, #tpu.memory_space<hbm>> -> memref<1x252x128xf32, #tpu.memory_space<hbm>>
      %dma_wait3A_129 = tpu.memref_squeeze %dma_wait3A_128 : memref<1x252x128xf32, #tpu.memory_space<hbm>> -> memref<252x128xf32, #tpu.memory_space<hbm>>
      %dma_wait3A_130 = arith.constant 248 : i32
      %dma_wait3A_131 = arith.constant 0 : i32
      %dma_wait3A_132 = tpu.memref_slice %arg2[%dma_wait3A_125, %dma_wait3A_130, %dma_wait3A_131] : memref<400x500x128xf32, #tpu.memory_space<hbm>> -> memref<1x252x128xf32, #tpu.memory_space<hbm>>
      %dma_wait3A_133 = tpu.memref_squeeze %dma_wait3A_132 : memref<1x252x128xf32, #tpu.memory_space<hbm>> -> memref<252x128xf32, #tpu.memory_space<hbm>>
      tpu.wait_dma2 semaphore(%arg13 : memref<!tpu.dma_semaphore, #tpu.memory_space<semaphore_mem>>) src(%dma_wait3A_133 : memref<252x128xf32, #tpu.memory_space<hbm>>) dst(%arg8 : memref<252x128xf32, #tpu.memory_space<vmem>>)
      %parallel_loop3A_134 = arith.constant 0 : i32
      %parallel_loop3A_135 = arith.constant 252 : i32
      %parallel_loop3A_136 = arith.constant 1 : i32
      scf.for %parallel_loop3A_277 = %parallel_loop3A_134 to %parallel_loop3A_135 step %parallel_loop3A_136  : i32 {
        %parallel_loop3A_278 = arith.constant 248 : i32
        %parallel_loop3A_279 = arith.addi %parallel_loop3A_277, %parallel_loop3A_278 : i32
        %parallel_loop3A_280 = vector.broadcast %parallel_loop3A_279 : i32 to vector<16xi32>
        %parallel_loop3A_281 = tpu.vector_load_idx %arg9[%parallel_loop3A_280] : memref<500xi32, #tpu.memory_space<vmem>>[vector<16xi32>], vector<16xi32>,
        %parallel_loop3A_282 = arith.constant 128 : i32
        %parallel_loop3A_283 = vector.broadcast %parallel_loop3A_282 : i32 to vector<16xi32>
        %parallel_loop3A_284 = arith.muli %parallel_loop3A_281, %parallel_loop3A_283 : vector<16xi32>
        %parallel_loop3A_285 = arith.addi %parallel_loop3A_284, %add3A_3 : vector<16xi32>
        %parallel_loop3A_286 = tpu.vector_load_idx %arg6[%parallel_loop3A_285] : memref<6400xf32, #tpu.memory_space<vmem>>[vector<16xi32>], vector<16xf32>,
        %parallel_loop3A_287 = arith.index_cast %parallel_loop3A_277 : i32 to index
        %parallel_loop3A_288 = arith.constant 0 : index
        %parallel_loop3A_289 = tpu.vector_load %arg8[%parallel_loop3A_287, %parallel_loop3A_288] {strides = array<i32>} : memref<252x128xf32, #tpu.memory_space<vmem>>, vector<16xf32>,
        tpu.vector_store %arg8[%parallel_loop3A_287, %parallel_loop3A_288], %parallel_loop3A_286 {add = true, strides = array<i32>} : memref<252x128xf32, #tpu.memory_space<vmem>>, vector<16xf32>,
        %parallel_loop3A_290 = arith.addi %parallel_loop3A_284, %add3A_7 : vector<16xi32>
        %parallel_loop3A_291 = tpu.vector_load_idx %arg6[%parallel_loop3A_290] : memref<6400xf32, #tpu.memory_space<vmem>>[vector<16xi32>], vector<16xf32>,
        %parallel_loop3A_292 = arith.index_cast %parallel_loop3A_277 : i32 to index
        %parallel_loop3A_293 = arith.constant 16 : index
        %parallel_loop3A_294 = tpu.vector_load %arg8[%parallel_loop3A_292, %parallel_loop3A_293] {strides = array<i32>} : memref<252x128xf32, #tpu.memory_space<vmem>>, vector<16xf32>,
        tpu.vector_store %arg8[%parallel_loop3A_292, %parallel_loop3A_293], %parallel_loop3A_291 {add = true, strides = array<i32>} : memref<252x128xf32, #tpu.memory_space<vmem>>, vector<16xf32>,
        %parallel_loop3A_295 = arith.addi %parallel_loop3A_284, %add3A_11 : vector<16xi32>
        %parallel_loop3A_296 = tpu.vector_load_idx %arg6[%parallel_loop3A_295] : memref<6400xf32, #tpu.memory_space<vmem>>[vector<16xi32>], vector<16xf32>,
        %parallel_loop3A_297 = arith.index_cast %parallel_loop3A_277 : i32 to index
        %parallel_loop3A_298 = arith.constant 32 : index
        %parallel_loop3A_299 = tpu.vector_load %arg8[%parallel_loop3A_297, %parallel_loop3A_298] {strides = array<i32>} : memref<252x128xf32, #tpu.memory_space<vmem>>, vector<16xf32>,
        tpu.vector_store %arg8[%parallel_loop3A_297, %parallel_loop3A_298], %parallel_loop3A_296 {add = true, strides = array<i32>} : memref<252x128xf32, #tpu.memory_space<vmem>>, vector<16xf32>,
        %parallel_loop3A_300 = arith.addi %parallel_loop3A_284, %add3A_15 : vector<16xi32>
        %parallel_loop3A_301 = tpu.vector_load_idx %arg6[%parallel_loop3A_300] : memref<6400xf32, #tpu.memory_space<vmem>>[vector<16xi32>], vector<16xf32>,
        %parallel_loop3A_302 = arith.index_cast %parallel_loop3A_277 : i32 to index
        %parallel_loop3A_303 = arith.constant 48 : index
        %parallel_loop3A_304 = tpu.vector_load %arg8[%parallel_loop3A_302, %parallel_loop3A_303] {strides = array<i32>} : memref<252x128xf32, #tpu.memory_space<vmem>>, vector<16xf32>,
        tpu.vector_store %arg8[%parallel_loop3A_302, %parallel_loop3A_303], %parallel_loop3A_301 {add = true, strides = array<i32>} : memref<252x128xf32, #tpu.memory_space<vmem>>, vector<16xf32>,
        %parallel_loop3A_305 = arith.addi %parallel_loop3A_284, %add3A_19 : vector<16xi32>
        %parallel_loop3A_306 = tpu.vector_load_idx %arg6[%parallel_loop3A_305] : memref<6400xf32, #tpu.memory_space<vmem>>[vector<16xi32>], vector<16xf32>,
        %parallel_loop3A_307 = arith.index_cast %parallel_loop3A_277 : i32 to index
        %parallel_loop3A_308 = arith.constant 64 : index
        %parallel_loop3A_309 = tpu.vector_load %arg8[%parallel_loop3A_307, %parallel_loop3A_308] {strides = array<i32>} : memref<252x128xf32, #tpu.memory_space<vmem>>, vector<16xf32>,
        tpu.vector_store %arg8[%parallel_loop3A_307, %parallel_loop3A_308], %parallel_loop3A_306 {add = true, strides = array<i32>} : memref<252x128xf32, #tpu.memory_space<vmem>>, vector<16xf32>,
        %parallel_loop3A_310 = arith.addi %parallel_loop3A_284, %add3A_23 : vector<16xi32>
        %parallel_loop3A_311 = tpu.vector_load_idx %arg6[%parallel_loop3A_310] : memref<6400xf32, #tpu.memory_space<vmem>>[vector<16xi32>], vector<16xf32>,
        %parallel_loop3A_312 = arith.index_cast %parallel_loop3A_277 : i32 to index
        %parallel_loop3A_313 = arith.constant 80 : index
        %parallel_loop3A_314 = tpu.vector_load %arg8[%parallel_loop3A_312, %parallel_loop3A_313] {strides = array<i32>} : memref<252x128xf32, #tpu.memory_space<vmem>>, vector<16xf32>,
        tpu.vector_store %arg8[%parallel_loop3A_312, %parallel_loop3A_313], %parallel_loop3A_311 {add = true, strides = array<i32>} : memref<252x128xf32, #tpu.memory_space<vmem>>, vector<16xf32>,
        %parallel_loop3A_315 = arith.addi %parallel_loop3A_284, %add3A_27 : vector<16xi32>
        %parallel_loop3A_316 = tpu.vector_load_idx %arg6[%parallel_loop3A_315] : memref<6400xf32, #tpu.memory_space<vmem>>[vector<16xi32>], vector<16xf32>,
        %parallel_loop3A_317 = arith.index_cast %parallel_loop3A_277 : i32 to index
        %parallel_loop3A_318 = arith.constant 96 : index
        %parallel_loop3A_319 = tpu.vector_load %arg8[%parallel_loop3A_317, %parallel_loop3A_318] {strides = array<i32>} : memref<252x128xf32, #tpu.memory_space<vmem>>, vector<16xf32>,
        tpu.vector_store %arg8[%parallel_loop3A_317, %parallel_loop3A_318], %parallel_loop3A_316 {add = true, strides = array<i32>} : memref<252x128xf32, #tpu.memory_space<vmem>>, vector<16xf32>,
        %parallel_loop3A_320 = arith.addi %parallel_loop3A_284, %add3A_31 : vector<16xi32>
        %parallel_loop3A_321 = tpu.vector_load_idx %arg6[%parallel_loop3A_320] : memref<6400xf32, #tpu.memory_space<vmem>>[vector<16xi32>], vector<16xf32>,
        %parallel_loop3A_322 = arith.index_cast %parallel_loop3A_277 : i32 to index
        %parallel_loop3A_323 = arith.constant 112 : index
        %parallel_loop3A_324 = tpu.vector_load %arg8[%parallel_loop3A_322, %parallel_loop3A_323] {strides = array<i32>} : memref<252x128xf32, #tpu.memory_space<vmem>>, vector<16xf32>,
        tpu.vector_store %arg8[%parallel_loop3A_322, %parallel_loop3A_323], %parallel_loop3A_321 {add = true, strides = array<i32>} : memref<252x128xf32, #tpu.memory_space<vmem>>, vector<16xf32>,
      } {sc.loop_unroll_factor = 2 : i64, sc.parallel_access}
      %mul3A_137 = arith.constant 32 : i32
      %mul3A_138 = arith.muli %mul3A_93, %mul3A_137 : i32
      %add3A_139 = arith.addi %mul3A_138, %add3A : i32
      %dma_start3A_140 = arith.constant 248 : i32
      %dma_start3A_141 = arith.constant 0 : i32
      %dma_start3A_142 = tpu.memref_slice %arg5[%add3A_139, %dma_start3A_140, %dma_start3A_141] : memref<400x500x128xf32, #tpu.memory_space<hbm>> -> memref<1x252x128xf32, #tpu.memory_space<hbm>>
      %dma_start3A_143 = tpu.memref_squeeze %dma_start3A_142 : memref<1x252x128xf32, #tpu.memory_space<hbm>> -> memref<252x128xf32, #tpu.memory_space<hbm>>
      %dma_start3A_144 = arith.constant 248 : i32
      %dma_start3A_145 = arith.constant 0 : i32
      %dma_start3A_146 = tpu.memref_slice %arg5[%add3A_139, %dma_start3A_144, %dma_start3A_145] : memref<400x500x128xf32, #tpu.memory_space<hbm>> -> memref<1x252x128xf32, #tpu.memory_space<hbm>>
      %dma_start3A_147 = tpu.memref_squeeze %dma_start3A_146 : memref<1x252x128xf32, #tpu.memory_space<hbm>> -> memref<252x128xf32, #tpu.memory_space<hbm>>
      tpu.enqueue_dma source(%arg8 : memref<252x128xf32, #tpu.memory_space<vmem>>) target(%dma_start3A_147 : memref<252x128xf32, #tpu.memory_space<hbm>>) target_semaphore(%arg17 : memref<!tpu.dma_semaphore, #tpu.memory_space<semaphore_mem>>)
      %add3A_148 = arith.constant 2 : i32
      %add3A_149 = arith.addi %mul3A_93, %add3A_148 : i32
      %lt3A_150 = arith.constant 12 : i32
      %lt3A_151 = arith.cmpi slt, %add3A_149, %lt3A_150 : i32
      %eq3A = arith.constant 12 : i32
      %eq3A_152 = arith.cmpi eq, %add3A_149, %eq3A : i32
      %lt3A_153 = arith.constant 16 : i32
      %lt3A_154 = arith.cmpi slt, %add3A, %lt3A_153 : i32
      %and3A = arith.andi %eq3A_152, %lt3A_154 : i1
      %or3A = arith.ori %lt3A_151, %and3A : i1
      %convert_element_type3A_155 = arith.extui %or3A : i1 to i32
      %cond3A_156 = arith.constant 0 : i32
      %cond3A_157 = arith.cmpi ne, %convert_element_type3A_155, %cond3A_156 : i32
      scf.if %cond3A_157 {
        %add3A_277 = arith.constant 2 : i32
        %add3A_278 = arith.addi %mul3A_93, %add3A_277 : i32
        %mul3A_279 = arith.constant 32 : i32
        %mul3A_280 = arith.muli %add3A_278, %mul3A_279 : i32
        %add3A_281 = arith.addi %mul3A_280, %add3A : i32
        %dma_start3A_282 = arith.constant 0 : i32
        %dma_start3A_283 = tpu.memref_slice %arg4[%add3A_281, %dma_start3A_282] : memref<400x500xi32, #tpu.memory_space<hbm>> -> memref<1x500xi32, #tpu.memory_space<hbm>>
        %dma_start3A_284 = tpu.memref_squeeze %dma_start3A_283 : memref<1x500xi32, #tpu.memory_space<hbm>> -> memref<500xi32, #tpu.memory_space<hbm>>
        %dma_start3A_285 = arith.constant 0 : i32
        %dma_start3A_286 = tpu.memref_slice %arg4[%add3A_281, %dma_start3A_285] : memref<400x500xi32, #tpu.memory_space<hbm>> -> memref<1x500xi32, #tpu.memory_space<hbm>>
        %dma_start3A_287 = tpu.memref_squeeze %dma_start3A_286 : memref<1x500xi32, #tpu.memory_space<hbm>> -> memref<500xi32, #tpu.memory_space<hbm>>
        tpu.enqueue_dma source(%dma_start3A_287 : memref<500xi32, #tpu.memory_space<hbm>>) target(%arg9 : memref<500xi32, #tpu.memory_space<vmem>>) target_semaphore(%arg14 : memref<!tpu.dma_semaphore, #tpu.memory_space<semaphore_mem>>)
      } else {
      }
      %dma_wait3A_158 = arith.constant 0 : i32
      %dma_wait3A_159 = arith.constant 0 : i32
      %dma_wait3A_160 = arith.constant 0 : i32
      %dma_wait3A_161 = tpu.memref_slice %arg5[%dma_wait3A_158, %dma_wait3A_159, %dma_wait3A_160] : memref<400x500x128xf32, #tpu.memory_space<hbm>> -> memref<1x248x128xf32, #tpu.memory_space<hbm>>
      %dma_wait3A_162 = tpu.memref_squeeze %dma_wait3A_161 : memref<1x248x128xf32, #tpu.memory_space<hbm>> -> memref<248x128xf32, #tpu.memory_space<hbm>>
      %dma_wait3A_163 = arith.constant 0 : i32
      %dma_wait3A_164 = arith.constant 0 : i32
      %dma_wait3A_165 = tpu.memref_slice %arg5[%dma_wait3A_158, %dma_wait3A_163, %dma_wait3A_164] : memref<400x500x128xf32, #tpu.memory_space<hbm>> -> memref<1x248x128xf32, #tpu.memory_space<hbm>>
      %dma_wait3A_166 = tpu.memref_squeeze %dma_wait3A_165 : memref<1x248x128xf32, #tpu.memory_space<hbm>> -> memref<248x128xf32, #tpu.memory_space<hbm>>
      tpu.wait_dma2 semaphore(%arg16 : memref<!tpu.dma_semaphore, #tpu.memory_space<semaphore_mem>>) src(%arg7 : memref<248x128xf32, #tpu.memory_space<vmem>>) dst(%dma_wait3A_166 : memref<248x128xf32, #tpu.memory_space<hbm>>)
      %mul3A_167 = arith.constant 32 : i32
      %mul3A_168 = arith.muli %add3A_95, %mul3A_167 : i32
      %add3A_169 = arith.addi %mul3A_168, %add3A : i32
      %dma_start3A_170 = arith.constant 0 : i32
      %dma_start3A_171 = arith.constant 0 : i32
      %dma_start3A_172 = tpu.memref_slice %arg2[%add3A_169, %dma_start3A_170, %dma_start3A_171] : memref<400x500x128xf32, #tpu.memory_space<hbm>> -> memref<1x248x128xf32, #tpu.memory_space<hbm>>
      %dma_start3A_173 = tpu.memref_squeeze %dma_start3A_172 : memref<1x248x128xf32, #tpu.memory_space<hbm>> -> memref<248x128xf32, #tpu.memory_space<hbm>>
      %dma_start3A_174 = arith.constant 0 : i32
      %dma_start3A_175 = arith.constant 0 : i32
      %dma_start3A_176 = tpu.memref_slice %arg2[%add3A_169, %dma_start3A_174, %dma_start3A_175] : memref<400x500x128xf32, #tpu.memory_space<hbm>> -> memref<1x248x128xf32, #tpu.memory_space<hbm>>
      %dma_start3A_177 = tpu.memref_squeeze %dma_start3A_176 : memref<1x248x128xf32, #tpu.memory_space<hbm>> -> memref<248x128xf32, #tpu.memory_space<hbm>>
      tpu.enqueue_dma source(%dma_start3A_177 : memref<248x128xf32, #tpu.memory_space<hbm>>) target(%arg7 : memref<248x128xf32, #tpu.memory_space<vmem>>) target_semaphore(%arg12 : memref<!tpu.dma_semaphore, #tpu.memory_space<semaphore_mem>>)
      %dma_wait3A_178 = arith.constant 0 : i32
      %dma_wait3A_179 = arith.constant 0 : i32
      %dma_wait3A_180 = tpu.memref_slice %arg4[%dma_wait3A_178, %dma_wait3A_179] : memref<400x500xi32, #tpu.memory_space<hbm>> -> memref<1x500xi32, #tpu.memory_space<hbm>>
      %dma_wait3A_181 = tpu.memref_squeeze %dma_wait3A_180 : memref<1x500xi32, #tpu.memory_space<hbm>> -> memref<500xi32, #tpu.memory_space<hbm>>
      %dma_wait3A_182 = arith.constant 0 : i32
      %dma_wait3A_183 = tpu.memref_slice %arg4[%dma_wait3A_178, %dma_wait3A_182] : memref<400x500xi32, #tpu.memory_space<hbm>> -> memref<1x500xi32, #tpu.memory_space<hbm>>
      %dma_wait3A_184 = tpu.memref_squeeze %dma_wait3A_183 : memref<1x500xi32, #tpu.memory_space<hbm>> -> memref<500xi32, #tpu.memory_space<hbm>>
      tpu.wait_dma2 semaphore(%arg15 : memref<!tpu.dma_semaphore, #tpu.memory_space<semaphore_mem>>) src(%dma_wait3A_184 : memref<500xi32, #tpu.memory_space<hbm>>) dst(%arg10 : memref<500xi32, #tpu.memory_space<vmem>>)
      %dma_wait3A_185 = arith.constant 0 : i32
      %dma_wait3A_186 = arith.constant 0 : i32
      %dma_wait3A_187 = arith.constant 0 : i32
      %dma_wait3A_188 = tpu.memref_slice %arg2[%dma_wait3A_185, %dma_wait3A_186, %dma_wait3A_187] : memref<400x500x128xf32, #tpu.memory_space<hbm>> -> memref<1x248x128xf32, #tpu.memory_space<hbm>>
      %dma_wait3A_189 = tpu.memref_squeeze %dma_wait3A_188 : memref<1x248x128xf32, #tpu.memory_space<hbm>> -> memref<248x128xf32, #tpu.memory_space<hbm>>
      %dma_wait3A_190 = arith.constant 0 : i32
      %dma_wait3A_191 = arith.constant 0 : i32
      %dma_wait3A_192 = tpu.memref_slice %arg2[%dma_wait3A_185, %dma_wait3A_190, %dma_wait3A_191] : memref<400x500x128xf32, #tpu.memory_space<hbm>> -> memref<1x248x128xf32, #tpu.memory_space<hbm>>
      %dma_wait3A_193 = tpu.memref_squeeze %dma_wait3A_192 : memref<1x248x128xf32, #tpu.memory_space<hbm>> -> memref<248x128xf32, #tpu.memory_space<hbm>>
      tpu.wait_dma2 semaphore(%arg12 : memref<!tpu.dma_semaphore, #tpu.memory_space<semaphore_mem>>) src(%dma_wait3A_193 : memref<248x128xf32, #tpu.memory_space<hbm>>) dst(%arg7 : memref<248x128xf32, #tpu.memory_space<vmem>>)
      %parallel_loop3A_194 = arith.constant 0 : i32
      %parallel_loop3A_195 = arith.constant 248 : i32
      %parallel_loop3A_196 = arith.constant 1 : i32
      scf.for %parallel_loop3A_277 = %parallel_loop3A_194 to %parallel_loop3A_195 step %parallel_loop3A_196  : i32 {
        %parallel_loop3A_278 = arith.constant 0 : i32
        %parallel_loop3A_279 = arith.addi %parallel_loop3A_277, %parallel_loop3A_278 : i32
        %parallel_loop3A_280 = vector.broadcast %parallel_loop3A_279 : i32 to vector<16xi32>
        %parallel_loop3A_281 = tpu.vector_load_idx %arg10[%parallel_loop3A_280] : memref<500xi32, #tpu.memory_space<vmem>>[vector<16xi32>], vector<16xi32>,
        %parallel_loop3A_282 = arith.constant 128 : i32
        %parallel_loop3A_283 = vector.broadcast %parallel_loop3A_282 : i32 to vector<16xi32>
        %parallel_loop3A_284 = arith.muli %parallel_loop3A_281, %parallel_loop3A_283 : vector<16xi32>
        %parallel_loop3A_285 = arith.addi %parallel_loop3A_284, %add3A_3 : vector<16xi32>
        %parallel_loop3A_286 = tpu.vector_load_idx %arg6[%parallel_loop3A_285] : memref<6400xf32, #tpu.memory_space<vmem>>[vector<16xi32>], vector<16xf32>,
        %parallel_loop3A_287 = arith.index_cast %parallel_loop3A_277 : i32 to index
        %parallel_loop3A_288 = arith.constant 0 : index
        %parallel_loop3A_289 = tpu.vector_load %arg7[%parallel_loop3A_287, %parallel_loop3A_288] {strides = array<i32>} : memref<248x128xf32, #tpu.memory_space<vmem>>, vector<16xf32>,
        tpu.vector_store %arg7[%parallel_loop3A_287, %parallel_loop3A_288], %parallel_loop3A_286 {add = true, strides = array<i32>} : memref<248x128xf32, #tpu.memory_space<vmem>>, vector<16xf32>,
        %parallel_loop3A_290 = arith.addi %parallel_loop3A_284, %add3A_7 : vector<16xi32>
        %parallel_loop3A_291 = tpu.vector_load_idx %arg6[%parallel_loop3A_290] : memref<6400xf32, #tpu.memory_space<vmem>>[vector<16xi32>], vector<16xf32>,
        %parallel_loop3A_292 = arith.index_cast %parallel_loop3A_277 : i32 to index
        %parallel_loop3A_293 = arith.constant 16 : index
        %parallel_loop3A_294 = tpu.vector_load %arg7[%parallel_loop3A_292, %parallel_loop3A_293] {strides = array<i32>} : memref<248x128xf32, #tpu.memory_space<vmem>>, vector<16xf32>,
        tpu.vector_store %arg7[%parallel_loop3A_292, %parallel_loop3A_293], %parallel_loop3A_291 {add = true, strides = array<i32>} : memref<248x128xf32, #tpu.memory_space<vmem>>, vector<16xf32>,
        %parallel_loop3A_295 = arith.addi %parallel_loop3A_284, %add3A_11 : vector<16xi32>
        %parallel_loop3A_296 = tpu.vector_load_idx %arg6[%parallel_loop3A_295] : memref<6400xf32, #tpu.memory_space<vmem>>[vector<16xi32>], vector<16xf32>,
        %parallel_loop3A_297 = arith.index_cast %parallel_loop3A_277 : i32 to index
        %parallel_loop3A_298 = arith.constant 32 : index
        %parallel_loop3A_299 = tpu.vector_load %arg7[%parallel_loop3A_297, %parallel_loop3A_298] {strides = array<i32>} : memref<248x128xf32, #tpu.memory_space<vmem>>, vector<16xf32>,
        tpu.vector_store %arg7[%parallel_loop3A_297, %parallel_loop3A_298], %parallel_loop3A_296 {add = true, strides = array<i32>} : memref<248x128xf32, #tpu.memory_space<vmem>>, vector<16xf32>,
        %parallel_loop3A_300 = arith.addi %parallel_loop3A_284, %add3A_15 : vector<16xi32>
        %parallel_loop3A_301 = tpu.vector_load_idx %arg6[%parallel_loop3A_300] : memref<6400xf32, #tpu.memory_space<vmem>>[vector<16xi32>], vector<16xf32>,
        %parallel_loop3A_302 = arith.index_cast %parallel_loop3A_277 : i32 to index
        %parallel_loop3A_303 = arith.constant 48 : index
        %parallel_loop3A_304 = tpu.vector_load %arg7[%parallel_loop3A_302, %parallel_loop3A_303] {strides = array<i32>} : memref<248x128xf32, #tpu.memory_space<vmem>>, vector<16xf32>,
        tpu.vector_store %arg7[%parallel_loop3A_302, %parallel_loop3A_303], %parallel_loop3A_301 {add = true, strides = array<i32>} : memref<248x128xf32, #tpu.memory_space<vmem>>, vector<16xf32>,
        %parallel_loop3A_305 = arith.addi %parallel_loop3A_284, %add3A_19 : vector<16xi32>
        %parallel_loop3A_306 = tpu.vector_load_idx %arg6[%parallel_loop3A_305] : memref<6400xf32, #tpu.memory_space<vmem>>[vector<16xi32>], vector<16xf32>,
        %parallel_loop3A_307 = arith.index_cast %parallel_loop3A_277 : i32 to index
        %parallel_loop3A_308 = arith.constant 64 : index
        %parallel_loop3A_309 = tpu.vector_load %arg7[%parallel_loop3A_307, %parallel_loop3A_308] {strides = array<i32>} : memref<248x128xf32, #tpu.memory_space<vmem>>, vector<16xf32>,
        tpu.vector_store %arg7[%parallel_loop3A_307, %parallel_loop3A_308], %parallel_loop3A_306 {add = true, strides = array<i32>} : memref<248x128xf32, #tpu.memory_space<vmem>>, vector<16xf32>,
        %parallel_loop3A_310 = arith.addi %parallel_loop3A_284, %add3A_23 : vector<16xi32>
        %parallel_loop3A_311 = tpu.vector_load_idx %arg6[%parallel_loop3A_310] : memref<6400xf32, #tpu.memory_space<vmem>>[vector<16xi32>], vector<16xf32>,
        %parallel_loop3A_312 = arith.index_cast %parallel_loop3A_277 : i32 to index
        %parallel_loop3A_313 = arith.constant 80 : index
        %parallel_loop3A_314 = tpu.vector_load %arg7[%parallel_loop3A_312, %parallel_loop3A_313] {strides = array<i32>} : memref<248x128xf32, #tpu.memory_space<vmem>>, vector<16xf32>,
        tpu.vector_store %arg7[%parallel_loop3A_312, %parallel_loop3A_313], %parallel_loop3A_311 {add = true, strides = array<i32>} : memref<248x128xf32, #tpu.memory_space<vmem>>, vector<16xf32>,
        %parallel_loop3A_315 = arith.addi %parallel_loop3A_284, %add3A_27 : vector<16xi32>
        %parallel_loop3A_316 = tpu.vector_load_idx %arg6[%parallel_loop3A_315] : memref<6400xf32, #tpu.memory_space<vmem>>[vector<16xi32>], vector<16xf32>,
        %parallel_loop3A_317 = arith.index_cast %parallel_loop3A_277 : i32 to index
        %parallel_loop3A_318 = arith.constant 96 : index
        %parallel_loop3A_319 = tpu.vector_load %arg7[%parallel_loop3A_317, %parallel_loop3A_318] {strides = array<i32>} : memref<248x128xf32, #tpu.memory_space<vmem>>, vector<16xf32>,
        tpu.vector_store %arg7[%parallel_loop3A_317, %parallel_loop3A_318], %parallel_loop3A_316 {add = true, strides = array<i32>} : memref<248x128xf32, #tpu.memory_space<vmem>>, vector<16xf32>,
        %parallel_loop3A_320 = arith.addi %parallel_loop3A_284, %add3A_31 : vector<16xi32>
        %parallel_loop3A_321 = tpu.vector_load_idx %arg6[%parallel_loop3A_320] : memref<6400xf32, #tpu.memory_space<vmem>>[vector<16xi32>], vector<16xf32>,
        %parallel_loop3A_322 = arith.index_cast %parallel_loop3A_277 : i32 to index
        %parallel_loop3A_323 = arith.constant 112 : index
        %parallel_loop3A_324 = tpu.vector_load %arg7[%parallel_loop3A_322, %parallel_loop3A_323] {strides = array<i32>} : memref<248x128xf32, #tpu.memory_space<vmem>>, vector<16xf32>,
        tpu.vector_store %arg7[%parallel_loop3A_322, %parallel_loop3A_323], %parallel_loop3A_321 {add = true, strides = array<i32>} : memref<248x128xf32, #tpu.memory_space<vmem>>, vector<16xf32>,
      } {sc.loop_unroll_factor = 2 : i64, sc.parallel_access}
      %mul3A_197 = arith.constant 32 : i32
      %mul3A_198 = arith.muli %add3A_95, %mul3A_197 : i32
      %add3A_199 = arith.addi %mul3A_198, %add3A : i32
      %dma_start3A_200 = arith.constant 0 : i32
      %dma_start3A_201 = arith.constant 0 : i32
      %dma_start3A_202 = tpu.memref_slice %arg5[%add3A_199, %dma_start3A_200, %dma_start3A_201] : memref<400x500x128xf32, #tpu.memory_space<hbm>> -> memref<1x248x128xf32, #tpu.memory_space<hbm>>
      %dma_start3A_203 = tpu.memref_squeeze %dma_start3A_202 : memref<1x248x128xf32, #tpu.memory_space<hbm>> -> memref<248x128xf32, #tpu.memory_space<hbm>>
      %dma_start3A_204 = arith.constant 0 : i32
      %dma_start3A_205 = arith.constant 0 : i32
      %dma_start3A_206 = tpu.memref_slice %arg5[%add3A_199, %dma_start3A_204, %dma_start3A_205] : memref<400x500x128xf32, #tpu.memory_space<hbm>> -> memref<1x248x128xf32, #tpu.memory_space<hbm>>
      %dma_start3A_207 = tpu.memref_squeeze %dma_start3A_206 : memref<1x248x128xf32, #tpu.memory_space<hbm>> -> memref<248x128xf32, #tpu.memory_space<hbm>>
      tpu.enqueue_dma source(%arg7 : memref<248x128xf32, #tpu.memory_space<vmem>>) target(%dma_start3A_207 : memref<248x128xf32, #tpu.memory_space<hbm>>) target_semaphore(%arg16 : memref<!tpu.dma_semaphore, #tpu.memory_space<semaphore_mem>>)
      %dma_wait3A_208 = arith.constant 0 : i32
      %dma_wait3A_209 = arith.constant 248 : i32
      %dma_wait3A_210 = arith.constant 0 : i32
      %dma_wait3A_211 = tpu.memref_slice %arg5[%dma_wait3A_208, %dma_wait3A_209, %dma_wait3A_210] : memref<400x500x128xf32, #tpu.memory_space<hbm>> -> memref<1x252x128xf32, #tpu.memory_space<hbm>>
      %dma_wait3A_212 = tpu.memref_squeeze %dma_wait3A_211 : memref<1x252x128xf32, #tpu.memory_space<hbm>> -> memref<252x128xf32, #tpu.memory_space<hbm>>
      %dma_wait3A_213 = arith.constant 248 : i32
      %dma_wait3A_214 = arith.constant 0 : i32
      %dma_wait3A_215 = tpu.memref_slice %arg5[%dma_wait3A_208, %dma_wait3A_213, %dma_wait3A_214] : memref<400x500x128xf32, #tpu.memory_space<hbm>> -> memref<1x252x128xf32, #tpu.memory_space<hbm>>
      %dma_wait3A_216 = tpu.memref_squeeze %dma_wait3A_215 : memref<1x252x128xf32, #tpu.memory_space<hbm>> -> memref<252x128xf32, #tpu.memory_space<hbm>>
      tpu.wait_dma2 semaphore(%arg17 : memref<!tpu.dma_semaphore, #tpu.memory_space<semaphore_mem>>) src(%arg8 : memref<252x128xf32, #tpu.memory_space<vmem>>) dst(%dma_wait3A_216 : memref<252x128xf32, #tpu.memory_space<hbm>>)
      %mul3A_217 = arith.constant 32 : i32
      %mul3A_218 = arith.muli %add3A_95, %mul3A_217 : i32
      %add3A_219 = arith.addi %mul3A_218, %add3A : i32
      %dma_start3A_220 = arith.constant 248 : i32
      %dma_start3A_221 = arith.constant 0 : i32
      %dma_start3A_222 = tpu.memref_slice %arg2[%add3A_219, %dma_start3A_220, %dma_start3A_221] : memref<400x500x128xf32, #tpu.memory_space<hbm>> -> memref<1x252x128xf32, #tpu.memory_space<hbm>>
      %dma_start3A_223 = tpu.memref_squeeze %dma_start3A_222 : memref<1x252x128xf32, #tpu.memory_space<hbm>> -> memref<252x128xf32, #tpu.memory_space<hbm>>
      %dma_start3A_224 = arith.constant 248 : i32
      %dma_start3A_225 = arith.constant 0 : i32
      %dma_start3A_226 = tpu.memref_slice %arg2[%add3A_219, %dma_start3A_224, %dma_start3A_225] : memref<400x500x128xf32, #tpu.memory_space<hbm>> -> memref<1x252x128xf32, #tpu.memory_space<hbm>>
      %dma_start3A_227 = tpu.memref_squeeze %dma_start3A_226 : memref<1x252x128xf32, #tpu.memory_space<hbm>> -> memref<252x128xf32, #tpu.memory_space<hbm>>
      tpu.enqueue_dma source(%dma_start3A_227 : memref<252x128xf32, #tpu.memory_space<hbm>>) target(%arg8 : memref<252x128xf32, #tpu.memory_space<vmem>>) target_semaphore(%arg13 : memref<!tpu.dma_semaphore, #tpu.memory_space<semaphore_mem>>)
      %dma_wait3A_228 = arith.constant 0 : i32
      %dma_wait3A_229 = arith.constant 248 : i32
      %dma_wait3A_230 = arith.constant 0 : i32
      %dma_wait3A_231 = tpu.memref_slice %arg2[%dma_wait3A_228, %dma_wait3A_229, %dma_wait3A_230] : memref<400x500x128xf32, #tpu.memory_space<hbm>> -> memref<1x252x128xf32, #tpu.memory_space<hbm>>
      %dma_wait3A_232 = tpu.memref_squeeze %dma_wait3A_231 : memref<1x252x128xf32, #tpu.memory_space<hbm>> -> memref<252x128xf32, #tpu.memory_space<hbm>>
      %dma_wait3A_233 = arith.constant 248 : i32
      %dma_wait3A_234 = arith.constant 0 : i32
      %dma_wait3A_235 = tpu.memref_slice %arg2[%dma_wait3A_228, %dma_wait3A_233, %dma_wait3A_234] : memref<400x500x128xf32, #tpu.memory_space<hbm>> -> memref<1x252x128xf32, #tpu.memory_space<hbm>>
      %dma_wait3A_236 = tpu.memref_squeeze %dma_wait3A_235 : memref<1x252x128xf32, #tpu.memory_space<hbm>> -> memref<252x128xf32, #tpu.memory_space<hbm>>
      tpu.wait_dma2 semaphore(%arg13 : memref<!tpu.dma_semaphore, #tpu.memory_space<semaphore_mem>>) src(%dma_wait3A_236 : memref<252x128xf32, #tpu.memory_space<hbm>>) dst(%arg8 : memref<252x128xf32, #tpu.memory_space<vmem>>)
      %parallel_loop3A_237 = arith.constant 0 : i32
      %parallel_loop3A_238 = arith.constant 252 : i32
      %parallel_loop3A_239 = arith.constant 1 : i32
      scf.for %parallel_loop3A_277 = %parallel_loop3A_237 to %parallel_loop3A_238 step %parallel_loop3A_239  : i32 {
        %parallel_loop3A_278 = arith.constant 248 : i32
        %parallel_loop3A_279 = arith.addi %parallel_loop3A_277, %parallel_loop3A_278 : i32
        %parallel_loop3A_280 = vector.broadcast %parallel_loop3A_279 : i32 to vector<16xi32>
        %parallel_loop3A_281 = tpu.vector_load_idx %arg10[%parallel_loop3A_280] : memref<500xi32, #tpu.memory_space<vmem>>[vector<16xi32>], vector<16xi32>,
        %parallel_loop3A_282 = arith.constant 128 : i32
        %parallel_loop3A_283 = vector.broadcast %parallel_loop3A_282 : i32 to vector<16xi32>
        %parallel_loop3A_284 = arith.muli %parallel_loop3A_281, %parallel_loop3A_283 : vector<16xi32>
        %parallel_loop3A_285 = arith.addi %parallel_loop3A_284, %add3A_3 : vector<16xi32>
        %parallel_loop3A_286 = tpu.vector_load_idx %arg6[%parallel_loop3A_285] : memref<6400xf32, #tpu.memory_space<vmem>>[vector<16xi32>], vector<16xf32>,
        %parallel_loop3A_287 = arith.index_cast %parallel_loop3A_277 : i32 to index
        %parallel_loop3A_288 = arith.constant 0 : index
        %parallel_loop3A_289 = tpu.vector_load %arg8[%parallel_loop3A_287, %parallel_loop3A_288] {strides = array<i32>} : memref<252x128xf32, #tpu.memory_space<vmem>>, vector<16xf32>,
        tpu.vector_store %arg8[%parallel_loop3A_287, %parallel_loop3A_288], %parallel_loop3A_286 {add = true, strides = array<i32>} : memref<252x128xf32, #tpu.memory_space<vmem>>, vector<16xf32>,
        %parallel_loop3A_290 = arith.addi %parallel_loop3A_284, %add3A_7 : vector<16xi32>
        %parallel_loop3A_291 = tpu.vector_load_idx %arg6[%parallel_loop3A_290] : memref<6400xf32, #tpu.memory_space<vmem>>[vector<16xi32>], vector<16xf32>,
        %parallel_loop3A_292 = arith.index_cast %parallel_loop3A_277 : i32 to index
        %parallel_loop3A_293 = arith.constant 16 : index
        %parallel_loop3A_294 = tpu.vector_load %arg8[%parallel_loop3A_292, %parallel_loop3A_293] {strides = array<i32>} : memref<252x128xf32, #tpu.memory_space<vmem>>, vector<16xf32>,
        tpu.vector_store %arg8[%parallel_loop3A_292, %parallel_loop3A_293], %parallel_loop3A_291 {add = true, strides = array<i32>} : memref<252x128xf32, #tpu.memory_space<vmem>>, vector<16xf32>,
        %parallel_loop3A_295 = arith.addi %parallel_loop3A_284, %add3A_11 : vector<16xi32>
        %parallel_loop3A_296 = tpu.vector_load_idx %arg6[%parallel_loop3A_295] : memref<6400xf32, #tpu.memory_space<vmem>>[vector<16xi32>], vector<16xf32>,
        %parallel_loop3A_297 = arith.index_cast %parallel_loop3A_277 : i32 to index
        %parallel_loop3A_298 = arith.constant 32 : index
        %parallel_loop3A_299 = tpu.vector_load %arg8[%parallel_loop3A_297, %parallel_loop3A_298] {strides = array<i32>} : memref<252x128xf32, #tpu.memory_space<vmem>>, vector<16xf32>,
        tpu.vector_store %arg8[%parallel_loop3A_297, %parallel_loop3A_298], %parallel_loop3A_296 {add = true, strides = array<i32>} : memref<252x128xf32, #tpu.memory_space<vmem>>, vector<16xf32>,
        %parallel_loop3A_300 = arith.addi %parallel_loop3A_284, %add3A_15 : vector<16xi32>
        %parallel_loop3A_301 = tpu.vector_load_idx %arg6[%parallel_loop3A_300] : memref<6400xf32, #tpu.memory_space<vmem>>[vector<16xi32>], vector<16xf32>,
        %parallel_loop3A_302 = arith.index_cast %parallel_loop3A_277 : i32 to index
        %parallel_loop3A_303 = arith.constant 48 : index
        %parallel_loop3A_304 = tpu.vector_load %arg8[%parallel_loop3A_302, %parallel_loop3A_303] {strides = array<i32>} : memref<252x128xf32, #tpu.memory_space<vmem>>, vector<16xf32>,
        tpu.vector_store %arg8[%parallel_loop3A_302, %parallel_loop3A_303], %parallel_loop3A_301 {add = true, strides = array<i32>} : memref<252x128xf32, #tpu.memory_space<vmem>>, vector<16xf32>,
        %parallel_loop3A_305 = arith.addi %parallel_loop3A_284, %add3A_19 : vector<16xi32>
        %parallel_loop3A_306 = tpu.vector_load_idx %arg6[%parallel_loop3A_305] : memref<6400xf32, #tpu.memory_space<vmem>>[vector<16xi32>], vector<16xf32>,
        %parallel_loop3A_307 = arith.index_cast %parallel_loop3A_277 : i32 to index
        %parallel_loop3A_308 = arith.constant 64 : index
        %parallel_loop3A_309 = tpu.vector_load %arg8[%parallel_loop3A_307, %parallel_loop3A_308] {strides = array<i32>} : memref<252x128xf32, #tpu.memory_space<vmem>>, vector<16xf32>,
        tpu.vector_store %arg8[%parallel_loop3A_307, %parallel_loop3A_308], %parallel_loop3A_306 {add = true, strides = array<i32>} : memref<252x128xf32, #tpu.memory_space<vmem>>, vector<16xf32>,
        %parallel_loop3A_310 = arith.addi %parallel_loop3A_284, %add3A_23 : vector<16xi32>
        %parallel_loop3A_311 = tpu.vector_load_idx %arg6[%parallel_loop3A_310] : memref<6400xf32, #tpu.memory_space<vmem>>[vector<16xi32>], vector<16xf32>,
        %parallel_loop3A_312 = arith.index_cast %parallel_loop3A_277 : i32 to index
        %parallel_loop3A_313 = arith.constant 80 : index
        %parallel_loop3A_314 = tpu.vector_load %arg8[%parallel_loop3A_312, %parallel_loop3A_313] {strides = array<i32>} : memref<252x128xf32, #tpu.memory_space<vmem>>, vector<16xf32>,
        tpu.vector_store %arg8[%parallel_loop3A_312, %parallel_loop3A_313], %parallel_loop3A_311 {add = true, strides = array<i32>} : memref<252x128xf32, #tpu.memory_space<vmem>>, vector<16xf32>,
        %parallel_loop3A_315 = arith.addi %parallel_loop3A_284, %add3A_27 : vector<16xi32>
        %parallel_loop3A_316 = tpu.vector_load_idx %arg6[%parallel_loop3A_315] : memref<6400xf32, #tpu.memory_space<vmem>>[vector<16xi32>], vector<16xf32>,
        %parallel_loop3A_317 = arith.index_cast %parallel_loop3A_277 : i32 to index
        %parallel_loop3A_318 = arith.constant 96 : index
        %parallel_loop3A_319 = tpu.vector_load %arg8[%parallel_loop3A_317, %parallel_loop3A_318] {strides = array<i32>} : memref<252x128xf32, #tpu.memory_space<vmem>>, vector<16xf32>,
        tpu.vector_store %arg8[%parallel_loop3A_317, %parallel_loop3A_318], %parallel_loop3A_316 {add = true, strides = array<i32>} : memref<252x128xf32, #tpu.memory_space<vmem>>, vector<16xf32>,
        %parallel_loop3A_320 = arith.addi %parallel_loop3A_284, %add3A_31 : vector<16xi32>
        %parallel_loop3A_321 = tpu.vector_load_idx %arg6[%parallel_loop3A_320] : memref<6400xf32, #tpu.memory_space<vmem>>[vector<16xi32>], vector<16xf32>,
        %parallel_loop3A_322 = arith.index_cast %parallel_loop3A_277 : i32 to index
        %parallel_loop3A_323 = arith.constant 112 : index
        %parallel_loop3A_324 = tpu.vector_load %arg8[%parallel_loop3A_322, %parallel_loop3A_323] {strides = array<i32>} : memref<252x128xf32, #tpu.memory_space<vmem>>, vector<16xf32>,
        tpu.vector_store %arg8[%parallel_loop3A_322, %parallel_loop3A_323], %parallel_loop3A_321 {add = true, strides = array<i32>} : memref<252x128xf32, #tpu.memory_space<vmem>>, vector<16xf32>,
      } {sc.loop_unroll_factor = 2 : i64, sc.parallel_access}
      %mul3A_240 = arith.constant 32 : i32
      %mul3A_241 = arith.muli %add3A_95, %mul3A_240 : i32
      %add3A_242 = arith.addi %mul3A_241, %add3A : i32
      %dma_start3A_243 = arith.constant 248 : i32
      %dma_start3A_244 = arith.constant 0 : i32
      %dma_start3A_245 = tpu.memref_slice %arg5[%add3A_242, %dma_start3A_243, %dma_start3A_244] : memref<400x500x128xf32, #tpu.memory_space<hbm>> -> memref<1x252x128xf32, #tpu.memory_space<hbm>>
      %dma_start3A_246 = tpu.memref_squeeze %dma_start3A_245 : memref<1x252x128xf32, #tpu.memory_space<hbm>> -> memref<252x128xf32, #tpu.memory_space<hbm>>
      %dma_start3A_247 = arith.constant 248 : i32
      %dma_start3A_248 = arith.constant 0 : i32
      %dma_start3A_249 = tpu.memref_slice %arg5[%add3A_242, %dma_start3A_247, %dma_start3A_248] : memref<400x500x128xf32, #tpu.memory_space<hbm>> -> memref<1x252x128xf32, #tpu.memory_space<hbm>>
      %dma_start3A_250 = tpu.memref_squeeze %dma_start3A_249 : memref<1x252x128xf32, #tpu.memory_space<hbm>> -> memref<252x128xf32, #tpu.memory_space<hbm>>
      tpu.enqueue_dma source(%arg8 : memref<252x128xf32, #tpu.memory_space<vmem>>) target(%dma_start3A_250 : memref<252x128xf32, #tpu.memory_space<hbm>>) target_semaphore(%arg17 : memref<!tpu.dma_semaphore, #tpu.memory_space<semaphore_mem>>)
      %add3A_251 = arith.constant 2 : i32
      %add3A_252 = arith.addi %add3A_95, %add3A_251 : i32
      %lt3A_253 = arith.constant 12 : i32
      %lt3A_254 = arith.cmpi slt, %add3A_252, %lt3A_253 : i32
      %eq3A_255 = arith.constant 12 : i32
      %eq3A_256 = arith.cmpi eq, %add3A_252, %eq3A_255 : i32
      %lt3A_257 = arith.constant 16 : i32
      %lt3A_258 = arith.cmpi slt, %add3A, %lt3A_257 : i32
      %and3A_259 = arith.andi %eq3A_256, %lt3A_258 : i1
      %or3A_260 = arith.ori %lt3A_254, %and3A_259 : i1
      %convert_element_type3A_261 = arith.extui %or3A_260 : i1 to i32
      %cond3A_262 = arith.constant 0 : i32
      %cond3A_263 = arith.cmpi ne, %convert_element_type3A_261, %cond3A_262 : i32
      scf.if %cond3A_263 {
        %add3A_277 = arith.constant 2 : i32
        %add3A_278 = arith.addi %add3A_95, %add3A_277 : i32
        %mul3A_279 = arith.constant 32 : i32
        %mul3A_280 = arith.muli %add3A_278, %mul3A_279 : i32
        %add3A_281 = arith.addi %mul3A_280, %add3A : i32
        %dma_start3A_282 = arith.constant 0 : i32
        %dma_start3A_283 = tpu.memref_slice %arg4[%add3A_281, %dma_start3A_282] : memref<400x500xi32, #tpu.memory_space<hbm>> -> memref<1x500xi32, #tpu.memory_space<hbm>>
        %dma_start3A_284 = tpu.memref_squeeze %dma_start3A_283 : memref<1x500xi32, #tpu.memory_space<hbm>> -> memref<500xi32, #tpu.memory_space<hbm>>
        %dma_start3A_285 = arith.constant 0 : i32
        %dma_start3A_286 = tpu.memref_slice %arg4[%add3A_281, %dma_start3A_285] : memref<400x500xi32, #tpu.memory_space<hbm>> -> memref<1x500xi32, #tpu.memory_space<hbm>>
        %dma_start3A_287 = tpu.memref_squeeze %dma_start3A_286 : memref<1x500xi32, #tpu.memory_space<hbm>> -> memref<500xi32, #tpu.memory_space<hbm>>
        tpu.enqueue_dma source(%dma_start3A_287 : memref<500xi32, #tpu.memory_space<hbm>>) target(%arg10 : memref<500xi32, #tpu.memory_space<vmem>>) target_semaphore(%arg15 : memref<!tpu.dma_semaphore, #tpu.memory_space<semaphore_mem>>)
      } else {
      }
      %add3A_264 = arith.constant 2 : i32
      %add3A_265 = arith.addi %mul3A_93, %add3A_264 : i32
      %lt3A_266 = arith.constant 12 : i32
      %lt3A_267 = arith.cmpi slt, %add3A_265, %lt3A_266 : i32
      %eq3A_268 = arith.constant 12 : i32
      %eq3A_269 = arith.cmpi eq, %add3A_265, %eq3A_268 : i32
      %lt3A_270 = arith.constant 16 : i32
      %lt3A_271 = arith.cmpi slt, %add3A, %lt3A_270 : i32
      %and3A_272 = arith.andi %eq3A_269, %lt3A_271 : i1
      %or3A_273 = arith.ori %lt3A_267, %and3A_272 : i1
      %convert_element_type3A_274 = arith.extui %or3A_273 : i1 to i32
      %cond3A_275 = arith.constant 0 : i32
      %cond3A_276 = arith.cmpi ne, %convert_element_type3A_274, %cond3A_275 : i32
      scf.if %cond3A_276 {
        %dma_wait3A_277 = arith.constant 0 : i32
        %dma_wait3A_278 = arith.constant 0 : i32
        %dma_wait3A_279 = arith.constant 0 : i32
        %dma_wait3A_280 = tpu.memref_slice %arg5[%dma_wait3A_277, %dma_wait3A_278, %dma_wait3A_279] : memref<400x500x128xf32, #tpu.memory_space<hbm>> -> memref<1x248x128xf32, #tpu.memory_space<hbm>>
        %dma_wait3A_281 = tpu.memref_squeeze %dma_wait3A_280 : memref<1x248x128xf32, #tpu.memory_space<hbm>> -> memref<248x128xf32, #tpu.memory_space<hbm>>
        %dma_wait3A_282 = arith.constant 0 : i32
        %dma_wait3A_283 = arith.constant 0 : i32
        %dma_wait3A_284 = tpu.memref_slice %arg5[%dma_wait3A_277, %dma_wait3A_282, %dma_wait3A_283] : memref<400x500x128xf32, #tpu.memory_space<hbm>> -> memref<1x248x128xf32, #tpu.memory_space<hbm>>
        %dma_wait3A_285 = tpu.memref_squeeze %dma_wait3A_284 : memref<1x248x128xf32, #tpu.memory_space<hbm>> -> memref<248x128xf32, #tpu.memory_space<hbm>>
        tpu.wait_dma2 semaphore(%arg16 : memref<!tpu.dma_semaphore, #tpu.memory_space<semaphore_mem>>) src(%arg7 : memref<248x128xf32, #tpu.memory_space<vmem>>) dst(%dma_wait3A_285 : memref<248x128xf32, #tpu.memory_space<hbm>>)
        %add3A_286 = arith.constant 2 : i32
        %add3A_287 = arith.addi %mul3A_93, %add3A_286 : i32
        %mul3A_288 = arith.constant 32 : i32
        %mul3A_289 = arith.muli %add3A_287, %mul3A_288 : i32
        %add3A_290 = arith.addi %mul3A_289, %add3A : i32
        %dma_start3A_291 = arith.constant 0 : i32
        %dma_start3A_292 = arith.constant 0 : i32
        %dma_start3A_293 = tpu.memref_slice %arg2[%add3A_290, %dma_start3A_291, %dma_start3A_292] : memref<400x500x128xf32, #tpu.memory_space<hbm>> -> memref<1x248x128xf32, #tpu.memory_space<hbm>>
        %dma_start3A_294 = tpu.memref_squeeze %dma_start3A_293 : memref<1x248x128xf32, #tpu.memory_space<hbm>> -> memref<248x128xf32, #tpu.memory_space<hbm>>
        %dma_start3A_295 = arith.constant 0 : i32
        %dma_start3A_296 = arith.constant 0 : i32
        %dma_start3A_297 = tpu.memref_slice %arg2[%add3A_290, %dma_start3A_295, %dma_start3A_296] : memref<400x500x128xf32, #tpu.memory_space<hbm>> -> memref<1x248x128xf32, #tpu.memory_space<hbm>>
        %dma_start3A_298 = tpu.memref_squeeze %dma_start3A_297 : memref<1x248x128xf32, #tpu.memory_space<hbm>> -> memref<248x128xf32, #tpu.memory_space<hbm>>
        tpu.enqueue_dma source(%dma_start3A_298 : memref<248x128xf32, #tpu.memory_space<hbm>>) target(%arg7 : memref<248x128xf32, #tpu.memory_space<vmem>>) target_semaphore(%arg12 : memref<!tpu.dma_semaphore, #tpu.memory_space<semaphore_mem>>)
        %dma_wait3A_299 = arith.constant 0 : i32
        %dma_wait3A_300 = arith.constant 248 : i32
        %dma_wait3A_301 = arith.constant 0 : i32
        %dma_wait3A_302 = tpu.memref_slice %arg5[%dma_wait3A_299, %dma_wait3A_300, %dma_wait3A_301] : memref<400x500x128xf32, #tpu.memory_space<hbm>> -> memref<1x252x128xf32, #tpu.memory_space<hbm>>
        %dma_wait3A_303 = tpu.memref_squeeze %dma_wait3A_302 : memref<1x252x128xf32, #tpu.memory_space<hbm>> -> memref<252x128xf32, #tpu.memory_space<hbm>>
        %dma_wait3A_304 = arith.constant 248 : i32
        %dma_wait3A_305 = arith.constant 0 : i32
        %dma_wait3A_306 = tpu.memref_slice %arg5[%dma_wait3A_299, %dma_wait3A_304, %dma_wait3A_305] : memref<400x500x128xf32, #tpu.memory_space<hbm>> -> memref<1x252x128xf32, #tpu.memory_space<hbm>>
        %dma_wait3A_307 = tpu.memref_squeeze %dma_wait3A_306 : memref<1x252x128xf32, #tpu.memory_space<hbm>> -> memref<252x128xf32, #tpu.memory_space<hbm>>
        tpu.wait_dma2 semaphore(%arg17 : memref<!tpu.dma_semaphore, #tpu.memory_space<semaphore_mem>>) src(%arg8 : memref<252x128xf32, #tpu.memory_space<vmem>>) dst(%dma_wait3A_307 : memref<252x128xf32, #tpu.memory_space<hbm>>)
        %add3A_308 = arith.constant 2 : i32
        %add3A_309 = arith.addi %mul3A_93, %add3A_308 : i32
        %mul3A_310 = arith.constant 32 : i32
        %mul3A_311 = arith.muli %add3A_309, %mul3A_310 : i32
        %add3A_312 = arith.addi %mul3A_311, %add3A : i32
        %dma_start3A_313 = arith.constant 248 : i32
        %dma_start3A_314 = arith.constant 0 : i32
        %dma_start3A_315 = tpu.memref_slice %arg2[%add3A_312, %dma_start3A_313, %dma_start3A_314] : memref<400x500x128xf32, #tpu.memory_space<hbm>> -> memref<1x252x128xf32, #tpu.memory_space<hbm>>
        %dma_start3A_316 = tpu.memref_squeeze %dma_start3A_315 : memref<1x252x128xf32, #tpu.memory_space<hbm>> -> memref<252x128xf32, #tpu.memory_space<hbm>>
        %dma_start3A_317 = arith.constant 248 : i32
        %dma_start3A_318 = arith.constant 0 : i32
        %dma_start3A_319 = tpu.memref_slice %arg2[%add3A_312, %dma_start3A_317, %dma_start3A_318] : memref<400x500x128xf32, #tpu.memory_space<hbm>> -> memref<1x252x128xf32, #tpu.memory_space<hbm>>
        %dma_start3A_320 = tpu.memref_squeeze %dma_start3A_319 : memref<1x252x128xf32, #tpu.memory_space<hbm>> -> memref<252x128xf32, #tpu.memory_space<hbm>>
        tpu.enqueue_dma source(%dma_start3A_320 : memref<252x128xf32, #tpu.memory_space<hbm>>) target(%arg8 : memref<252x128xf32, #tpu.memory_space<vmem>>) target_semaphore(%arg13 : memref<!tpu.dma_semaphore, #tpu.memory_space<semaphore_mem>>)
      } else {
      }
    }
    %scan3A_71 = arith.constant 6 : i32
    %lt3A = arith.constant 16 : i32
    %lt3A_72 = arith.cmpi slt, %add3A, %lt3A : i32
    %convert_element_type3A = arith.extui %lt3A_72 : i1 to i32
    %cond3A = arith.constant 0 : i32
    %cond3A_73 = arith.cmpi ne, %convert_element_type3A, %cond3A : i32
    scf.if %cond3A_73 {
      %dma_wait3A_91 = arith.constant 0 : i32
      %dma_wait3A_92 = arith.constant 0 : i32
      %dma_wait3A_93 = tpu.memref_slice %arg4[%dma_wait3A_91, %dma_wait3A_92] : memref<400x500xi32, #tpu.memory_space<hbm>> -> memref<1x500xi32, #tpu.memory_space<hbm>>
      %dma_wait3A_94 = tpu.memref_squeeze %dma_wait3A_93 : memref<1x500xi32, #tpu.memory_space<hbm>> -> memref<500xi32, #tpu.memory_space<hbm>>
      %dma_wait3A_95 = arith.constant 0 : i32
      %dma_wait3A_96 = tpu.memref_slice %arg4[%dma_wait3A_91, %dma_wait3A_95] : memref<400x500xi32, #tpu.memory_space<hbm>> -> memref<1x500xi32, #tpu.memory_space<hbm>>
      %dma_wait3A_97 = tpu.memref_squeeze %dma_wait3A_96 : memref<1x500xi32, #tpu.memory_space<hbm>> -> memref<500xi32, #tpu.memory_space<hbm>>
      tpu.wait_dma2 semaphore(%arg14 : memref<!tpu.dma_semaphore, #tpu.memory_space<semaphore_mem>>) src(%dma_wait3A_97 : memref<500xi32, #tpu.memory_space<hbm>>) dst(%arg9 : memref<500xi32, #tpu.memory_space<vmem>>)
      %dma_wait3A_98 = arith.constant 0 : i32
      %dma_wait3A_99 = arith.constant 0 : i32
      %dma_wait3A_100 = arith.constant 0 : i32
      %dma_wait3A_101 = tpu.memref_slice %arg2[%dma_wait3A_98, %dma_wait3A_99, %dma_wait3A_100] : memref<400x500x128xf32, #tpu.memory_space<hbm>> -> memref<1x248x128xf32, #tpu.memory_space<hbm>>
      %dma_wait3A_102 = tpu.memref_squeeze %dma_wait3A_101 : memref<1x248x128xf32, #tpu.memory_space<hbm>> -> memref<248x128xf32, #tpu.memory_space<hbm>>
      %dma_wait3A_103 = arith.constant 0 : i32
      %dma_wait3A_104 = arith.constant 0 : i32
      %dma_wait3A_105 = tpu.memref_slice %arg2[%dma_wait3A_98, %dma_wait3A_103, %dma_wait3A_104] : memref<400x500x128xf32, #tpu.memory_space<hbm>> -> memref<1x248x128xf32, #tpu.memory_space<hbm>>
      %dma_wait3A_106 = tpu.memref_squeeze %dma_wait3A_105 : memref<1x248x128xf32, #tpu.memory_space<hbm>> -> memref<248x128xf32, #tpu.memory_space<hbm>>
      tpu.wait_dma2 semaphore(%arg12 : memref<!tpu.dma_semaphore, #tpu.memory_space<semaphore_mem>>) src(%dma_wait3A_106 : memref<248x128xf32, #tpu.memory_space<hbm>>) dst(%arg7 : memref<248x128xf32, #tpu.memory_space<vmem>>)
      %parallel_loop3A = arith.constant 0 : i32
      %parallel_loop3A_107 = arith.constant 248 : i32
      %parallel_loop3A_108 = arith.constant 1 : i32
      scf.for %parallel_loop3A_141 = %parallel_loop3A to %parallel_loop3A_107 step %parallel_loop3A_108  : i32 {
        %parallel_loop3A_142 = arith.constant 0 : i32
        %parallel_loop3A_143 = arith.addi %parallel_loop3A_141, %parallel_loop3A_142 : i32
        %parallel_loop3A_144 = vector.broadcast %parallel_loop3A_143 : i32 to vector<16xi32>
        %parallel_loop3A_145 = tpu.vector_load_idx %arg9[%parallel_loop3A_144] : memref<500xi32, #tpu.memory_space<vmem>>[vector<16xi32>], vector<16xi32>,
        %parallel_loop3A_146 = arith.constant 128 : i32
        %parallel_loop3A_147 = vector.broadcast %parallel_loop3A_146 : i32 to vector<16xi32>
        %parallel_loop3A_148 = arith.muli %parallel_loop3A_145, %parallel_loop3A_147 : vector<16xi32>
        %parallel_loop3A_149 = arith.addi %parallel_loop3A_148, %add3A_3 : vector<16xi32>
        %parallel_loop3A_150 = tpu.vector_load_idx %arg6[%parallel_loop3A_149] : memref<6400xf32, #tpu.memory_space<vmem>>[vector<16xi32>], vector<16xf32>,
        %parallel_loop3A_151 = arith.index_cast %parallel_loop3A_141 : i32 to index
        %parallel_loop3A_152 = arith.constant 0 : index
        %parallel_loop3A_153 = tpu.vector_load %arg7[%parallel_loop3A_151, %parallel_loop3A_152] {strides = array<i32>} : memref<248x128xf32, #tpu.memory_space<vmem>>, vector<16xf32>,
        tpu.vector_store %arg7[%parallel_loop3A_151, %parallel_loop3A_152], %parallel_loop3A_150 {add = true, strides = array<i32>} : memref<248x128xf32, #tpu.memory_space<vmem>>, vector<16xf32>,
        %parallel_loop3A_154 = arith.addi %parallel_loop3A_148, %add3A_7 : vector<16xi32>
        %parallel_loop3A_155 = tpu.vector_load_idx %arg6[%parallel_loop3A_154] : memref<6400xf32, #tpu.memory_space<vmem>>[vector<16xi32>], vector<16xf32>,
        %parallel_loop3A_156 = arith.index_cast %parallel_loop3A_141 : i32 to index
        %parallel_loop3A_157 = arith.constant 16 : index
        %parallel_loop3A_158 = tpu.vector_load %arg7[%parallel_loop3A_156, %parallel_loop3A_157] {strides = array<i32>} : memref<248x128xf32, #tpu.memory_space<vmem>>, vector<16xf32>,
        tpu.vector_store %arg7[%parallel_loop3A_156, %parallel_loop3A_157], %parallel_loop3A_155 {add = true, strides = array<i32>} : memref<248x128xf32, #tpu.memory_space<vmem>>, vector<16xf32>,
        %parallel_loop3A_159 = arith.addi %parallel_loop3A_148, %add3A_11 : vector<16xi32>
        %parallel_loop3A_160 = tpu.vector_load_idx %arg6[%parallel_loop3A_159] : memref<6400xf32, #tpu.memory_space<vmem>>[vector<16xi32>], vector<16xf32>,
        %parallel_loop3A_161 = arith.index_cast %parallel_loop3A_141 : i32 to index
        %parallel_loop3A_162 = arith.constant 32 : index
        %parallel_loop3A_163 = tpu.vector_load %arg7[%parallel_loop3A_161, %parallel_loop3A_162] {strides = array<i32>} : memref<248x128xf32, #tpu.memory_space<vmem>>, vector<16xf32>,
        tpu.vector_store %arg7[%parallel_loop3A_161, %parallel_loop3A_162], %parallel_loop3A_160 {add = true, strides = array<i32>} : memref<248x128xf32, #tpu.memory_space<vmem>>, vector<16xf32>,
        %parallel_loop3A_164 = arith.addi %parallel_loop3A_148, %add3A_15 : vector<16xi32>
        %parallel_loop3A_165 = tpu.vector_load_idx %arg6[%parallel_loop3A_164] : memref<6400xf32, #tpu.memory_space<vmem>>[vector<16xi32>], vector<16xf32>,
        %parallel_loop3A_166 = arith.index_cast %parallel_loop3A_141 : i32 to index
        %parallel_loop3A_167 = arith.constant 48 : index
        %parallel_loop3A_168 = tpu.vector_load %arg7[%parallel_loop3A_166, %parallel_loop3A_167] {strides = array<i32>} : memref<248x128xf32, #tpu.memory_space<vmem>>, vector<16xf32>,
        tpu.vector_store %arg7[%parallel_loop3A_166, %parallel_loop3A_167], %parallel_loop3A_165 {add = true, strides = array<i32>} : memref<248x128xf32, #tpu.memory_space<vmem>>, vector<16xf32>,
        %parallel_loop3A_169 = arith.addi %parallel_loop3A_148, %add3A_19 : vector<16xi32>
        %parallel_loop3A_170 = tpu.vector_load_idx %arg6[%parallel_loop3A_169] : memref<6400xf32, #tpu.memory_space<vmem>>[vector<16xi32>], vector<16xf32>,
        %parallel_loop3A_171 = arith.index_cast %parallel_loop3A_141 : i32 to index
        %parallel_loop3A_172 = arith.constant 64 : index
        %parallel_loop3A_173 = tpu.vector_load %arg7[%parallel_loop3A_171, %parallel_loop3A_172] {strides = array<i32>} : memref<248x128xf32, #tpu.memory_space<vmem>>, vector<16xf32>,
        tpu.vector_store %arg7[%parallel_loop3A_171, %parallel_loop3A_172], %parallel_loop3A_170 {add = true, strides = array<i32>} : memref<248x128xf32, #tpu.memory_space<vmem>>, vector<16xf32>,
        %parallel_loop3A_174 = arith.addi %parallel_loop3A_148, %add3A_23 : vector<16xi32>
        %parallel_loop3A_175 = tpu.vector_load_idx %arg6[%parallel_loop3A_174] : memref<6400xf32, #tpu.memory_space<vmem>>[vector<16xi32>], vector<16xf32>,
        %parallel_loop3A_176 = arith.index_cast %parallel_loop3A_141 : i32 to index
        %parallel_loop3A_177 = arith.constant 80 : index
        %parallel_loop3A_178 = tpu.vector_load %arg7[%parallel_loop3A_176, %parallel_loop3A_177] {strides = array<i32>} : memref<248x128xf32, #tpu.memory_space<vmem>>, vector<16xf32>,
        tpu.vector_store %arg7[%parallel_loop3A_176, %parallel_loop3A_177], %parallel_loop3A_175 {add = true, strides = array<i32>} : memref<248x128xf32, #tpu.memory_space<vmem>>, vector<16xf32>,
        %parallel_loop3A_179 = arith.addi %parallel_loop3A_148, %add3A_27 : vector<16xi32>
        %parallel_loop3A_180 = tpu.vector_load_idx %arg6[%parallel_loop3A_179] : memref<6400xf32, #tpu.memory_space<vmem>>[vector<16xi32>], vector<16xf32>,
        %parallel_loop3A_181 = arith.index_cast %parallel_loop3A_141 : i32 to index
        %parallel_loop3A_182 = arith.constant 96 : index
        %parallel_loop3A_183 = tpu.vector_load %arg7[%parallel_loop3A_181, %parallel_loop3A_182] {strides = array<i32>} : memref<248x128xf32, #tpu.memory_space<vmem>>, vector<16xf32>,
        tpu.vector_store %arg7[%parallel_loop3A_181, %parallel_loop3A_182], %parallel_loop3A_180 {add = true, strides = array<i32>} : memref<248x128xf32, #tpu.memory_space<vmem>>, vector<16xf32>,
        %parallel_loop3A_184 = arith.addi %parallel_loop3A_148, %add3A_31 : vector<16xi32>
        %parallel_loop3A_185 = tpu.vector_load_idx %arg6[%parallel_loop3A_184] : memref<6400xf32, #tpu.memory_space<vmem>>[vector<16xi32>], vector<16xf32>,
        %parallel_loop3A_186 = arith.index_cast %parallel_loop3A_141 : i32 to index
        %parallel_loop3A_187 = arith.constant 112 : index
        %parallel_loop3A_188 = tpu.vector_load %arg7[%parallel_loop3A_186, %parallel_loop3A_187] {strides = array<i32>} : memref<248x128xf32, #tpu.memory_space<vmem>>, vector<16xf32>,
        tpu.vector_store %arg7[%parallel_loop3A_186, %parallel_loop3A_187], %parallel_loop3A_185 {add = true, strides = array<i32>} : memref<248x128xf32, #tpu.memory_space<vmem>>, vector<16xf32>,
      } {sc.loop_unroll_factor = 2 : i64, sc.parallel_access}
      %add3A_109 = arith.constant 384 : i32
      %add3A_110 = arith.addi %add3A_109, %add3A : i32
      %dma_start3A_111 = arith.constant 0 : i32
      %dma_start3A_112 = arith.constant 0 : i32
      %dma_start3A_113 = tpu.memref_slice %arg5[%add3A_110, %dma_start3A_111, %dma_start3A_112] : memref<400x500x128xf32, #tpu.memory_space<hbm>> -> memref<1x248x128xf32, #tpu.memory_space<hbm>>
      %dma_start3A_114 = tpu.memref_squeeze %dma_start3A_113 : memref<1x248x128xf32, #tpu.memory_space<hbm>> -> memref<248x128xf32, #tpu.memory_space<hbm>>
      %dma_start3A_115 = arith.constant 0 : i32
      %dma_start3A_116 = arith.constant 0 : i32
      %dma_start3A_117 = tpu.memref_slice %arg5[%add3A_110, %dma_start3A_115, %dma_start3A_116] : memref<400x500x128xf32, #tpu.memory_space<hbm>> -> memref<1x248x128xf32, #tpu.memory_space<hbm>>
      %dma_start3A_118 = tpu.memref_squeeze %dma_start3A_117 : memref<1x248x128xf32, #tpu.memory_space<hbm>> -> memref<248x128xf32, #tpu.memory_space<hbm>>
      tpu.enqueue_dma source(%arg7 : memref<248x128xf32, #tpu.memory_space<vmem>>) target(%dma_start3A_118 : memref<248x128xf32, #tpu.memory_space<hbm>>) target_semaphore(%arg16 : memref<!tpu.dma_semaphore, #tpu.memory_space<semaphore_mem>>)
      %dma_wait3A_119 = arith.constant 0 : i32
      %dma_wait3A_120 = arith.constant 248 : i32
      %dma_wait3A_121 = arith.constant 0 : i32
      %dma_wait3A_122 = tpu.memref_slice %arg2[%dma_wait3A_119, %dma_wait3A_120, %dma_wait3A_121] : memref<400x500x128xf32, #tpu.memory_space<hbm>> -> memref<1x252x128xf32, #tpu.memory_space<hbm>>
      %dma_wait3A_123 = tpu.memref_squeeze %dma_wait3A_122 : memref<1x252x128xf32, #tpu.memory_space<hbm>> -> memref<252x128xf32, #tpu.memory_space<hbm>>
      %dma_wait3A_124 = arith.constant 248 : i32
      %dma_wait3A_125 = arith.constant 0 : i32
      %dma_wait3A_126 = tpu.memref_slice %arg2[%dma_wait3A_119, %dma_wait3A_124, %dma_wait3A_125] : memref<400x500x128xf32, #tpu.memory_space<hbm>> -> memref<1x252x128xf32, #tpu.memory_space<hbm>>
      %dma_wait3A_127 = tpu.memref_squeeze %dma_wait3A_126 : memref<1x252x128xf32, #tpu.memory_space<hbm>> -> memref<252x128xf32, #tpu.memory_space<hbm>>
      tpu.wait_dma2 semaphore(%arg13 : memref<!tpu.dma_semaphore, #tpu.memory_space<semaphore_mem>>) src(%dma_wait3A_127 : memref<252x128xf32, #tpu.memory_space<hbm>>) dst(%arg8 : memref<252x128xf32, #tpu.memory_space<vmem>>)
      %parallel_loop3A_128 = arith.constant 0 : i32
      %parallel_loop3A_129 = arith.constant 252 : i32
      %parallel_loop3A_130 = arith.constant 1 : i32
      scf.for %parallel_loop3A_141 = %parallel_loop3A_128 to %parallel_loop3A_129 step %parallel_loop3A_130  : i32 {
        %parallel_loop3A_142 = arith.constant 248 : i32
        %parallel_loop3A_143 = arith.addi %parallel_loop3A_141, %parallel_loop3A_142 : i32
        %parallel_loop3A_144 = vector.broadcast %parallel_loop3A_143 : i32 to vector<16xi32>
        %parallel_loop3A_145 = tpu.vector_load_idx %arg9[%parallel_loop3A_144] : memref<500xi32, #tpu.memory_space<vmem>>[vector<16xi32>], vector<16xi32>,
        %parallel_loop3A_146 = arith.constant 128 : i32
        %parallel_loop3A_147 = vector.broadcast %parallel_loop3A_146 : i32 to vector<16xi32>
        %parallel_loop3A_148 = arith.muli %parallel_loop3A_145, %parallel_loop3A_147 : vector<16xi32>
        %parallel_loop3A_149 = arith.addi %parallel_loop3A_148, %add3A_3 : vector<16xi32>
        %parallel_loop3A_150 = tpu.vector_load_idx %arg6[%parallel_loop3A_149] : memref<6400xf32, #tpu.memory_space<vmem>>[vector<16xi32>], vector<16xf32>,
        %parallel_loop3A_151 = arith.index_cast %parallel_loop3A_141 : i32 to index
        %parallel_loop3A_152 = arith.constant 0 : index
        %parallel_loop3A_153 = tpu.vector_load %arg8[%parallel_loop3A_151, %parallel_loop3A_152] {strides = array<i32>} : memref<252x128xf32, #tpu.memory_space<vmem>>, vector<16xf32>,
        tpu.vector_store %arg8[%parallel_loop3A_151, %parallel_loop3A_152], %parallel_loop3A_150 {add = true, strides = array<i32>} : memref<252x128xf32, #tpu.memory_space<vmem>>, vector<16xf32>,
        %parallel_loop3A_154 = arith.addi %parallel_loop3A_148, %add3A_7 : vector<16xi32>
        %parallel_loop3A_155 = tpu.vector_load_idx %arg6[%parallel_loop3A_154] : memref<6400xf32, #tpu.memory_space<vmem>>[vector<16xi32>], vector<16xf32>,
        %parallel_loop3A_156 = arith.index_cast %parallel_loop3A_141 : i32 to index
        %parallel_loop3A_157 = arith.constant 16 : index
        %parallel_loop3A_158 = tpu.vector_load %arg8[%parallel_loop3A_156, %parallel_loop3A_157] {strides = array<i32>} : memref<252x128xf32, #tpu.memory_space<vmem>>, vector<16xf32>,
        tpu.vector_store %arg8[%parallel_loop3A_156, %parallel_loop3A_157], %parallel_loop3A_155 {add = true, strides = array<i32>} : memref<252x128xf32, #tpu.memory_space<vmem>>, vector<16xf32>,
        %parallel_loop3A_159 = arith.addi %parallel_loop3A_148, %add3A_11 : vector<16xi32>
        %parallel_loop3A_160 = tpu.vector_load_idx %arg6[%parallel_loop3A_159] : memref<6400xf32, #tpu.memory_space<vmem>>[vector<16xi32>], vector<16xf32>,
        %parallel_loop3A_161 = arith.index_cast %parallel_loop3A_141 : i32 to index
        %parallel_loop3A_162 = arith.constant 32 : index
        %parallel_loop3A_163 = tpu.vector_load %arg8[%parallel_loop3A_161, %parallel_loop3A_162] {strides = array<i32>} : memref<252x128xf32, #tpu.memory_space<vmem>>, vector<16xf32>,
        tpu.vector_store %arg8[%parallel_loop3A_161, %parallel_loop3A_162], %parallel_loop3A_160 {add = true, strides = array<i32>} : memref<252x128xf32, #tpu.memory_space<vmem>>, vector<16xf32>,
        %parallel_loop3A_164 = arith.addi %parallel_loop3A_148, %add3A_15 : vector<16xi32>
        %parallel_loop3A_165 = tpu.vector_load_idx %arg6[%parallel_loop3A_164] : memref<6400xf32, #tpu.memory_space<vmem>>[vector<16xi32>], vector<16xf32>,
        %parallel_loop3A_166 = arith.index_cast %parallel_loop3A_141 : i32 to index
        %parallel_loop3A_167 = arith.constant 48 : index
        %parallel_loop3A_168 = tpu.vector_load %arg8[%parallel_loop3A_166, %parallel_loop3A_167] {strides = array<i32>} : memref<252x128xf32, #tpu.memory_space<vmem>>, vector<16xf32>,
        tpu.vector_store %arg8[%parallel_loop3A_166, %parallel_loop3A_167], %parallel_loop3A_165 {add = true, strides = array<i32>} : memref<252x128xf32, #tpu.memory_space<vmem>>, vector<16xf32>,
        %parallel_loop3A_169 = arith.addi %parallel_loop3A_148, %add3A_19 : vector<16xi32>
        %parallel_loop3A_170 = tpu.vector_load_idx %arg6[%parallel_loop3A_169] : memref<6400xf32, #tpu.memory_space<vmem>>[vector<16xi32>], vector<16xf32>,
        %parallel_loop3A_171 = arith.index_cast %parallel_loop3A_141 : i32 to index
        %parallel_loop3A_172 = arith.constant 64 : index
        %parallel_loop3A_173 = tpu.vector_load %arg8[%parallel_loop3A_171, %parallel_loop3A_172] {strides = array<i32>} : memref<252x128xf32, #tpu.memory_space<vmem>>, vector<16xf32>,
        tpu.vector_store %arg8[%parallel_loop3A_171, %parallel_loop3A_172], %parallel_loop3A_170 {add = true, strides = array<i32>} : memref<252x128xf32, #tpu.memory_space<vmem>>, vector<16xf32>,
        %parallel_loop3A_174 = arith.addi %parallel_loop3A_148, %add3A_23 : vector<16xi32>
        %parallel_loop3A_175 = tpu.vector_load_idx %arg6[%parallel_loop3A_174] : memref<6400xf32, #tpu.memory_space<vmem>>[vector<16xi32>], vector<16xf32>,
        %parallel_loop3A_176 = arith.index_cast %parallel_loop3A_141 : i32 to index
        %parallel_loop3A_177 = arith.constant 80 : index
        %parallel_loop3A_178 = tpu.vector_load %arg8[%parallel_loop3A_176, %parallel_loop3A_177] {strides = array<i32>} : memref<252x128xf32, #tpu.memory_space<vmem>>, vector<16xf32>,
        tpu.vector_store %arg8[%parallel_loop3A_176, %parallel_loop3A_177], %parallel_loop3A_175 {add = true, strides = array<i32>} : memref<252x128xf32, #tpu.memory_space<vmem>>, vector<16xf32>,
        %parallel_loop3A_179 = arith.addi %parallel_loop3A_148, %add3A_27 : vector<16xi32>
        %parallel_loop3A_180 = tpu.vector_load_idx %arg6[%parallel_loop3A_179] : memref<6400xf32, #tpu.memory_space<vmem>>[vector<16xi32>], vector<16xf32>,
        %parallel_loop3A_181 = arith.index_cast %parallel_loop3A_141 : i32 to index
        %parallel_loop3A_182 = arith.constant 96 : index
        %parallel_loop3A_183 = tpu.vector_load %arg8[%parallel_loop3A_181, %parallel_loop3A_182] {strides = array<i32>} : memref<252x128xf32, #tpu.memory_space<vmem>>, vector<16xf32>,
        tpu.vector_store %arg8[%parallel_loop3A_181, %parallel_loop3A_182], %parallel_loop3A_180 {add = true, strides = array<i32>} : memref<252x128xf32, #tpu.memory_space<vmem>>, vector<16xf32>,
        %parallel_loop3A_184 = arith.addi %parallel_loop3A_148, %add3A_31 : vector<16xi32>
        %parallel_loop3A_185 = tpu.vector_load_idx %arg6[%parallel_loop3A_184] : memref<6400xf32, #tpu.memory_space<vmem>>[vector<16xi32>], vector<16xf32>,
        %parallel_loop3A_186 = arith.index_cast %parallel_loop3A_141 : i32 to index
        %parallel_loop3A_187 = arith.constant 112 : index
        %parallel_loop3A_188 = tpu.vector_load %arg8[%parallel_loop3A_186, %parallel_loop3A_187] {strides = array<i32>} : memref<252x128xf32, #tpu.memory_space<vmem>>, vector<16xf32>,
        tpu.vector_store %arg8[%parallel_loop3A_186, %parallel_loop3A_187], %parallel_loop3A_185 {add = true, strides = array<i32>} : memref<252x128xf32, #tpu.memory_space<vmem>>, vector<16xf32>,
      } {sc.loop_unroll_factor = 2 : i64, sc.parallel_access}
      %add3A_131 = arith.constant 384 : i32
      %add3A_132 = arith.addi %add3A_131, %add3A : i32
      %dma_start3A_133 = arith.constant 248 : i32
      %dma_start3A_134 = arith.constant 0 : i32
      %dma_start3A_135 = tpu.memref_slice %arg5[%add3A_132, %dma_start3A_133, %dma_start3A_134] : memref<400x500x128xf32, #tpu.memory_space<hbm>> -> memref<1x252x128xf32, #tpu.memory_space<hbm>>
      %dma_start3A_136 = tpu.memref_squeeze %dma_start3A_135 : memref<1x252x128xf32, #tpu.memory_space<hbm>> -> memref<252x128xf32, #tpu.memory_space<hbm>>
      %dma_start3A_137 = arith.constant 248 : i32
      %dma_start3A_138 = arith.constant 0 : i32
      %dma_start3A_139 = tpu.memref_slice %arg5[%add3A_132, %dma_start3A_137, %dma_start3A_138] : memref<400x500x128xf32, #tpu.memory_space<hbm>> -> memref<1x252x128xf32, #tpu.memory_space<hbm>>
      %dma_start3A_140 = tpu.memref_squeeze %dma_start3A_139 : memref<1x252x128xf32, #tpu.memory_space<hbm>> -> memref<252x128xf32, #tpu.memory_space<hbm>>
      tpu.enqueue_dma source(%arg8 : memref<252x128xf32, #tpu.memory_space<vmem>>) target(%dma_start3A_140 : memref<252x128xf32, #tpu.memory_space<hbm>>) target_semaphore(%arg17 : memref<!tpu.dma_semaphore, #tpu.memory_space<semaphore_mem>>)
    } else {
    }
    %dma_wait3A = arith.constant 0 : i32
    %dma_wait3A_74 = arith.constant 0 : i32
    %dma_wait3A_75 = arith.constant 0 : i32
    %dma_wait3A_76 = tpu.memref_slice %arg5[%dma_wait3A, %dma_wait3A_74, %dma_wait3A_75] : memref<400x500x128xf32, #tpu.memory_space<hbm>> -> memref<1x248x128xf32, #tpu.memory_space<hbm>>
    %dma_wait3A_77 = tpu.memref_squeeze %dma_wait3A_76 : memref<1x248x128xf32, #tpu.memory_space<hbm>> -> memref<248x128xf32, #tpu.memory_space<hbm>>
    %dma_wait3A_78 = arith.constant 0 : i32
    %dma_wait3A_79 = arith.constant 0 : i32
    %dma_wait3A_80 = tpu.memref_slice %arg5[%dma_wait3A, %dma_wait3A_78, %dma_wait3A_79] : memref<400x500x128xf32, #tpu.memory_space<hbm>> -> memref<1x248x128xf32, #tpu.memory_space<hbm>>
    %dma_wait3A_81 = tpu.memref_squeeze %dma_wait3A_80 : memref<1x248x128xf32, #tpu.memory_space<hbm>> -> memref<248x128xf32, #tpu.memory_space<hbm>>
    tpu.wait_dma2 semaphore(%arg16 : memref<!tpu.dma_semaphore, #tpu.memory_space<semaphore_mem>>) src(%arg7 : memref<248x128xf32, #tpu.memory_space<vmem>>) dst(%dma_wait3A_81 : memref<248x128xf32, #tpu.memory_space<hbm>>)
    %dma_wait3A_82 = arith.constant 0 : i32
    %dma_wait3A_83 = arith.constant 248 : i32
    %dma_wait3A_84 = arith.constant 0 : i32
    %dma_wait3A_85 = tpu.memref_slice %arg5[%dma_wait3A_82, %dma_wait3A_83, %dma_wait3A_84] : memref<400x500x128xf32, #tpu.memory_space<hbm>> -> memref<1x252x128xf32, #tpu.memory_space<hbm>>
    %dma_wait3A_86 = tpu.memref_squeeze %dma_wait3A_85 : memref<1x252x128xf32, #tpu.memory_space<hbm>> -> memref<252x128xf32, #tpu.memory_space<hbm>>
    %dma_wait3A_87 = arith.constant 248 : i32
    %dma_wait3A_88 = arith.constant 0 : i32
    %dma_wait3A_89 = tpu.memref_slice %arg5[%dma_wait3A_82, %dma_wait3A_87, %dma_wait3A_88] : memref<400x500x128xf32, #tpu.memory_space<hbm>> -> memref<1x252x128xf32, #tpu.memory_space<hbm>>
    %dma_wait3A_90 = tpu.memref_squeeze %dma_wait3A_89 : memref<1x252x128xf32, #tpu.memory_space<hbm>> -> memref<252x128xf32, #tpu.memory_space<hbm>>
    tpu.wait_dma2 semaphore(%arg17 : memref<!tpu.dma_semaphore, #tpu.memory_space<semaphore_mem>>) src(%arg8 : memref<252x128xf32, #tpu.memory_space<vmem>>) dst(%dma_wait3A_90 : memref<252x128xf32, #tpu.memory_space<hbm>>)
    return
  }
}

</mosaic_0001>

<sc_bundles>
// kernel: kernel.3.cloned.1.call-start
scs
__scs_entry_jumppad:
0x0: {  	(pc) =	sbr.rel $0x88, $3  }
0x1: {  	(tag) =	ssettag $0x0;
	lr =	simm.s32 $0x1  }
0x2: {  	[smem:$0x3F9E] =	sst lr;
	_ =	strace $0xD0000000  }
0x3: {  	_ = 	snop  }
0x4: {  	_ = 	snop  }
0x5: {  	_ = 	snop  }
0x6: {  	_ = 	snop  }
0x7: {  	_ = 	snop  }
__scs_overlays_trampoline_lowered:
0x8: {  	[smem:$0x3FAD] =	sst s0  }
0x9: {  	[smem:$0x3FAE] =	sst s1  }
0xa: {  	[smem:$0x3FAF] =	sst s2  }
0xb: {  	[smem:$0x3FB0] =	sst s3  }
0xc: {  	[smem:$0x3FB1] =	sst s4  }
0xd: {  	[smem:$0x3FB2] =	sst s5  }
0xe: {  	[smem:$0x3FB3] =	sst s6  }
0xf: {  	[smem:$0x3FB4] =	sst s7  }
0x10: {  	[smem:$0x3FB5] =	sst s8  }
0x11: {  	[smem:$0x3FB6] =	sst s9;
	s0 =	simm.s32 @!p0 $0x0  }
0x12: {  	s1 =	sld [smem:$0x3F9C];
	s0 =	simm.s32 @p0 $0x1  }
0x13: {  	[smem:$0x3FB7] =	sst s0;
	s0 =	simm.s32 @!p1 $0x0  }
0x14: {  	s2 =	sld [smem:$0x3F9B];
	s0 =	simm.s32 @p1 $0x1  }
0x15: {  	[smem:$0x3FB8] =	sst s0;
	s0 =	simm.s32 @!p2 $0x0  }
0x16: {  	s3 =	sld [smem:$0x3FDB];
	s0 =	simm.s32 @p2 $0x1  }
0x17: {  	s4 =	simm.s32 $0x1BF5;
	[smem:$0x3FBA] =	sst s0  }
0x18: {  	s0 =	sld [smem:$0x3F9D];
	_ =	swait.ge [sflag:s4], $0x0  }
0x19: {  	s7 =	sld [smem:$0x3F9E]  }
0x1a: {  	s8 =	sadd.s32 $0xFFFFE003, lr  }
0x1b: {  	s9 =	sadd.s32 $0xFFFFFEF7, lr;
	s5 =	simm.s32 $0xFFFFFFFF;
	p2 =	slt.u32 s8, $0xFFFFF086  }
0x1c: {  	p1 =	slt.u32 s9, $0xF7A;
	s5 =	simm.s32 @!p2 $0x0  }
0x1d: {  	s5 =	simm.s32 @p1 $0x1;
	p0 =	seq.s32 s7, s2  }
0x1e: {  	s7 =	smul.u32 @!p0 $0xF7A, s2;
	p2 =	seq.s32 @!p0 s5, $0x0  }
0x1f: {  	s9 =	smul.u32 $0xF7A, s1;
	s8 =	simm.s32 @!p0 $0x1BF5;
	p2 =	por !p2, p0  }
0x20: {  	[sflag:s8] =	ssyncset.s32 @!p0 $0xFFFFF086;
	s6 =	sadd.s32 @!p0 s3, s7;
	s7 =	simm.s32 @!p0 $0x108  }
0x21: {  	s3 =	sadd.s32 s3, s9;
	s6 =	sadd.s32 @!p0 $0x88, s6;
	s7 =	simm.s32 @p2 $0x1082  }
0x22: {  	[simem:s7], [sflag:s8] =	dma.local @!p0 [hbm:s6], $0xF7A  }
0x23: {  	s9 =	sor.u32 $0xD0000000, s2;
	s6 =	simm.s32 $0x108;
	_ =	swait.ge @!p0 [sflag:s8], $0x0  }
0x24: {  	s3 =	sadd.s32 $0x88, s3;
	s6 =	simm.s32 @!p1 $0x1082;
	[sflag:s4] =	ssyncset.s32 $0xFFFFF086  }
0x25: {  	[simem:s6], [sflag:s4] =	dma.local [hbm:s3], $0xF7A  }
0x26: {  	[smem:$0x3F9E] =	sst s1;
	(tag) =	ssettag s2;
	_ =	strace s9  }
0x27: {  	s1 =	sld [smem:$0x3FAE]  }
0x28: {  	s2 =	sld [smem:$0x3FAF]  }
0x29: {  	s4 =	sld [smem:$0x3FB1]  }
0x2a: {  	p0 =	seq.s32 s5, $0x0;
	s5 =	sld [smem:$0x3FB2]  }
0x2b: {  	s6 =	sld [smem:$0x3FB3]  }
0x2c: {  	s7 =	sld [smem:$0x3FB4]  }
0x2d: {  	s3 =	simm.s32 $0x108;
	s8 =	sld [smem:$0x3FB5]  }
0x2e: {  	s3 =	simm.s32 @!p0 $0x1082;
	s9 =	sld [smem:$0x3FB6]  }
0x2f: {  	lr =	sadd.s32 s0, s3;
	s0 =	sld [smem:$0x3FAD]  }
0x30: {  	s3 =	sld [smem:$0x3FB0]  }
0x31: {  	[smem:$0x3FB9] =	sst s10  }
0x32: {  	s10 =	sld [smem:$0x3FB7];
	_ =	sdelay $0x3  }
0x33: {  	p0 =	seq.s32 s10, $0x1;
	s10 =	sld [smem:$0x3FB9];
	_ =	sdelay $0x3  }
0x34: {  	[smem:$0x3FB9] =	sst s10  }
0x35: {  	s10 =	sld [smem:$0x3FB8];
	_ =	sdelay $0x3  }
0x36: {  	p1 =	seq.s32 s10, $0x1;
	s10 =	sld [smem:$0x3FB9];
	_ =	sdelay $0x3  }
0x37: {  	[smem:$0x3FB9] =	sst s10  }
0x38: {  	s10 =	sld [smem:$0x3FBA]  }
0x39: {  	_ = 	snop;
	(pc) =	sbr.ind lr, $3  }
0x3a: {  	_ = 	snop  }
0x3b: {  	_ = 	snop  }
0x3c: {  	p2 =	seq.s32 s10, $0x1;
	s10 =	sld [smem:$0x3FB9]  }
0x3d: {  	_ =	shalt  }
0x3e: {  	_ =	shalt  }
0x3f: {  	_ =	shalt  }
0x40: {  	_ =	shalt  }
0x41: {  	_ =	shalt  }
0x42: {  	_ =	shalt  }
0x43: {  	_ =	shalt  }
0x44: {  	_ =	shalt  }
0x45: {  	_ =	shalt  }
0x46: {  	_ =	shalt  }
0x47: {  	_ =	shalt  }
0x48: {  	_ =	shalt  }
0x49: {  	_ =	shalt  }
0x4a: {  	_ =	shalt  }
0x4b: {  	_ =	shalt  }
0x4c: {  	_ =	shalt  }
0x4d: {  	_ =	shalt  }
0x4e: {  	_ =	shalt  }
0x4f: {  	_ =	shalt  }
0x50: {  	_ =	shalt  }
0x51: {  	_ =	shalt  }
0x52: {  	_ =	shalt  }
0x53: {  	_ =	shalt  }
0x54: {  	_ =	shalt  }
0x55: {  	_ =	shalt  }
0x56: {  	_ =	shalt  }
0x57: {  	_ =	shalt  }
0x58: {  	_ =	shalt  }
0x59: {  	_ =	shalt  }
0x5a: {  	_ =	shalt  }
0x5b: {  	_ =	shalt  }
0x5c: {  	_ =	shalt  }
0x5d: {  	_ =	shalt  }
0x5e: {  	_ =	shalt  }
0x5f: {  	_ =	shalt  }
0x60: {  	_ =	shalt  }
0x61: {  	_ =	shalt  }
0x62: {  	_ =	shalt  }
0x63: {  	_ =	shalt  }
0x64: {  	_ =	shalt  }
0x65: {  	_ =	shalt  }
0x66: {  	_ =	shalt  }
0x67: {  	_ =	shalt  }
0x68: {  	_ =	shalt  }
0x69: {  	_ =	shalt  }
0x6a: {  	_ =	shalt  }
0x6b: {  	_ =	shalt  }
0x6c: {  	_ =	shalt  }
0x6d: {  	_ =	shalt  }
0x6e: {  	_ =	shalt  }
0x6f: {  	_ =	shalt  }
0x70: {  	_ =	shalt  }
0x71: {  	_ =	shalt  }
0x72: {  	_ =	shalt  }
0x73: {  	_ =	shalt  }
0x74: {  	_ =	shalt  }
0x75: {  	_ =	shalt  }
0x76: {  	_ =	shalt  }
0x77: {  	_ =	shalt  }
0x78: {  	_ =	shalt  }
0x79: {  	_ =	shalt  }
0x7a: {  	_ =	shalt  }
0x7b: {  	_ =	shalt  }
0x7c: {  	_ =	shalt  }
0x7d: {  	_ =	shalt  }
0x7e: {  	_ =	shalt  }
0x7f: {  	_ =	shalt  }
0x80: {  	_ =	shalt  }
0x81: {  	_ =	shalt  }
0x82: {  	_ =	shalt  }
0x83: {  	_ =	shalt  }
0x84: {  	_ =	shalt  }
0x85: {  	_ =	shalt  }
0x86: {  	_ =	shalt  }
0x87: {  	_ =	shalt  }
.Lfunc_end0:
.L_simem_size_0:
called_computation_lowered:
.L_overlay_start_0:
0x88: {  	s2 =	sld [smem:$0x3FD9]  }
0x89: {  	s3 =	sld [smem:$0x3FFE];
	_ =	sdelay $0x1  }
0x8a: {  	s1 =	srdreg.scid  }
0x8b: {  	s0 =	sand.u32 $0x1, s1  }
0x8c: {  	s17 =	sshll.u32 s0, $0xA;
	s2 =	sadd.s32 s3, s2  }
0x8d: {  	s2 =	sadd.s32 s2, s17  }
0x8e: {  	[smem:$0x3FC5] =	sst s2  }
0x8f: {  	_ = 	snop  }
0x90: {  	s2 =	sld [smem:$0x3FC8]  }
0x91: {  	s18 =	sld [smem:$0x3FC7];
	(tm) =	ssettm $0x1  }
0x92: {  	s4 =	sld [smem:$0x3FFB];
	_ =	sdelay $0x3  }
0x93: {  	_ =	strace s4  }
0x94: {  	s4 =	sld [smem:$0x3FFC];
	_ =	sdelay $0x3  }
0x95: {  	_ =	strace s4  }
0x96: {  	s4 =	sld [smem:$0x3FFD];
	_ =	sdelay $0x3  }
0x97: {  	_ =	strace s4  }
0x98: {  	_ =	strace $0x8FFFFFFF  }
0x99: {  	s19 =	sld [smem:$0x3FDB];
	_ =	sdelay $0x1  }
0x9a: {  	s5 =	simm.s32 $_scs_section_size  }
0x9b: {  	s6 =	simm.s32 $_size__tile_overlayer_lowered;
	s7 =	simm.s32 $_tile_overlayer_lowered  }
0x9c: {  	s22 =	simm.s32 $0x1BFF;
	s21 =	sshll.u32 s7, $0x1;
	s4 =	sadd.s32 s5, s19  }
0x9d: {  	s8 =	simm.s32 $0x0;
	s20 =	sshll.u32 s6, $0x1;
	s6 =	sadd.s32 s21, s4  }
0x9e: {  	[timem:s8], [sflag:s22] =	dma.local [hbm:s6], s20  }
0x9f: {  	_ =	swait.ge [sflag:s22], s20  }
0xa0: {  	s5 =	ssub.s32 $0x0, s20;
	[sflag:s22] =	ssyncset.done $0x0  }
0xa1: {  	[sflag:s22] =	ssyncadd.s32 s5;
	_ =	sdelay $0x1  }
0xa2: {  	s23 =	simm.s32 $0x1B8B  }
0xa3: {  	_ =	swait.ge [sflag:s23], $0x1  }
0xa4: {  	[sflag:s23] =	ssyncset.done $0x0  }
0xa5: {  	s25 =	simm.s32 $0x1B8E;
	s24 =	sld [smem:$0x3FFE];
	[sflag:s23] =	ssyncadd.s32 $0xFFFFFFFF  }
0xa6: {  	s26 =	simm.s32 $execute0_lowered;
	[smem:$0x3FD2] =	sst s25  }
0xa7: {  	s6 =	sshll.u32 s26, $0x1;
	_ =	strace $0x80000046;
	[dreg:$0x1] =	wrdreg $0xFFFFFFFF  }
0xa8: {  	s28 =	simm.s32 $_size_execute0_lowered;
	s4 =	sadd.s32 s4, s6;
	[dreg:$0x0] =	wrdreg $0x0  }
0xa9: {  	s6 =	sshll.u32 s28, $0x1;
	[dreg:$0x2] =	wrdreg s4  }
0xaa: {  	[dreg:$0x3] =	wrdreg s6  }
0xab: {  	[dreg:$0x4] =	wrdreg $0xC0  }
0xac: {  	_ =	task [dreg:s8], $0x5FFFF  }
0xad: {  	[dreg:$0x1] =	wrdreg $0xFFFFFFFF  }
0xae: {  	[dreg:$0x0] =	wrdreg $0x60  }
0xaf: {  	[dreg:$0x2] =	wrdreg s24  }
0xb0: {  	[dreg:$0x3] =	wrdreg s2  }
0xb1: {  	[dreg:$0x4] =	wrdreg s18  }
0xb2: {  	[dreg:$0x5] =	wrdreg $0x9  }
0xb3: {  	_ =	task.clear_ibuf [dreg:s8], $0x6FFFF;
	_ =	strace $0x90000046  }
0xb4: {  	s29 =	simm.s32 $0x9;
	_ =	strace $0x80000048  }
0xb5: {  	_ =	swait.ge [sflag:s29], $0x1  }
0xb6: {  	[sflag:s29] =	ssyncadd.s32 $0xFFFFFFFF  }
0xb7: {  	_ =	strace $0x90000048  }
0xb8: {  	_ =	sfence  }
0xb9: {  	s30 =	sld [smem:$0x0];
	_ =	sdelay $0x2  }
0xba: {  	s31 =	sshll.u32 s1, $0xD;
	s1 =	sshrl.u32 s1, $0x2  }
0xbb: {  	s3 =	sand.u32 $0x4000, s31;
	s1 =	sadd.s32 s1, s30  }
0xbc: {  	s0 =	sor.u32 s3, s0;
	s1 =	sshll.u32 s1, $0x11  }
0xbd: {  	s0 =	sor.u32 s1, s0  }
0xbe: {  	s0 =	sadd.s32 $0x8F2B, s0  }
0xbf: {  	[sflag:s0] =	ssyncadd.remote.s32 $0x1  }
0xc0: {  	_ =	sfence.sel $0xFFFF  }
0xc1: {  	[dreg:$0x0] =	wrdreg $0xFFFFFFFF;
	(pc) =	sbr.abs _section_cstart, $3  }
0xc2: {  	[dreg:$0x1] =	wrdreg $0xFFFFFFFF  }
0xc3: {  	_ =	task.clear_ibuf [dreg:s8], $0x2FFFF;
	_ =	strace $0x9FFFFFFF  }
0xc4: {  	(tm) =	ssettm $0x7FFFFFFF  }
0xc5: {  	_ =	shalt  }
tec
execute0_lowered:
.L_overlay_start_1:
0x0: {  	(tag) =	ssettag $0x1  }
0x1: {  	s0 =	rddreg [dreg:$0x0]  }
0x2: {  	s1 =	rddreg [dreg:$0x2];
	s3 =	simm.s32 $0x0  }
0x3: {  	s2 =	srdreg.scid;
	s13 =	stileid.u32;
	s16 =	simm.s32 $0x1  }
0x4: {  	s19 =	simm.s32 $0x11500;
	s20 =	simm.s32 $0x11700;
	s21 =	simm.s32 $0x1900  }
0x5: {  	s22 =	simm.s32 $0x9500;
	s28 =	simm.s32 $0x5;
	s29 =	simm.s32 $0x7  }
0x6: {  	s30 =	simm.s32 $0x0;
	[smem:$0x7FF] =	sst s3;
	s2 =	sand.u32 $0x1, s2  }
0x7: {  	s4 =	sshll.u32 s13, $0x1;
	s5 =	sadd.s32 $0x400, s0;
	s6 =	sshll.u32 s13, $0x7  }
0x8: {  	p0 =	slt.u32 s13, $0x8;
	p1 =	sgt.u32 s13, $0x7;
	_ =	strace $0x80000047  }
0x9: {  	s4 =	sor.u32 s2, s4;
	s2 =	ssub.s32 $0x2, s2;
	s9 =	sand.u32 $0x600, s6  }
0xa: {  	s7 =	sshll.u32 s4, $0x4;
	s23 =	sshrl.u32 s2, $0x1;
	s11 =	smul.u32 $0xFC00, s4  }
0xb: {  	s6 =	sadd.s32 $0x313C00, s0;
	s10 =	sand.u32 $0x70, s7;
	s24 =	ssub.s32 s2, s23  }
0xc: {  	s23 =	simm.s32 $0x4;
	s8 =	sor.u32 s9, s10;
	s26 =	sshrl.u32 s11, $0x3  }
0xd: {  	s15 =	smax.u32 s24, $0x1;
	s24 =	simm.s32 $0x2;
	s7 =	sadd.s32 s1, s8  }
.Ltmp0:
0xe: {  	s1 =	sadd.s32 s1, s9;
	s9 =	sadd.s32 s5, s26;
	(pc) =	sbr.rel .LBB2_1-.Ltmp0, $4  }
0xf: {  	v0 =	vlaneseq.u32;
	s31 =	sadd.s32 s6, s26;
	s26 =	simm.s32 $0x6;
	s25 =	sadd.s32 $0x800, s7  }
0x10: {  	v1 =	vor.u32 $0x10, v0;
	s10 =	sadd.s32 s10, s1;
	s2 =	sadd.s32 $0x2F4000, s31;
	[dreg:$0x4] =	wrdreg s25  }
0x11: {  	v2 =	vor.u32 $0x20, v0;
	v3 =	vor.u32 $0x30, v0;
	v4 =	vor.u32 $0x40, v0;
	s11 =	sadd.s32 $0xF80, s9;
	s1 =	sadd.s32 $0x2F4F80, s31;
	[dreg:$0x5] =	wrdreg s2  }
0x12: {  	v5 =	vor.u32 $0x50, v0;
	v6 =	vor.u32 $0x60, v0;
	v7 =	vor.u32 $0x70, v0;
	s12 =	sadd.s32 $0x1800, s10;
	[dreg:$0x6] =	wrdreg s1;
	s25 =	simm.s32 $0x3  }
.LBB2_18:
0x13: {  	s30 =	sadd.s32 $0x1, s30  }
0x14: {  	_ =	swait.ge [sflag:s26], $0x7C00;
	p2 =	sne.s32 s30, s15  }
.Ltmp1:
0x15: {  	[sflag:s26] =	ssyncset.done $0x0;
	(pc) =	sbr.rel @!p2 .LBB2_19-.Ltmp1, $4  }
0x16: {  	[sflag:s26] =	ssyncadd.s32 $0xFFFF8400  }
0x17: {  	_ =	swait.ge [sflag:s29], $0x7E00  }
0x18: {  	[sflag:s29] =	ssyncset.done $0x0  }
0x19: {  	[sflag:s29] =	ssyncadd.s32 $0xFFFF8200  }
.LBB2_1:
0x1a: {  	s0 =	rddreg [dreg:$0x1]  }
0x1b: {  	[tilespmem:s3], [sflag:$0x1] =	stream.linear.gather [hbm4b:s0+s3], $0x1900, $0x38;
	[tilespmem:$0x11900] =	vst v63  }
0x1c: {  	_ =	swait.ge [sflag:s16], $0x1900  }
0x1d: {  	[sflag:s16] =	ssyncset.done $0x0  }
0x1e: {  	s1 =	simm.s32 $0x80;
	s2 =	simm.s32 $0x400;
	[sflag:s16] =	ssyncadd.s32 $0xFFFFE700  }
0x1f: {  	[tilespmem:s19], [sflag:$0x4] =	stream.strided.gather [hbm4b:s7+s1], $0x200, s2, s1, $0x38;
	[tilespmem:$0x11900] =	vst v63  }
0x20: {  	s18 =	rddreg [dreg:$0x4]  }
0x21: {  	[tilespmem:s20], [sflag:$0x5] =	stream.strided.gather [hbm4b:s18+s1], $0x200, s2, s1, $0x38;
	[tilespmem:$0x11900] =	vst v63  }
0x22: {  	_ = 	snop  }
0x23: {  	[tilespmem:s21], [sflag:$0x2] =	stream.linear.gather [hbm4b:s9+s3], $0x7C00, $0x38;
	[tilespmem:$0x11900] =	vst v63  }
0x24: {  	s31 =	simm.s32 $0x0  }
0x25: {  	[tilespmem:s22], [sflag:$0x3] =	stream.linear.gather [hbm4b:s11+s3], $0x7E00, $0x38;
	[tilespmem:$0x11900] =	vst v63  }
.LBB2_2:
0x26: {  	s0 =	simm.s32 $0x0  }
0x27: {  	_ =	swait.ge [sflag:s23], $0x200;
	s8 =	simm.s32 $0x1;
	v8 =	vmov s0  }
0x28: {  	[sflag:s23] =	ssyncset.done $0x0;
	v9 =	vmov s8;
	v8 =	vand.u32 $0xFFFFFFFE, v8  }
0x29: {  	[sflag:s23] =	ssyncadd.s32 $0xFFFFFE00;
	v8 =	vbroadcast v8, $0x0  }
0x2a: {  	_ =	swait.ge [sflag:s24], $0x7C00  }
0x2b: {  	[sflag:s24] =	ssyncset.done $0x0  }
0x2c: {  	[sflag:s24] =	ssyncadd.s32 $0xFFFF8400  }
0x2d: {  	v9 =	vld.idx.msk [tilespmem:v9+s19+$0x0], $0xffff;
	_ =	sdelay $0x1  }
0x2e: {  	v8 =	vld.idx.msk [tilespmem:v8+s19+$0x0], $0xffff;
	_ =	sdelay $0x2  }
0x2f: {  	v12 =	vshll.u32 v9, $0x7  }
0x30: {  	v9 =	vor.u32 v0, v12  }
0x31: {  	v10 =	vshll.u32 v8, $0x7  }
0x32: {  	v8 =	vor.u32 v0, v10;
	_ =	sdelay $0x2  }
0x33: {  	v9 =	vld.idx.msk [tilespmem:v9+s3+$0x0], $0xffff  }
0x34: {  	v13 =	vor.u32 v1, v12  }
0x35: {  	v8 =	vld.idx.msk [tilespmem:v8+s3+$0x0], $0xffff  }
0x36: {  	v11 =	vor.u32 v1, v10  }
0x37: {  	s2 =	simm.s32 $0x1980  }
0x38: {  	[tilespmem:s2+$0x0] =	vst.add.f32.msk $0xffff, v9  }
0x39: {  	v13 =	vld.idx.msk [tilespmem:v13+s3+$0x0], $0xffff  }
0x3a: {  	s13 =	simm.s32 $0x2;
	v14 =	vor.u32 v2, v12;
	[tilespmem:s2+$0xFFFFFF80] =	vst.add.f32.msk $0xffff, v8  }
0x3b: {  	v9 =	vmov s13;
	v8 =	vld.idx.msk [tilespmem:v11+s3+$0x0], $0xffff  }
0x3c: {  	v9 =	vand.u32 $0xFFFFFFFE, v9;
	v11 =	vor.u32 v2, v10  }
0x3d: {  	v9 =	vbroadcast v9, $0x0  }
0x3e: {  	[tilespmem:s2+$0x10] =	vst.add.f32.msk $0xffff, v13  }
0x3f: {  	v13 =	vld.idx.msk [tilespmem:v14+s3+$0x0], $0xffff  }
0x40: {  	v14 =	vor.u32 v3, v12;
	[tilespmem:s2+$0xFFFFFF90] =	vst.add.f32.msk $0xffff, v8  }
0x41: {  	v8 =	vld.idx.msk [tilespmem:v11+s3+$0x0], $0xffff  }
0x42: {  	s14 =	simm.s32 $0x3;
	v11 =	vor.u32 v3, v10  }
0x43: {  	v15 =	vmov s14;
	v9 =	vld.idx.msk [tilespmem:v9+s19+$0x0], $0xffff  }
0x44: {  	[tilespmem:s2+$0x20] =	vst.add.f32.msk $0xffff, v13  }
0x45: {  	v13 =	vld.idx.msk [tilespmem:v14+s3+$0x0], $0xffff  }
0x46: {  	v14 =	vor.u32 v4, v12;
	[tilespmem:s2+$0xFFFFFFA0] =	vst.add.f32.msk $0xffff, v8  }
0x47: {  	v8 =	vld.idx.msk [tilespmem:v11+s3+$0x0], $0xffff  }
0x48: {  	v11 =	vld.idx.msk [tilespmem:v15+s19+$0x0], $0xffff;
	v15 =	vor.u32 v4, v10  }
0x49: {  	s17 =	simm.s32 $0x5  }
0x4a: {  	v16 =	vmov s17;
	v17 =	vshll.u32 v9, $0x7;
	[tilespmem:s2+$0x30] =	vst.add.f32.msk $0xffff, v13  }
0x4b: {  	v9 =	vor.u32 v0, v17;
	v14 =	vld.idx.msk [tilespmem:v14+s3+$0x0], $0xffff  }
0x4c: {  	[tilespmem:s2+$0xFFFFFFB0] =	vst.add.f32.msk $0xffff, v8  }
0x4d: {  	v8 =	vshll.u32 v11, $0x7;
	v15 =	vld.idx.msk [tilespmem:v15+s3+$0x0], $0xffff  }
0x4e: {  	v13 =	vor.u32 v0, v8  }
0x4f: {  	v16 =	vld.idx.msk [tilespmem:v16+s19+$0x0], $0xffff;
	v11 =	vor.u32 v5, v10  }
0x50: {  	v9 =	vld.idx.msk [tilespmem:v9+s3+$0x0], $0xffff  }
0x51: {  	v18 =	vor.u32 v5, v12;
	[tilespmem:s2+$0x40] =	vst.add.f32.msk $0xffff, v14  }
0x52: {  	[tilespmem:s2+$0xFFFFFFC0] =	vst.add.f32.msk $0xffff, v15;
	v15 =	vor.u32 v1, v17  }
0x53: {  	v13 =	vld.idx.msk [tilespmem:v13+s3+$0x0], $0xffff  }
0x54: {  	s0 =	simm.s32 $0x1A80;
	v11 =	vld.idx.msk [tilespmem:v11+s3+$0x0], $0xffff  }
0x55: {  	[tilespmem:s0+$0xFFFFFF80] =	vst.add.f32.msk $0xffff, v9;
	v9 =	vor.u32 v1, v8  }
0x56: {  	v19 =	vor.u32 v6, v10;
	v14 =	vld.idx.msk [tilespmem:v18+s3+$0x0], $0xffff  }
0x57: {  	v15 =	vld.idx.msk [tilespmem:v15+s3+$0x0], $0xffff  }
0x58: {  	[tilespmem:s0+$0x0] =	vst.add.f32.msk $0xffff, v13  }
0x59: {  	[tilespmem:s2+$0xFFFFFFD0] =	vst.add.f32.msk $0xffff, v11;
	v11 =	vor.u32 v2, v17  }
0x5a: {  	s1 =	simm.s32 $0x4;
	v9 =	vld.idx.msk [tilespmem:v9+s3+$0x0], $0xffff  }
0x5b: {  	v13 =	vmov s1;
	v18 =	vld.idx.msk [tilespmem:v19+s3+$0x0], $0xffff  }
0x5c: {  	v10 =	vor.u32 v7, v10;
	[tilespmem:s2+$0x50] =	vst.add.f32.msk $0xffff, v14;
	v13 =	vand.u32 $0xFFFFFFFE, v13  }
0x5d: {  	v14 =	vor.u32 v2, v8;
	v13 =	vbroadcast v13, $0x0;
	[tilespmem:s0+$0xFFFFFF90] =	vst.add.f32.msk $0xffff, v15  }
0x5e: {  	v11 =	vld.idx.msk [tilespmem:v11+s3+$0x0], $0xffff  }
0x5f: {  	[tilespmem:s0+$0x10] =	vst.add.f32.msk $0xffff, v9  }
0x60: {  	v15 =	vor.u32 v3, v17;
	[tilespmem:s2+$0xFFFFFFE0] =	vst.add.f32.msk $0xffff, v18  }
0x61: {  	v10 =	vld.idx.msk [tilespmem:v10+s3+$0x0], $0xffff  }
0x62: {  	v9 =	vld.idx.msk [tilespmem:v14+s3+$0x0], $0xffff;
	v14 =	vor.u32 v6, v12  }
0x63: {  	v13 =	vld.idx.msk [tilespmem:v13+s19+$0x0], $0xffff  }
0x64: {  	s18 =	simm.s32 $0x7;
	[tilespmem:s0+$0xFFFFFFA0] =	vst.add.f32.msk $0xffff, v11;
	v11 =	vor.u32 v3, v8  }
0x65: {  	v18 =	vmov s18;
	v15 =	vld.idx.msk [tilespmem:v15+s3+$0x0], $0xffff  }
0x66: {  	[tilespmem:s2+$0xFFFFFFF0] =	vst.add.f32.msk $0xffff, v10  }
0x67: {  	v10 =	vld.idx.msk [tilespmem:v14+s3+$0x0], $0xffff;
	v14 =	vor.u32 v4, v17  }
0x68: {  	[tilespmem:s0+$0x20] =	vst.add.f32.msk $0xffff, v9;
	v9 =	vshll.u32 v13, $0x7  }
0x69: {  	v13 =	vor.u32 v0, v9;
	v19 =	vld.idx.msk [tilespmem:v11+s3+$0x0], $0xffff  }
0x6a: {  	v11 =	vld.idx.msk [tilespmem:v18+s19+$0x0], $0xffff  }
0x6b: {  	v18 =	vor.u32 v4, v8;
	[tilespmem:s0+$0xFFFFFFB0] =	vst.add.f32.msk $0xffff, v15  }
0x6c: {  	v14 =	vld.idx.msk [tilespmem:v14+s3+$0x0], $0xffff  }
0x6d: {  	v15 =	vor.u32 v5, v17;
	[tilespmem:s2+$0x60] =	vst.add.f32.msk $0xffff, v10;
	v10 =	vshll.u32 v16, $0x7  }
0x6e: {  	v16 =	vor.u32 v0, v10;
	v13 =	vld.idx.msk [tilespmem:v13+s3+$0x0], $0xffff  }
0x6f: {  	[tilespmem:s0+$0x30] =	vst.add.f32.msk $0xffff, v19  }
0x70: {  	v18 =	vld.idx.msk [tilespmem:v18+s3+$0x0], $0xffff  }
0x71: {  	v19 =	vor.u32 v5, v8;
	[tilespmem:s0+$0xFFFFFFC0] =	vst.add.f32.msk $0xffff, v14  }
0x72: {  	v14 =	vor.u32 v1, v9;
	v15 =	vld.idx.msk [tilespmem:v15+s3+$0x0], $0xffff  }
0x73: {  	s1 =	simm.s32 $0x1B80;
	v16 =	vld.idx.msk [tilespmem:v16+s3+$0x0], $0xffff  }
0x74: {  	[tilespmem:s1+$0xFFFFFF80] =	vst.add.f32.msk $0xffff, v13  }
0x75: {  	v20 =	vor.u32 v6, v17;
	[tilespmem:s0+$0x40] =	vst.add.f32.msk $0xffff, v18  }
0x76: {  	v13 =	vor.u32 v1, v10;
	v18 =	vld.idx.msk [tilespmem:v19+s3+$0x0], $0xffff  }
0x77: {  	v14 =	vld.idx.msk [tilespmem:v14+s3+$0x0], $0xffff  }
0x78: {  	[tilespmem:s0+$0xFFFFFFD0] =	vst.add.f32.msk $0xffff, v15  }
0x79: {  	v15 =	vor.u32 v2, v9;
	[tilespmem:s1+$0x0] =	vst.add.f32.msk $0xffff, v16  }
0x7a: {  	s13 =	simm.s32 $0x6;
	v12 =	vor.u32 v7, v12;
	v19 =	vld.idx.msk [tilespmem:v20+s3+$0x0], $0xffff  }
0x7b: {  	v16 =	vmov s13;
	v13 =	vld.idx.msk [tilespmem:v13+s3+$0x0], $0xffff  }
0x7c: {  	[tilespmem:s0+$0x50] =	vst.add.f32.msk $0xffff, v18;
	v18 =	vand.u32 $0xFFFFFFFE, v16;
	v16 =	vor.u32 v7, v17  }
0x7d: {  	[tilespmem:s1+$0xFFFFFF90] =	vst.add.f32.msk $0xffff, v14  }
0x7e: {  	v17 =	vor.u32 v2, v10;
	v14 =	vld.idx.msk [tilespmem:v15+s3+$0x0], $0xffff;
	v15 =	vbroadcast v18, $0x0  }
0x7f: {  	v12 =	vld.idx.msk [tilespmem:v12+s3+$0x0], $0xffff  }
0x80: {  	s13 =	simm.s32 $0x8;
	[tilespmem:s0+$0xFFFFFFE0] =	vst.add.f32.msk $0xffff, v19  }
.LBB2_3:
0x81: {  	p2 =	slt.u32 s13, $0xF6;
	v18 =	vor.u32 v3, v9;
	v16 =	vld.idx.msk [tilespmem:v16+s3+$0x0], $0xffff  }
0x82: {  	[tilespmem:s1+$0x10] =	vst.add.f32.msk $0xffff, v13  }
0x83: {  	v13 =	vld.idx.msk [tilespmem:v17+s3+$0x0], $0xffff;
	v17 =	vor.u32 v6, v8  }
0x84: {  	v15 =	vld.idx.msk [tilespmem:v15+s19+$0x0], $0xffff  }
0x85: {  	[tilespmem:s1+$0xFFFFFFA0] =	vst.add.f32.msk $0xffff, v14;
	v14 =	vor.u32 v3, v10  }
0x86: {  	s14 =	sadd.s32 $0x1, s13;
	v18 =	vld.idx.msk [tilespmem:v18+s3+$0x0], $0xffff  }
0x87: {  	v19 =	vmov s14;
	[tilespmem:s0+$0xFFFFFFF0] =	vst.add.f32.msk $0xffff, v16  }
0x88: {  	v16 =	vld.idx.msk [tilespmem:v17+s3+$0x0], $0xffff  }
0x89: {  	v17 =	vor.u32 v4, v9;
	[tilespmem:s1+$0x20] =	vst.add.f32.msk $0xffff, v13  }
0x8a: {  	v13 =	vld.idx.msk [tilespmem:v14+s3+$0x0], $0xffff  }
0x8b: {  	[tilespmem:s2+$0x70] =	vst.add.f32.msk $0xffff, v12;
	s2 =	smov.u32 s0;
	s0 =	smov.u32 s1  }
0x8c: {  	v12 =	vor.u32 v4, v10;
	v14 =	vld.idx.msk [tilespmem:v19+s19+$0x0], $0xffff  }
0x8d: {  	v15 =	vshll.u32 v15, $0x7;
	[tilespmem:s1+$0xFFFFFFB0] =	vst.add.f32.msk $0xffff, v18;
	v18 =	vor.u32 v7, v8;
	v8 =	vmov v10  }
0x8e: {  	v19 =	vor.u32 v0, v15;
	v17 =	vld.idx.msk [tilespmem:v17+s3+$0x0], $0xffff  }
0x8f: {  	[tilespmem:s2+$0x60] =	vst.add.f32.msk $0xffff, v16  }
0x90: {  	v10 =	vshll.u32 v11, $0x7;
	v16 =	vor.u32 v5, v9;
	[tilespmem:s1+$0x30] =	vst.add.f32.msk $0xffff, v13  }
0x91: {  	v13 =	vor.u32 v0, v10;
	v20 =	vld.idx.msk [tilespmem:v12+s3+$0x0], $0xffff  }
0x92: {  	v11 =	vmov v14;
	v12 =	vld.idx.msk [tilespmem:v18+s3+$0x0], $0xffff  }
0x93: {  	v18 =	vor.u32 v5, v8;
	v14 =	vld.idx.msk [tilespmem:v19+s3+$0x0], $0xffff  }
0x94: {  	[tilespmem:s1+$0xFFFFFFC0] =	vst.add.f32.msk $0xffff, v17  }
0x95: {  	v17 =	vor.u32 v1, v15;
	v16 =	vld.idx.msk [tilespmem:v16+s3+$0x0], $0xffff  }
0x96: {  	v13 =	vld.idx.msk [tilespmem:v13+s3+$0x0], $0xffff  }
0x97: {  	v19 =	vor.u32 v6, v9;
	[tilespmem:s1+$0x40] =	vst.add.f32.msk $0xffff, v20  }
0x98: {  	s1 =	sadd.s32 $0x100, s1;
	v18 =	vld.idx.msk [tilespmem:v18+s3+$0x0], $0xffff  }
0x99: {  	[tilespmem:s1+$0xFFFFFF80] =	vst.add.f32.msk $0xffff, v14;
	v14 =	vor.u32 v1, v10  }
0x9a: {  	v17 =	vld.idx.msk [tilespmem:v17+s3+$0x0], $0xffff  }
0x9b: {  	[tilespmem:s0+$0xFFFFFFD0] =	vst.add.f32.msk $0xffff, v16  }
0x9c: {  	v20 =	vor.u32 v2, v15;
	v19 =	vld.idx.msk [tilespmem:v19+s3+$0x0], $0xffff  }
0x9d: {  	[tilespmem:s1+$0x0] =	vst.add.f32.msk $0xffff, v13  }
.Ltmp2:
0x9e: {  	v21 =	vmov s13;
	v16 =	vor.u32 v7, v9;
	v9 =	vmov v15;
	v13 =	vld.idx.msk [tilespmem:v14+s3+$0x0], $0xffff;
	(pc) =	sbr.rel @p2 .LBB2_3-.Ltmp2, $4  }
0x9f: {  	v14 =	vand.u32 $0xFFFFFFFE, v21;
	[tilespmem:s0+$0x50] =	vst.add.f32.msk $0xffff, v18  }
0xa0: {  	v15 =	vbroadcast v14, $0x0;
	[tilespmem:s1+$0xFFFFFF90] =	vst.add.f32.msk $0xffff, v17;
	v17 =	vor.u32 v2, v10  }
0xa1: {  	v14 =	vld.idx.msk [tilespmem:v20+s3+$0x0], $0xffff  }
0xa2: {  	s13 =	sadd.s32 $0x2, s13;
	[tilespmem:s0+$0xFFFFFFE0] =	vst.add.f32.msk $0xffff, v19  }
0xa3: {  	_ =	sdelay $0x3  }
0xa4: {  	v16 =	vld.idx.msk [tilespmem:v16+s3+$0x0], $0xffff  }
0xa5: {  	v18 =	vor.u32 v3, v9;
	[tilespmem:s1+$0x10] =	vst.add.f32.msk $0xffff, v13  }
0xa6: {  	v15 =	vld.idx.msk [tilespmem:v15+s19+$0x0], $0xffff  }
0xa7: {  	v13 =	vld.idx.msk [tilespmem:v17+s3+$0x0], $0xffff;
	v17 =	vor.u32 v6, v8  }
0xa8: {  	[tilespmem:s2+$0x70] =	vst.add.f32.msk $0xffff, v12  }
0xa9: {  	[tilespmem:s1+$0xFFFFFFA0] =	vst.add.f32.msk $0xffff, v14  }
0xaa: {  	v11 =	vshll.u32 v11, $0x7;
	v14 =	vor.u32 v3, v10;
	v18 =	vld.idx.msk [tilespmem:v18+s3+$0x0], $0xffff  }
0xab: {  	v12 =	vor.u32 v0, v11;
	[tilespmem:s0+$0xFFFFFFF0] =	vst.add.f32.msk $0xffff, v16  }
0xac: {  	v16 =	vld.idx.msk [tilespmem:v17+s3+$0x0], $0xffff  }
0xad: {  	v17 =	vor.u32 v4, v9;
	[tilespmem:s1+$0x20] =	vst.add.f32.msk $0xffff, v13;
	v13 =	vshll.u32 v15, $0x7  }
0xae: {  	v15 =	vor.u32 v0, v13  }
0xaf: {  	v14 =	vld.idx.msk [tilespmem:v14+s3+$0x0], $0xffff  }
0xb0: {  	v12 =	vld.idx.msk [tilespmem:v12+s3+$0x0], $0xffff  }
0xb1: {  	[tilespmem:s1+$0xFFFFFFB0] =	vst.add.f32.msk $0xffff, v18;
	v18 =	vor.u32 v4, v10  }
0xb2: {  	v17 =	vld.idx.msk [tilespmem:v17+s3+$0x0], $0xffff  }
0xb3: {  	v15 =	vld.idx.msk [tilespmem:v15+s3+$0x0], $0xffff  }
0xb4: {  	[tilespmem:s1+$0x30] =	vst.add.f32.msk $0xffff, v14;
	v14 =	vor.u32 v1, v13  }
0xb5: {  	v8 =	vor.u32 v7, v8;
	[tilespmem:s0+$0x60] =	vst.add.f32.msk $0xffff, v16  }
0xb6: {  	s13 =	sadd.s32 $0x100, s1;
	v16 =	vld.idx.msk [tilespmem:v18+s3+$0x0], $0xffff;
	v18 =	vor.u32 v1, v11  }
0xb7: {  	[tilespmem:s13+$0x0] =	vst.add.f32.msk $0xffff, v12  }
0xb8: {  	v19 =	vor.u32 v5, v9;
	[tilespmem:s13+$0xFFFFFF80] =	vst.add.f32.msk $0xffff, v15  }
0xb9: {  	v14 =	vld.idx.msk [tilespmem:v14+s3+$0x0], $0xffff  }
0xba: {  	v8 =	vld.idx.msk [tilespmem:v8+s3+$0x0], $0xffff;
	v15 =	vor.u32 v2, v13  }
0xbb: {  	v12 =	vld.idx.msk [tilespmem:v18+s3+$0x0], $0xffff  }
0xbc: {  	[tilespmem:s1+$0xFFFFFFC0] =	vst.add.f32.msk $0xffff, v17;
	v17 =	vor.u32 v2, v11  }
0xbd: {  	v18 =	vld.idx.msk [tilespmem:v19+s3+$0x0], $0xffff  }
0xbe: {  	v19 =	vor.u32 v5, v10;
	[tilespmem:s13+$0xFFFFFF90] =	vst.add.f32.msk $0xffff, v14  }
0xbf: {  	v14 =	vld.idx.msk [tilespmem:v15+s3+$0x0], $0xffff  }
0xc0: {  	v15 =	vor.u32 v3, v13;
	[tilespmem:s13+$0x10] =	vst.add.f32.msk $0xffff, v12  }
0xc1: {  	v12 =	vld.idx.msk [tilespmem:v17+s3+$0x0], $0xffff  }
0xc2: {  	[tilespmem:s1+$0x40] =	vst.add.f32.msk $0xffff, v16;
	v16 =	vor.u32 v3, v11  }
0xc3: {  	v17 =	vld.idx.msk [tilespmem:v19+s3+$0x0], $0xffff  }
0xc4: {  	v19 =	vor.u32 v6, v9;
	[tilespmem:s13+$0xFFFFFFA0] =	vst.add.f32.msk $0xffff, v14  }
0xc5: {  	v14 =	vld.idx.msk [tilespmem:v15+s3+$0x0], $0xffff  }
0xc6: {  	v15 =	vor.u32 v4, v13;
	[tilespmem:s13+$0x20] =	vst.add.f32.msk $0xffff, v12  }
0xc7: {  	v12 =	vld.idx.msk [tilespmem:v16+s3+$0x0], $0xffff  }
0xc8: {  	[tilespmem:s1+$0xFFFFFFD0] =	vst.add.f32.msk $0xffff, v18;
	v16 =	vor.u32 v4, v11  }
0xc9: {  	v18 =	vld.idx.msk [tilespmem:v19+s3+$0x0], $0xffff  }
0xca: {  	[tilespmem:s13+$0xFFFFFFB0] =	vst.add.f32.msk $0xffff, v14  }
0xcb: {  	v14 =	vld.idx.msk [tilespmem:v15+s3+$0x0], $0xffff  }
0xcc: {  	v15 =	vor.u32 v5, v13;
	[tilespmem:s13+$0x30] =	vst.add.f32.msk $0xffff, v12  }
0xcd: {  	v12 =	vld.idx.msk [tilespmem:v16+s3+$0x0], $0xffff  }
0xce: {  	[tilespmem:s1+$0x50] =	vst.add.f32.msk $0xffff, v17;
	v16 =	vor.u32 v5, v11  }
0xcf: {  	v17 =	vor.u32 v6, v10;
	[tilespmem:s1+$0xFFFFFFE0] =	vst.add.f32.msk $0xffff, v18  }
0xd0: {  	v9 =	vor.u32 v7, v9;
	[tilespmem:s13+$0xFFFFFFC0] =	vst.add.f32.msk $0xffff, v14  }
0xd1: {  	v14 =	vld.idx.msk [tilespmem:v15+s3+$0x0], $0xffff  }
0xd2: {  	v15 =	vor.u32 v6, v13;
	[tilespmem:s13+$0x40] =	vst.add.f32.msk $0xffff, v12  }
0xd3: {  	v12 =	vld.idx.msk [tilespmem:v16+s3+$0x0], $0xffff  }
0xd4: {  	v17 =	vld.idx.msk [tilespmem:v17+s3+$0x0], $0xffff;
	v16 =	vor.u32 v6, v11  }
0xd5: {  	v9 =	vld.idx.msk [tilespmem:v9+s3+$0x0], $0xffff  }
0xd6: {  	v10 =	vor.u32 v7, v10;
	[tilespmem:s13+$0xFFFFFFD0] =	vst.add.f32.msk $0xffff, v14  }
0xd7: {  	v14 =	vld.idx.msk [tilespmem:v15+s3+$0x0], $0xffff  }
0xd8: {  	v13 =	vor.u32 v7, v13;
	[tilespmem:s13+$0x50] =	vst.add.f32.msk $0xffff, v12  }
0xd9: {  	v12 =	vld.idx.msk [tilespmem:v16+s3+$0x0], $0xffff  }
0xda: {  	[tilespmem:s1+$0x60] =	vst.add.f32.msk $0xffff, v17;
	v11 =	vor.u32 v7, v11  }
0xdb: {  	v10 =	vld.idx.msk [tilespmem:v10+s3+$0x0], $0xffff  }
0xdc: {  	[tilespmem:s13+$0xFFFFFFE0] =	vst.add.f32.msk $0xffff, v14  }
0xdd: {  	v13 =	vld.idx.msk [tilespmem:v13+s3+$0x0], $0xffff  }
0xde: {  	[tilespmem:s13+$0x60] =	vst.add.f32.msk $0xffff, v12  }
0xdf: {  	s18 =	sshll.u32 s31, $0x6;
	v11 =	vld.idx.msk [tilespmem:v11+s3+$0x0], $0xffff  }
0xe0: {  	s14 =	simm.s32 $0xF8;
	s2 =	sor.u32 s4, s18;
	[tilespmem:s0+$0x70] =	vst.add.f32.msk $0xffff, v8  }
0xe1: {  	s8 =	smul.u32 $0xFC00, s2;
	v8 =	vmov s14;
	[tilespmem:s1+$0xFFFFFFF0] =	vst.add.f32.msk $0xffff, v9  }
0xe2: {  	v8 =	vand.u32 $0xFFFFFFFE, v8;
	[tilespmem:s1+$0x70] =	vst.add.f32.msk $0xffff, v10  }
0xe3: {  	s2 =	sshrl.u32 s8, $0x3;
	v8 =	vbroadcast v8, $0x0;
	[tilespmem:s13+$0xFFFFFFF0] =	vst.add.f32.msk $0xffff, v13  }
0xe4: {  	s17 =	simm.s32 $0xF9;
	s0 =	sadd.s32 s6, s2;
	[tilespmem:s13+$0x70] =	vst.add.f32.msk $0xffff, v11  }
0xe5: {  	v9 =	vmov s17;
	[hbm4b:s0+s3] =	stream.linear.scatter [tilespmem:s21], [sflag:$0x6], $0x7C00, $0x38;
	[tilespmem:$0x11900] =	vst v63  }
0xe6: {  	_ =	swait.ge [sflag:s25], $0x7E00  }
0xe7: {  	[sflag:s25] =	ssyncset.done $0x0  }
0xe8: {  	[sflag:s25] =	ssyncadd.s32 $0xFFFF8200  }
0xe9: {  	v8 =	vld.idx.msk [tilespmem:v8+s19+$0x0], $0xffff  }
0xea: {  	v9 =	vld.idx.msk [tilespmem:v9+s19+$0x0], $0xffff;
	_ =	sdelay $0x3  }
0xeb: {  	v10 =	vshll.u32 v8, $0x7  }
0xec: {  	v12 =	vshll.u32 v9, $0x7;
	v8 =	vor.u32 v0, v10  }
0xed: {  	v9 =	vor.u32 v0, v12;
	_ =	sdelay $0x3  }
0xee: {  	v8 =	vld.idx.msk [tilespmem:v8+s3+$0x0], $0xffff  }
0xef: {  	v9 =	vld.idx.msk [tilespmem:v9+s3+$0x0], $0xffff  }
0xf0: {  	v11 =	vor.u32 v1, v10  }
0xf1: {  	v13 =	vor.u32 v1, v12  }
0xf2: {  	s14 =	simm.s32 $0x9500  }
0xf3: {  	[tilespmem:s14+$0x0] =	vst.add.f32.msk $0xffff, v8  }
0xf4: {  	[tilespmem:s14+$0x80] =	vst.add.f32.msk $0xffff, v9  }
0xf5: {  	v8 =	vld.idx.msk [tilespmem:v11+s3+$0x0], $0xffff  }
0xf6: {  	v13 =	vld.idx.msk [tilespmem:v13+s3+$0x0], $0xffff  }
0xf7: {  	s18 =	simm.s32 $0xFA;
	v11 =	vor.u32 v2, v10  }
0xf8: {  	v14 =	vor.u32 v2, v12;
	v9 =	vmov s18  }
0xf9: {  	v9 =	vand.u32 $0xFFFFFFFE, v9  }
0xfa: {  	v9 =	vbroadcast v9, $0x0;
	[tilespmem:s14+$0x10] =	vst.add.f32.msk $0xffff, v8  }
0xfb: {  	[tilespmem:s14+$0x90] =	vst.add.f32.msk $0xffff, v13  }
0xfc: {  	v8 =	vld.idx.msk [tilespmem:v11+s3+$0x0], $0xffff  }
0xfd: {  	v13 =	vld.idx.msk [tilespmem:v14+s3+$0x0], $0xffff  }
0xfe: {  	s8 =	simm.s32 $0xFB;
	v11 =	vor.u32 v3, v10  }
0xff: {  	v15 =	vmov s8  }
0x100: {  	v14 =	vor.u32 v3, v12;
	v9 =	vld.idx.msk [tilespmem:v9+s19+$0x0], $0xffff  }
0x101: {  	[tilespmem:s14+$0x20] =	vst.add.f32.msk $0xffff, v8  }
0x102: {  	[tilespmem:s14+$0xA0] =	vst.add.f32.msk $0xffff, v13  }
0x103: {  	v8 =	vld.idx.msk [tilespmem:v11+s3+$0x0], $0xffff  }
0x104: {  	v11 =	vld.idx.msk [tilespmem:v15+s19+$0x0], $0xffff;
	v15 =	vor.u32 v4, v10  }
0x105: {  	v13 =	vld.idx.msk [tilespmem:v14+s3+$0x0], $0xffff  }
0x106: {  	s13 =	simm.s32 $0xFD;
	v14 =	vor.u32 v4, v12  }
0x107: {  	v16 =	vmov s13;
	v17 =	vshll.u32 v9, $0x7  }
0x108: {  	v9 =	vor.u32 v0, v17;
	[tilespmem:s14+$0x30] =	vst.add.f32.msk $0xffff, v8  }
0x109: {  	v8 =	vshll.u32 v11, $0x7;
	v15 =	vld.idx.msk [tilespmem:v15+s3+$0x0], $0xffff  }
0x10a: {  	[tilespmem:s14+$0xB0] =	vst.add.f32.msk $0xffff, v13;
	v13 =	vor.u32 v0, v8  }
0x10b: {  	v14 =	vld.idx.msk [tilespmem:v14+s3+$0x0], $0xffff  }
0x10c: {  	v16 =	vld.idx.msk [tilespmem:v16+s19+$0x0], $0xffff;
	v11 =	vor.u32 v5, v10  }
0x10d: {  	v9 =	vld.idx.msk [tilespmem:v9+s3+$0x0], $0xffff  }
0x10e: {  	v18 =	vor.u32 v5, v12;
	[tilespmem:s14+$0x40] =	vst.add.f32.msk $0xffff, v15  }
0x10f: {  	v15 =	vor.u32 v1, v17;
	v13 =	vld.idx.msk [tilespmem:v13+s3+$0x0], $0xffff  }
0x110: {  	[tilespmem:s14+$0xC0] =	vst.add.f32.msk $0xffff, v14  }
0x111: {  	s13 =	simm.s32 $0x9600;
	v11 =	vld.idx.msk [tilespmem:v11+s3+$0x0], $0xffff  }
0x112: {  	[tilespmem:s13+$0x0] =	vst.add.f32.msk $0xffff, v9;
	v9 =	vor.u32 v1, v8  }
0x113: {  	v19 =	vor.u32 v6, v10;
	v14 =	vld.idx.msk [tilespmem:v18+s3+$0x0], $0xffff  }
0x114: {  	v15 =	vld.idx.msk [tilespmem:v15+s3+$0x0], $0xffff  }
0x115: {  	[tilespmem:s13+$0x80] =	vst.add.f32.msk $0xffff, v13  }
0x116: {  	[tilespmem:s14+$0x50] =	vst.add.f32.msk $0xffff, v11;
	v11 =	vor.u32 v2, v17  }
0x117: {  	s17 =	simm.s32 $0xFC;
	v9 =	vld.idx.msk [tilespmem:v9+s3+$0x0], $0xffff  }
0x118: {  	v13 =	vmov s17;
	v18 =	vld.idx.msk [tilespmem:v19+s3+$0x0], $0xffff  }
0x119: {  	v10 =	vor.u32 v7, v10;
	v13 =	vand.u32 $0xFFFFFFFE, v13;
	[tilespmem:s14+$0xD0] =	vst.add.f32.msk $0xffff, v14  }
0x11a: {  	v14 =	vor.u32 v2, v8;
	v13 =	vbroadcast v13, $0x0;
	[tilespmem:s13+$0x10] =	vst.add.f32.msk $0xffff, v15  }
0x11b: {  	v11 =	vld.idx.msk [tilespmem:v11+s3+$0x0], $0xffff  }
0x11c: {  	[tilespmem:s13+$0x90] =	vst.add.f32.msk $0xffff, v9  }
0x11d: {  	v15 =	vor.u32 v3, v17;
	[tilespmem:s14+$0x60] =	vst.add.f32.msk $0xffff, v18  }
0x11e: {  	v10 =	vld.idx.msk [tilespmem:v10+s3+$0x0], $0xffff  }
0x11f: {  	v9 =	vld.idx.msk [tilespmem:v14+s3+$0x0], $0xffff;
	v14 =	vor.u32 v6, v12  }
0x120: {  	v13 =	vld.idx.msk [tilespmem:v13+s19+$0x0], $0xffff  }
0x121: {  	s18 =	simm.s32 $0xFF;
	[tilespmem:s13+$0x20] =	vst.add.f32.msk $0xffff, v11;
	v11 =	vor.u32 v3, v8  }
0x122: {  	v18 =	vmov s18;
	v15 =	vld.idx.msk [tilespmem:v15+s3+$0x0], $0xffff  }
0x123: {  	[tilespmem:s14+$0x70] =	vst.add.f32.msk $0xffff, v10  }
0x124: {  	v10 =	vld.idx.msk [tilespmem:v14+s3+$0x0], $0xffff;
	v14 =	vor.u32 v4, v17  }
0x125: {  	[tilespmem:s13+$0xA0] =	vst.add.f32.msk $0xffff, v9  }
0x126: {  	v12 =	vor.u32 v7, v12;
	v9 =	vshll.u32 v13, $0x7;
	v19 =	vld.idx.msk [tilespmem:v11+s3+$0x0], $0xffff  }
0x127: {  	v13 =	vor.u32 v0, v9;
	v11 =	vld.idx.msk [tilespmem:v18+s19+$0x0], $0xffff  }
0x128: {  	[tilespmem:s13+$0x30] =	vst.add.f32.msk $0xffff, v15  }
0x129: {  	v18 =	vor.u32 v4, v8;
	v14 =	vld.idx.msk [tilespmem:v14+s3+$0x0], $0xffff  }
0x12a: {  	[tilespmem:s14+$0xE0] =	vst.add.f32.msk $0xffff, v10  }
0x12b: {  	v15 =	vor.u32 v5, v17;
	v10 =	vshll.u32 v16, $0x7;
	v12 =	vld.idx.msk [tilespmem:v12+s3+$0x0], $0xffff  }
0x12c: {  	v16 =	vor.u32 v0, v10;
	v13 =	vld.idx.msk [tilespmem:v13+s3+$0x0], $0xffff  }
0x12d: {  	[tilespmem:s13+$0xB0] =	vst.add.f32.msk $0xffff, v19  }
0x12e: {  	v18 =	vld.idx.msk [tilespmem:v18+s3+$0x0], $0xffff  }
0x12f: {  	v19 =	vor.u32 v5, v8;
	[tilespmem:s13+$0x40] =	vst.add.f32.msk $0xffff, v14  }
0x130: {  	v14 =	vor.u32 v1, v9;
	v15 =	vld.idx.msk [tilespmem:v15+s3+$0x0], $0xffff  }
0x131: {  	s1 =	simm.s32 $0x9700;
	v16 =	vld.idx.msk [tilespmem:v16+s3+$0x0], $0xffff  }
0x132: {  	[tilespmem:s1+$0x0] =	vst.add.f32.msk $0xffff, v13  }
0x133: {  	v20 =	vor.u32 v6, v17;
	[tilespmem:s13+$0xC0] =	vst.add.f32.msk $0xffff, v18  }
0x134: {  	v13 =	vor.u32 v1, v10;
	v18 =	vld.idx.msk [tilespmem:v19+s3+$0x0], $0xffff  }
0x135: {  	v14 =	vld.idx.msk [tilespmem:v14+s3+$0x0], $0xffff  }
0x136: {  	[tilespmem:s13+$0x50] =	vst.add.f32.msk $0xffff, v15  }
0x137: {  	s17 =	simm.s32 $0xFE;
	v15 =	vor.u32 v2, v9;
	[tilespmem:s1+$0x80] =	vst.add.f32.msk $0xffff, v16  }
0x138: {  	v16 =	vmov s17;
	v19 =	vld.idx.msk [tilespmem:v20+s3+$0x0], $0xffff  }
0x139: {  	v17 =	vor.u32 v7, v17;
	v13 =	vld.idx.msk [tilespmem:v13+s3+$0x0], $0xffff;
	v16 =	vand.u32 $0xFFFFFFFE, v16  }
0x13a: {  	v16 =	vbroadcast v16, $0x0;
	[tilespmem:s13+$0xD0] =	vst.add.f32.msk $0xffff, v18  }
0x13b: {  	[tilespmem:s1+$0x10] =	vst.add.f32.msk $0xffff, v14  }
0x13c: {  	v14 =	vor.u32 v2, v10;
	v20 =	vld.idx.msk [tilespmem:v15+s3+$0x0], $0xffff  }
0x13d: {  	[tilespmem:s13+$0x60] =	vst.add.f32.msk $0xffff, v19  }
0x13e: {  	v15 =	vld.idx.msk [tilespmem:v17+s3+$0x0], $0xffff;
	v17 =	vor.u32 v3, v9  }
0x13f: {  	[tilespmem:s1+$0x90] =	vst.add.f32.msk $0xffff, v13  }
0x140: {  	v18 =	vor.u32 v6, v8;
	v13 =	vld.idx.msk [tilespmem:v16+s19+$0x0], $0xffff  }
0x141: {  	v14 =	vld.idx.msk [tilespmem:v14+s3+$0x0], $0xffff  }
0x142: {  	s17 =	simm.s32 $0x6;
	v16 =	vor.u32 v3, v10;
	[tilespmem:s1+$0x20] =	vst.add.f32.msk $0xffff, v20  }
.LBB2_5:
0x143: {  	s18 =	sadd.s32 $0xFB, s17;
	v17 =	vld.idx.msk [tilespmem:v17+s3+$0x0], $0xffff  }
0x144: {  	v19 =	vmov s18;
	[tilespmem:s13+$0x70] =	vst.add.f32.msk $0xffff, v15  }
0x145: {  	v15 =	vld.idx.msk [tilespmem:v18+s3+$0x0], $0xffff  }
0x146: {  	v18 =	vor.u32 v4, v9;
	[tilespmem:s1+$0xA0] =	vst.add.f32.msk $0xffff, v14  }
0x147: {  	v14 =	vld.idx.msk [tilespmem:v16+s3+$0x0], $0xffff  }
0x148: {  	[tilespmem:s14+$0xF0] =	vst.add.f32.msk $0xffff, v12;
	s14 =	smov.u32 s13;
	s13 =	smov.u32 s1  }
0x149: {  	v12 =	vor.u32 v4, v10;
	v16 =	vld.idx.msk [tilespmem:v19+s19+$0x0], $0xffff  }
0x14a: {  	v13 =	vshll.u32 v13, $0x7;
	[tilespmem:s1+$0x30] =	vst.add.f32.msk $0xffff, v17;
	v17 =	vor.u32 v7, v8;
	v8 =	vmov v10  }
0x14b: {  	v19 =	vor.u32 v0, v13;
	v18 =	vld.idx.msk [tilespmem:v18+s3+$0x0], $0xffff  }
0x14c: {  	[tilespmem:s14+$0xE0] =	vst.add.f32.msk $0xffff, v15  }
0x14d: {  	v10 =	vshll.u32 v11, $0x7;
	v15 =	vor.u32 v5, v9;
	[tilespmem:s1+$0xB0] =	vst.add.f32.msk $0xffff, v14  }
0x14e: {  	v14 =	vor.u32 v0, v10;
	v20 =	vld.idx.msk [tilespmem:v12+s3+$0x0], $0xffff  }
0x14f: {  	v11 =	vmov v16;
	v12 =	vld.idx.msk [tilespmem:v17+s3+$0x0], $0xffff  }
0x150: {  	v17 =	vor.u32 v5, v8;
	v16 =	vld.idx.msk [tilespmem:v19+s3+$0x0], $0xffff  }
0x151: {  	[tilespmem:s1+$0x40] =	vst.add.f32.msk $0xffff, v18  }
0x152: {  	v18 =	vor.u32 v1, v13;
	v15 =	vld.idx.msk [tilespmem:v15+s3+$0x0], $0xffff  }
0x153: {  	v14 =	vld.idx.msk [tilespmem:v14+s3+$0x0], $0xffff  }
0x154: {  	v19 =	vor.u32 v6, v9;
	[tilespmem:s1+$0xC0] =	vst.add.f32.msk $0xffff, v20  }
0x155: {  	s1 =	sadd.s32 $0x100, s1;
	v17 =	vld.idx.msk [tilespmem:v17+s3+$0x0], $0xffff  }
0x156: {  	[tilespmem:s1+$0x0] =	vst.add.f32.msk $0xffff, v16;
	v16 =	vor.u32 v1, v10  }
0x157: {  	v18 =	vld.idx.msk [tilespmem:v18+s3+$0x0], $0xffff  }
0x158: {  	[tilespmem:s13+$0x50] =	vst.add.f32.msk $0xffff, v15  }
0x159: {  	v15 =	vor.u32 v2, v13;
	v19 =	vld.idx.msk [tilespmem:v19+s3+$0x0], $0xffff  }
0x15a: {  	s18 =	sadd.s32 $0xFA, s17;
	[tilespmem:s1+$0x80] =	vst.add.f32.msk $0xffff, v14  }
0x15b: {  	v20 =	vor.u32 v7, v9;
	v9 =	vmov v13;
	v14 =	vmov s18;
	v16 =	vld.idx.msk [tilespmem:v16+s3+$0x0], $0xffff  }
0x15c: {  	v13 =	vand.u32 $0xFFFFFFFE, v14;
	[tilespmem:s13+$0xD0] =	vst.add.f32.msk $0xffff, v17  }
0x15d: {  	v14 =	vor.u32 v2, v10;
	v13 =	vbroadcast v13, $0x0;
	[tilespmem:s1+$0x10] =	vst.add.f32.msk $0xffff, v18  }
0x15e: {  	s17 =	sadd.s32 $0x2, s17;
	v21 =	vld.idx.msk [tilespmem:v15+s3+$0x0], $0xffff  }
0x15f: {  	p2 =	slt.u32 s17, $0xFA;
	[tilespmem:s13+$0x60] =	vst.add.f32.msk $0xffff, v19  }
.Ltmp3:
0x160: {  	v17 =	vor.u32 v3, v9;
	v15 =	vld.idx.msk [tilespmem:v20+s3+$0x0], $0xffff;
	(pc) =	sbr.rel @p2 .LBB2_5-.Ltmp3, $4  }
0x161: {  	[tilespmem:s1+$0x90] =	vst.add.f32.msk $0xffff, v16  }
0x162: {  	v18 =	vor.u32 v6, v8;
	v14 =	vld.idx.msk [tilespmem:v14+s3+$0x0], $0xffff  }
0x163: {  	v13 =	vld.idx.msk [tilespmem:v13+s19+$0x0], $0xffff  }
0x164: {  	v16 =	vor.u32 v3, v10;
	[tilespmem:s1+$0x20] =	vst.add.f32.msk $0xffff, v21  }
0x165: {  	_ =	sdelay $0x3  }
0x166: {  	v17 =	vld.idx.msk [tilespmem:v17+s3+$0x0], $0xffff  }
0x167: {  	[tilespmem:s13+$0x70] =	vst.add.f32.msk $0xffff, v15  }
0x168: {  	v15 =	vld.idx.msk [tilespmem:v18+s3+$0x0], $0xffff  }
0x169: {  	[tilespmem:s14+$0xF0] =	vst.add.f32.msk $0xffff, v12;
	v11 =	vshll.u32 v11, $0x7  }
0x16a: {  	v12 =	vor.u32 v0, v11;
	[tilespmem:s1+$0xA0] =	vst.add.f32.msk $0xffff, v14;
	v13 =	vshll.u32 v13, $0x7  }
0x16b: {  	v14 =	vld.idx.msk [tilespmem:v16+s3+$0x0], $0xffff;
	v16 =	vor.u32 v0, v13;
	_ =	sdelay $0x1  }
0x16c: {  	[tilespmem:s1+$0x30] =	vst.add.f32.msk $0xffff, v17;
	v17 =	vor.u32 v4, v10  }
0x16d: {  	[tilespmem:s13+$0xE0] =	vst.add.f32.msk $0xffff, v15  }
0x16e: {  	v12 =	vld.idx.msk [tilespmem:v12+s3+$0x0], $0xffff  }
0x16f: {  	v15 =	vld.idx.msk [tilespmem:v16+s3+$0x0], $0xffff  }
0x170: {  	[tilespmem:s1+$0xB0] =	vst.add.f32.msk $0xffff, v14;
	v14 =	vor.u32 v1, v13  }
0x171: {  	v16 =	vld.idx.msk [tilespmem:v17+s3+$0x0], $0xffff;
	v17 =	vor.u32 v1, v11  }
0x172: {  	s8 =	sadd.s32 $0x100, s1  }
0x173: {  	[tilespmem:s8+$0x80] =	vst.add.f32.msk $0xffff, v12  }
0x174: {  	v18 =	vor.u32 v4, v9;
	[tilespmem:s8+$0x0] =	vst.add.f32.msk $0xffff, v15  }
0x175: {  	v14 =	vld.idx.msk [tilespmem:v14+s3+$0x0], $0xffff  }
0x176: {  	v12 =	vld.idx.msk [tilespmem:v17+s3+$0x0], $0xffff  }
0x177: {  	v15 =	vor.u32 v2, v13  }
0x178: {  	v17 =	vor.u32 v2, v11  }
0x179: {  	v18 =	vld.idx.msk [tilespmem:v18+s3+$0x0], $0xffff  }
0x17a: {  	[tilespmem:s8+$0x10] =	vst.add.f32.msk $0xffff, v14  }
0x17b: {  	v19 =	vor.u32 v5, v9;
	[tilespmem:s8+$0x90] =	vst.add.f32.msk $0xffff, v12  }
0x17c: {  	v14 =	vld.idx.msk [tilespmem:v15+s3+$0x0], $0xffff  }
0x17d: {  	v12 =	vld.idx.msk [tilespmem:v17+s3+$0x0], $0xffff  }
0x17e: {  	[tilespmem:s1+$0x40] =	vst.add.f32.msk $0xffff, v18;
	v15 =	vor.u32 v3, v13  }
0x17f: {  	[tilespmem:s1+$0xC0] =	vst.add.f32.msk $0xffff, v16;
	v16 =	vor.u32 v3, v11  }
0x180: {  	v18 =	vld.idx.msk [tilespmem:v19+s3+$0x0], $0xffff  }
0x181: {  	[tilespmem:s8+$0x20] =	vst.add.f32.msk $0xffff, v14  }
0x182: {  	v19 =	vor.u32 v5, v10;
	[tilespmem:s8+$0xA0] =	vst.add.f32.msk $0xffff, v12  }
0x183: {  	v14 =	vld.idx.msk [tilespmem:v15+s3+$0x0], $0xffff  }
0x184: {  	v12 =	vld.idx.msk [tilespmem:v16+s3+$0x0], $0xffff  }
0x185: {  	v15 =	vor.u32 v4, v13  }
0x186: {  	v16 =	vor.u32 v4, v11  }
0x187: {  	v17 =	vld.idx.msk [tilespmem:v19+s3+$0x0], $0xffff  }
0x188: {  	v19 =	vor.u32 v6, v9;
	[tilespmem:s8+$0x30] =	vst.add.f32.msk $0xffff, v14  }
0x189: {  	[tilespmem:s8+$0xB0] =	vst.add.f32.msk $0xffff, v12  }
0x18a: {  	v14 =	vld.idx.msk [tilespmem:v15+s3+$0x0], $0xffff  }
0x18b: {  	v12 =	vld.idx.msk [tilespmem:v16+s3+$0x0], $0xffff  }
0x18c: {  	[tilespmem:s1+$0x50] =	vst.add.f32.msk $0xffff, v18;
	v15 =	vor.u32 v5, v13  }
0x18d: {  	v18 =	vld.idx.msk [tilespmem:v19+s3+$0x0], $0xffff;
	v16 =	vor.u32 v5, v11  }
0x18e: {  	v8 =	vor.u32 v7, v8;
	[tilespmem:s1+$0xD0] =	vst.add.f32.msk $0xffff, v17  }
0x18f: {  	[tilespmem:s8+$0x40] =	vst.add.f32.msk $0xffff, v14  }
0x190: {  	v17 =	vor.u32 v6, v10;
	[tilespmem:s8+$0xC0] =	vst.add.f32.msk $0xffff, v12  }
0x191: {  	v14 =	vld.idx.msk [tilespmem:v15+s3+$0x0], $0xffff  }
0x192: {  	v12 =	vld.idx.msk [tilespmem:v16+s3+$0x0], $0xffff  }
0x193: {  	v8 =	vld.idx.msk [tilespmem:v8+s3+$0x0], $0xffff;
	v15 =	vor.u32 v6, v13  }
0x194: {  	[tilespmem:s1+$0x60] =	vst.add.f32.msk $0xffff, v18;
	v16 =	vor.u32 v6, v11  }
0x195: {  	v9 =	vor.u32 v7, v9;
	v17 =	vld.idx.msk [tilespmem:v17+s3+$0x0], $0xffff  }
0x196: {  	[tilespmem:s8+$0x50] =	vst.add.f32.msk $0xffff, v14  }
0x197: {  	v10 =	vor.u32 v7, v10;
	[tilespmem:s8+$0xD0] =	vst.add.f32.msk $0xffff, v12  }
0x198: {  	v14 =	vld.idx.msk [tilespmem:v15+s3+$0x0], $0xffff  }
0x199: {  	v12 =	vld.idx.msk [tilespmem:v16+s3+$0x0], $0xffff  }
0x19a: {  	v9 =	vld.idx.msk [tilespmem:v9+s3+$0x0], $0xffff;
	v13 =	vor.u32 v7, v13  }
0x19b: {  	[tilespmem:s1+$0xE0] =	vst.add.f32.msk $0xffff, v17;
	v11 =	vor.u32 v7, v11  }
0x19c: {  	v10 =	vld.idx.msk [tilespmem:v10+s3+$0x0], $0xffff  }
0x19d: {  	[tilespmem:s8+$0x60] =	vst.add.f32.msk $0xffff, v14  }
0x19e: {  	[tilespmem:s8+$0xE0] =	vst.add.f32.msk $0xffff, v12  }
0x19f: {  	v13 =	vld.idx.msk [tilespmem:v13+s3+$0x0], $0xffff  }
0x1a0: {  	v11 =	vld.idx.msk [tilespmem:v11+s3+$0x0], $0xffff  }
0x1a1: {  	[tilespmem:s13+$0xF0] =	vst.add.f32.msk $0xffff, v8  }
0x1a2: {  	[tilespmem:s1+$0x70] =	vst.add.f32.msk $0xffff, v9  }
0x1a3: {  	[tilespmem:s1+$0xF0] =	vst.add.f32.msk $0xffff, v10  }
0x1a4: {  	[tilespmem:s8+$0x70] =	vst.add.f32.msk $0xffff, v13  }
0x1a5: {  	s0 =	sadd.s32 $0xF80, s0;
	p2 =	sne.s32 s31, $0x5;
	s13 =	sshll.u32 s31, $0x1;
	[tilespmem:s8+$0xF0] =	vst.add.f32.msk $0xffff, v11  }
0x1a6: {  	[hbm4b:s0+s3] =	stream.linear.scatter [tilespmem:s22], [sflag:$0x7], $0x7E00, $0x38;
	[tilespmem:$0x11900] =	vst v63  }
0x1a7: {  	p2 =	por p0, p2;
	s0 =	sadd.s32 $0x2, s13  }
0x1a8: {  	s14 =	simm.s32 @p2 $0x400;
	s1 =	sshll.u32 @p2 s0, $0xB  }
0x1a9: {  	s17 =	simm.s32 @p2 $0x11500;
	s13 =	simm.s32 @p2 $0x80;
	s1 =	sadd.s32 @p2 s1, s10  }
0x1aa: {  	[tilespmem:s17], [sflag:$0x4] =	stream.strided.gather @p2 [hbm4b:s1+s13], $0x200, s14, s13, $0x38;
	[tilespmem:$0x11900] =	vst v63  }
0x1ab: {  	_ =	swait.ge [sflag:s26], $0x7C00  }
0x1ac: {  	s13 =	sadd.s32 $0x3F000, s2;
	s14 =	simm.s32 $0x0;
	[sflag:s26] =	ssyncset.done $0x0  }
0x1ad: {  	s17 =	sadd.s32 s5, s13;
	v8 =	vmov s14;
	[sflag:s26] =	ssyncadd.s32 $0xFFFF8400  }
0x1ae: {  	v8 =	vand.u32 $0xFFFFFFFE, v8;
	[tilespmem:s21], [sflag:$0x2] =	stream.linear.gather [hbm4b:s17+s14], $0x7C00, $0x38;
	[tilespmem:$0x11900] =	vst v63  }
0x1af: {  	v8 =	vbroadcast v8, $0x0;
	_ =	swait.ge [sflag:s28], $0x200  }
0x1b0: {  	s18 =	simm.s32 $0x1;
	[sflag:s28] =	ssyncset.done $0x0  }
0x1b1: {  	v9 =	vmov s18;
	[sflag:s28] =	ssyncadd.s32 $0xFFFFFE00  }
0x1b2: {  	_ =	swait.ge [sflag:s24], $0x7C00  }
0x1b3: {  	[sflag:s24] =	ssyncset.done $0x0  }
0x1b4: {  	[sflag:s24] =	ssyncadd.s32 $0xFFFF8400  }
0x1b5: {  	v8 =	vld.idx.msk [tilespmem:v8+s20+$0x0], $0xffff  }
0x1b6: {  	v9 =	vld.idx.msk [tilespmem:v9+s20+$0x0], $0xffff;
	_ =	sdelay $0x3  }
0x1b7: {  	v10 =	vshll.u32 v8, $0x7  }
0x1b8: {  	v12 =	vshll.u32 v9, $0x7;
	v8 =	vor.u32 v0, v10  }
0x1b9: {  	v9 =	vor.u32 v0, v12;
	_ =	sdelay $0x3  }
0x1ba: {  	v8 =	vld.idx.msk [tilespmem:v8+s3+$0x0], $0xffff  }
0x1bb: {  	v9 =	vld.idx.msk [tilespmem:v9+s3+$0x0], $0xffff  }
0x1bc: {  	v11 =	vor.u32 v1, v10  }
0x1bd: {  	v13 =	vor.u32 v1, v12  }
0x1be: {  	s1 =	simm.s32 $0x1980  }
0x1bf: {  	[tilespmem:s1+$0xFFFFFF80] =	vst.add.f32.msk $0xffff, v8  }
0x1c0: {  	[tilespmem:s1+$0x0] =	vst.add.f32.msk $0xffff, v9  }
0x1c1: {  	v8 =	vld.idx.msk [tilespmem:v11+s3+$0x0], $0xffff  }
0x1c2: {  	v13 =	vld.idx.msk [tilespmem:v13+s3+$0x0], $0xffff  }
0x1c3: {  	s8 =	simm.s32 $0x2;
	v11 =	vor.u32 v2, v10  }
0x1c4: {  	v14 =	vor.u32 v2, v12;
	v9 =	vmov s8  }
0x1c5: {  	v9 =	vand.u32 $0xFFFFFFFE, v9  }
0x1c6: {  	v9 =	vbroadcast v9, $0x0;
	[tilespmem:s1+$0xFFFFFF90] =	vst.add.f32.msk $0xffff, v8  }
0x1c7: {  	[tilespmem:s1+$0x10] =	vst.add.f32.msk $0xffff, v13  }
0x1c8: {  	v8 =	vld.idx.msk [tilespmem:v11+s3+$0x0], $0xffff  }
0x1c9: {  	v13 =	vld.idx.msk [tilespmem:v14+s3+$0x0], $0xffff  }
0x1ca: {  	s17 =	simm.s32 $0x3;
	v11 =	vor.u32 v3, v10  }
0x1cb: {  	v15 =	vmov s17  }
0x1cc: {  	v14 =	vor.u32 v3, v12;
	v9 =	vld.idx.msk [tilespmem:v9+s20+$0x0], $0xffff  }
0x1cd: {  	[tilespmem:s1+$0xFFFFFFA0] =	vst.add.f32.msk $0xffff, v8  }
0x1ce: {  	[tilespmem:s1+$0x20] =	vst.add.f32.msk $0xffff, v13  }
0x1cf: {  	v8 =	vld.idx.msk [tilespmem:v11+s3+$0x0], $0xffff  }
0x1d0: {  	v11 =	vld.idx.msk [tilespmem:v15+s20+$0x0], $0xffff;
	v15 =	vor.u32 v4, v10  }
0x1d1: {  	v13 =	vld.idx.msk [tilespmem:v14+s3+$0x0], $0xffff  }
0x1d2: {  	s18 =	simm.s32 $0x5;
	v14 =	vor.u32 v4, v12  }
0x1d3: {  	v16 =	vmov s18;
	v17 =	vshll.u32 v9, $0x7  }
0x1d4: {  	v9 =	vor.u32 v0, v17;
	[tilespmem:s1+$0xFFFFFFB0] =	vst.add.f32.msk $0xffff, v8  }
0x1d5: {  	v8 =	vshll.u32 v11, $0x7;
	v15 =	vld.idx.msk [tilespmem:v15+s3+$0x0], $0xffff  }
0x1d6: {  	[tilespmem:s1+$0x30] =	vst.add.f32.msk $0xffff, v13;
	v13 =	vor.u32 v0, v8  }
0x1d7: {  	v14 =	vld.idx.msk [tilespmem:v14+s3+$0x0], $0xffff  }
0x1d8: {  	v16 =	vld.idx.msk [tilespmem:v16+s20+$0x0], $0xffff;
	v11 =	vor.u32 v5, v10  }
0x1d9: {  	v9 =	vld.idx.msk [tilespmem:v9+s3+$0x0], $0xffff  }
0x1da: {  	v18 =	vor.u32 v5, v12;
	[tilespmem:s1+$0xFFFFFFC0] =	vst.add.f32.msk $0xffff, v15  }
0x1db: {  	v15 =	vor.u32 v1, v17;
	v13 =	vld.idx.msk [tilespmem:v13+s3+$0x0], $0xffff  }
0x1dc: {  	[tilespmem:s1+$0x40] =	vst.add.f32.msk $0xffff, v14  }
0x1dd: {  	s14 =	simm.s32 $0x1A80;
	v11 =	vld.idx.msk [tilespmem:v11+s3+$0x0], $0xffff  }
0x1de: {  	[tilespmem:s14+$0xFFFFFF80] =	vst.add.f32.msk $0xffff, v9;
	v9 =	vor.u32 v1, v8  }
0x1df: {  	v19 =	vor.u32 v6, v10;
	v14 =	vld.idx.msk [tilespmem:v18+s3+$0x0], $0xffff  }
0x1e0: {  	v15 =	vld.idx.msk [tilespmem:v15+s3+$0x0], $0xffff  }
0x1e1: {  	[tilespmem:s14+$0x0] =	vst.add.f32.msk $0xffff, v13  }
0x1e2: {  	[tilespmem:s1+$0xFFFFFFD0] =	vst.add.f32.msk $0xffff, v11;
	v11 =	vor.u32 v2, v17  }
0x1e3: {  	s8 =	simm.s32 $0x4;
	v9 =	vld.idx.msk [tilespmem:v9+s3+$0x0], $0xffff  }
0x1e4: {  	v13 =	vmov s8;
	v18 =	vld.idx.msk [tilespmem:v19+s3+$0x0], $0xffff  }
0x1e5: {  	v10 =	vor.u32 v7, v10;
	v13 =	vand.u32 $0xFFFFFFFE, v13;
	[tilespmem:s1+$0x50] =	vst.add.f32.msk $0xffff, v14  }
0x1e6: {  	v14 =	vor.u32 v2, v8;
	v13 =	vbroadcast v13, $0x0;
	[tilespmem:s14+$0xFFFFFF90] =	vst.add.f32.msk $0xffff, v15  }
0x1e7: {  	v11 =	vld.idx.msk [tilespmem:v11+s3+$0x0], $0xffff  }
0x1e8: {  	[tilespmem:s14+$0x10] =	vst.add.f32.msk $0xffff, v9  }
0x1e9: {  	v15 =	vor.u32 v3, v17;
	[tilespmem:s1+$0xFFFFFFE0] =	vst.add.f32.msk $0xffff, v18  }
0x1ea: {  	v10 =	vld.idx.msk [tilespmem:v10+s3+$0x0], $0xffff  }
0x1eb: {  	v9 =	vld.idx.msk [tilespmem:v14+s3+$0x0], $0xffff;
	v14 =	vor.u32 v6, v12  }
0x1ec: {  	v13 =	vld.idx.msk [tilespmem:v13+s20+$0x0], $0xffff  }
0x1ed: {  	s18 =	simm.s32 $0x7;
	[tilespmem:s14+$0xFFFFFFA0] =	vst.add.f32.msk $0xffff, v11;
	v11 =	vor.u32 v3, v8  }
0x1ee: {  	v18 =	vmov s18;
	v15 =	vld.idx.msk [tilespmem:v15+s3+$0x0], $0xffff  }
0x1ef: {  	[tilespmem:s1+$0xFFFFFFF0] =	vst.add.f32.msk $0xffff, v10  }
0x1f0: {  	v10 =	vld.idx.msk [tilespmem:v14+s3+$0x0], $0xffff;
	v14 =	vor.u32 v4, v17  }
0x1f1: {  	[tilespmem:s14+$0x20] =	vst.add.f32.msk $0xffff, v9;
	v9 =	vshll.u32 v13, $0x7  }
0x1f2: {  	v13 =	vor.u32 v0, v9;
	v19 =	vld.idx.msk [tilespmem:v11+s3+$0x0], $0xffff  }
0x1f3: {  	v11 =	vld.idx.msk [tilespmem:v18+s20+$0x0], $0xffff  }
0x1f4: {  	v18 =	vor.u32 v4, v8;
	[tilespmem:s14+$0xFFFFFFB0] =	vst.add.f32.msk $0xffff, v15  }
0x1f5: {  	v14 =	vld.idx.msk [tilespmem:v14+s3+$0x0], $0xffff  }
0x1f6: {  	v15 =	vor.u32 v5, v17;
	[tilespmem:s1+$0x60] =	vst.add.f32.msk $0xffff, v10;
	v10 =	vshll.u32 v16, $0x7  }
0x1f7: {  	v16 =	vor.u32 v0, v10;
	v13 =	vld.idx.msk [tilespmem:v13+s3+$0x0], $0xffff  }
0x1f8: {  	[tilespmem:s14+$0x30] =	vst.add.f32.msk $0xffff, v19  }
0x1f9: {  	v18 =	vld.idx.msk [tilespmem:v18+s3+$0x0], $0xffff  }
0x1fa: {  	v19 =	vor.u32 v5, v8;
	[tilespmem:s14+$0xFFFFFFC0] =	vst.add.f32.msk $0xffff, v14  }
0x1fb: {  	v14 =	vor.u32 v1, v9;
	v15 =	vld.idx.msk [tilespmem:v15+s3+$0x0], $0xffff  }
0x1fc: {  	s17 =	simm.s32 $0x1B80;
	v16 =	vld.idx.msk [tilespmem:v16+s3+$0x0], $0xffff  }
0x1fd: {  	[tilespmem:s17+$0xFFFFFF80] =	vst.add.f32.msk $0xffff, v13  }
0x1fe: {  	v20 =	vor.u32 v6, v17;
	[tilespmem:s14+$0x40] =	vst.add.f32.msk $0xffff, v18  }
0x1ff: {  	v13 =	vor.u32 v1, v10;
	v18 =	vld.idx.msk [tilespmem:v19+s3+$0x0], $0xffff  }
0x200: {  	v14 =	vld.idx.msk [tilespmem:v14+s3+$0x0], $0xffff  }
0x201: {  	[tilespmem:s14+$0xFFFFFFD0] =	vst.add.f32.msk $0xffff, v15  }
0x202: {  	v15 =	vor.u32 v2, v9;
	[tilespmem:s17+$0x0] =	vst.add.f32.msk $0xffff, v16  }
0x203: {  	v12 =	vor.u32 v7, v12;
	s18 =	simm.s32 $0x6;
	v19 =	vld.idx.msk [tilespmem:v20+s3+$0x0], $0xffff  }
0x204: {  	v16 =	vmov s18;
	v13 =	vld.idx.msk [tilespmem:v13+s3+$0x0], $0xffff  }
0x205: {  	[tilespmem:s14+$0x50] =	vst.add.f32.msk $0xffff, v18;
	v18 =	vand.u32 $0xFFFFFFFE, v16;
	v16 =	vor.u32 v7, v17  }
0x206: {  	[tilespmem:s17+$0xFFFFFF90] =	vst.add.f32.msk $0xffff, v14  }
0x207: {  	v17 =	vor.u32 v2, v10;
	v14 =	vld.idx.msk [tilespmem:v15+s3+$0x0], $0xffff;
	v15 =	vbroadcast v18, $0x0  }
0x208: {  	v12 =	vld.idx.msk [tilespmem:v12+s3+$0x0], $0xffff  }
0x209: {  	s18 =	simm.s32 $0x8;
	[tilespmem:s14+$0xFFFFFFE0] =	vst.add.f32.msk $0xffff, v19  }
.LBB2_7:
0x20a: {  	p3 =	slt.u32 s18, $0xF6;
	v18 =	vor.u32 v3, v9;
	v16 =	vld.idx.msk [tilespmem:v16+s3+$0x0], $0xffff  }
0x20b: {  	[tilespmem:s17+$0x10] =	vst.add.f32.msk $0xffff, v13  }
0x20c: {  	v13 =	vld.idx.msk [tilespmem:v17+s3+$0x0], $0xffff;
	v17 =	vor.u32 v6, v8  }
0x20d: {  	v15 =	vld.idx.msk [tilespmem:v15+s20+$0x0], $0xffff  }
0x20e: {  	[tilespmem:s17+$0xFFFFFFA0] =	vst.add.f32.msk $0xffff, v14;
	v14 =	vor.u32 v3, v10  }
0x20f: {  	s8 =	sadd.s32 $0x1, s18;
	v18 =	vld.idx.msk [tilespmem:v18+s3+$0x0], $0xffff  }
0x210: {  	v19 =	vmov s8;
	[tilespmem:s14+$0xFFFFFFF0] =	vst.add.f32.msk $0xffff, v16  }
0x211: {  	v16 =	vld.idx.msk [tilespmem:v17+s3+$0x0], $0xffff  }
0x212: {  	v17 =	vor.u32 v4, v9;
	[tilespmem:s17+$0x20] =	vst.add.f32.msk $0xffff, v13  }
0x213: {  	v13 =	vld.idx.msk [tilespmem:v14+s3+$0x0], $0xffff  }
0x214: {  	[tilespmem:s1+$0x70] =	vst.add.f32.msk $0xffff, v12;
	s1 =	smov.u32 s14;
	s14 =	smov.u32 s17  }
0x215: {  	v12 =	vor.u32 v4, v10;
	v14 =	vld.idx.msk [tilespmem:v19+s20+$0x0], $0xffff  }
0x216: {  	v15 =	vshll.u32 v15, $0x7;
	[tilespmem:s17+$0xFFFFFFB0] =	vst.add.f32.msk $0xffff, v18;
	v18 =	vor.u32 v7, v8;
	v8 =	vmov v10  }
0x217: {  	v19 =	vor.u32 v0, v15;
	v17 =	vld.idx.msk [tilespmem:v17+s3+$0x0], $0xffff  }
0x218: {  	[tilespmem:s1+$0x60] =	vst.add.f32.msk $0xffff, v16  }
0x219: {  	v10 =	vshll.u32 v11, $0x7;
	v16 =	vor.u32 v5, v9;
	[tilespmem:s17+$0x30] =	vst.add.f32.msk $0xffff, v13  }
0x21a: {  	v13 =	vor.u32 v0, v10;
	v20 =	vld.idx.msk [tilespmem:v12+s3+$0x0], $0xffff  }
0x21b: {  	v11 =	vmov v14;
	v12 =	vld.idx.msk [tilespmem:v18+s3+$0x0], $0xffff  }
0x21c: {  	v18 =	vor.u32 v5, v8;
	v14 =	vld.idx.msk [tilespmem:v19+s3+$0x0], $0xffff  }
0x21d: {  	[tilespmem:s17+$0xFFFFFFC0] =	vst.add.f32.msk $0xffff, v17  }
0x21e: {  	v17 =	vor.u32 v1, v15;
	v16 =	vld.idx.msk [tilespmem:v16+s3+$0x0], $0xffff  }
0x21f: {  	v13 =	vld.idx.msk [tilespmem:v13+s3+$0x0], $0xffff  }
0x220: {  	v19 =	vor.u32 v6, v9;
	[tilespmem:s17+$0x40] =	vst.add.f32.msk $0xffff, v20  }
0x221: {  	s17 =	sadd.s32 $0x100, s17;
	v18 =	vld.idx.msk [tilespmem:v18+s3+$0x0], $0xffff  }
0x222: {  	[tilespmem:s17+$0xFFFFFF80] =	vst.add.f32.msk $0xffff, v14;
	v14 =	vor.u32 v1, v10  }
0x223: {  	v17 =	vld.idx.msk [tilespmem:v17+s3+$0x0], $0xffff  }
0x224: {  	[tilespmem:s14+$0xFFFFFFD0] =	vst.add.f32.msk $0xffff, v16  }
0x225: {  	v20 =	vor.u32 v2, v15;
	v19 =	vld.idx.msk [tilespmem:v19+s3+$0x0], $0xffff  }
0x226: {  	[tilespmem:s17+$0x0] =	vst.add.f32.msk $0xffff, v13  }
.Ltmp4:
0x227: {  	v21 =	vmov s18;
	v16 =	vor.u32 v7, v9;
	v9 =	vmov v15;
	v13 =	vld.idx.msk [tilespmem:v14+s3+$0x0], $0xffff;
	(pc) =	sbr.rel @p3 .LBB2_7-.Ltmp4, $4  }
0x228: {  	v14 =	vand.u32 $0xFFFFFFFE, v21;
	[tilespmem:s14+$0x50] =	vst.add.f32.msk $0xffff, v18  }
0x229: {  	v15 =	vbroadcast v14, $0x0;
	[tilespmem:s17+$0xFFFFFF90] =	vst.add.f32.msk $0xffff, v17;
	v17 =	vor.u32 v2, v10  }
0x22a: {  	v14 =	vld.idx.msk [tilespmem:v20+s3+$0x0], $0xffff  }
0x22b: {  	s18 =	sadd.s32 $0x2, s18;
	[tilespmem:s14+$0xFFFFFFE0] =	vst.add.f32.msk $0xffff, v19  }
0x22c: {  	_ =	sdelay $0x3  }
0x22d: {  	v16 =	vld.idx.msk [tilespmem:v16+s3+$0x0], $0xffff  }
0x22e: {  	v18 =	vor.u32 v3, v9;
	[tilespmem:s17+$0x10] =	vst.add.f32.msk $0xffff, v13  }
0x22f: {  	v15 =	vld.idx.msk [tilespmem:v15+s20+$0x0], $0xffff  }
0x230: {  	v13 =	vld.idx.msk [tilespmem:v17+s3+$0x0], $0xffff;
	v17 =	vor.u32 v6, v8  }
0x231: {  	[tilespmem:s1+$0x70] =	vst.add.f32.msk $0xffff, v12  }
0x232: {  	[tilespmem:s17+$0xFFFFFFA0] =	vst.add.f32.msk $0xffff, v14  }
0x233: {  	v11 =	vshll.u32 v11, $0x7;
	v14 =	vor.u32 v3, v10;
	v18 =	vld.idx.msk [tilespmem:v18+s3+$0x0], $0xffff  }
0x234: {  	v12 =	vor.u32 v0, v11;
	[tilespmem:s14+$0xFFFFFFF0] =	vst.add.f32.msk $0xffff, v16  }
0x235: {  	v16 =	vld.idx.msk [tilespmem:v17+s3+$0x0], $0xffff  }
0x236: {  	v17 =	vor.u32 v4, v9;
	[tilespmem:s17+$0x20] =	vst.add.f32.msk $0xffff, v13;
	v13 =	vshll.u32 v15, $0x7  }
0x237: {  	v15 =	vor.u32 v0, v13  }
0x238: {  	v14 =	vld.idx.msk [tilespmem:v14+s3+$0x0], $0xffff  }
0x239: {  	v12 =	vld.idx.msk [tilespmem:v12+s3+$0x0], $0xffff  }
0x23a: {  	[tilespmem:s17+$0xFFFFFFB0] =	vst.add.f32.msk $0xffff, v18;
	v18 =	vor.u32 v4, v10  }
0x23b: {  	v17 =	vld.idx.msk [tilespmem:v17+s3+$0x0], $0xffff  }
0x23c: {  	v15 =	vld.idx.msk [tilespmem:v15+s3+$0x0], $0xffff  }
0x23d: {  	[tilespmem:s17+$0x30] =	vst.add.f32.msk $0xffff, v14;
	v14 =	vor.u32 v1, v13  }
0x23e: {  	v8 =	vor.u32 v7, v8;
	[tilespmem:s14+$0x60] =	vst.add.f32.msk $0xffff, v16  }
0x23f: {  	s8 =	sadd.s32 $0x100, s17;
	v16 =	vld.idx.msk [tilespmem:v18+s3+$0x0], $0xffff;
	v18 =	vor.u32 v1, v11  }
0x240: {  	[tilespmem:s8+$0x0] =	vst.add.f32.msk $0xffff, v12  }
0x241: {  	v19 =	vor.u32 v5, v9;
	[tilespmem:s8+$0xFFFFFF80] =	vst.add.f32.msk $0xffff, v15  }
0x242: {  	v14 =	vld.idx.msk [tilespmem:v14+s3+$0x0], $0xffff  }
0x243: {  	v8 =	vld.idx.msk [tilespmem:v8+s3+$0x0], $0xffff;
	v15 =	vor.u32 v2, v13  }
0x244: {  	v12 =	vld.idx.msk [tilespmem:v18+s3+$0x0], $0xffff  }
0x245: {  	[tilespmem:s17+$0xFFFFFFC0] =	vst.add.f32.msk $0xffff, v17;
	v17 =	vor.u32 v2, v11  }
0x246: {  	v18 =	vld.idx.msk [tilespmem:v19+s3+$0x0], $0xffff  }
0x247: {  	v19 =	vor.u32 v5, v10;
	[tilespmem:s8+$0xFFFFFF90] =	vst.add.f32.msk $0xffff, v14  }
0x248: {  	v14 =	vld.idx.msk [tilespmem:v15+s3+$0x0], $0xffff  }
0x249: {  	v15 =	vor.u32 v3, v13;
	[tilespmem:s8+$0x10] =	vst.add.f32.msk $0xffff, v12  }
0x24a: {  	v12 =	vld.idx.msk [tilespmem:v17+s3+$0x0], $0xffff  }
0x24b: {  	[tilespmem:s17+$0x40] =	vst.add.f32.msk $0xffff, v16;
	v16 =	vor.u32 v3, v11  }
0x24c: {  	v17 =	vld.idx.msk [tilespmem:v19+s3+$0x0], $0xffff  }
0x24d: {  	v19 =	vor.u32 v6, v9;
	[tilespmem:s8+$0xFFFFFFA0] =	vst.add.f32.msk $0xffff, v14  }
0x24e: {  	v14 =	vld.idx.msk [tilespmem:v15+s3+$0x0], $0xffff  }
0x24f: {  	v15 =	vor.u32 v4, v13;
	[tilespmem:s8+$0x20] =	vst.add.f32.msk $0xffff, v12  }
0x250: {  	v12 =	vld.idx.msk [tilespmem:v16+s3+$0x0], $0xffff  }
0x251: {  	[tilespmem:s17+$0xFFFFFFD0] =	vst.add.f32.msk $0xffff, v18;
	v16 =	vor.u32 v4, v11  }
0x252: {  	v18 =	vld.idx.msk [tilespmem:v19+s3+$0x0], $0xffff  }
0x253: {  	[tilespmem:s8+$0xFFFFFFB0] =	vst.add.f32.msk $0xffff, v14  }
0x254: {  	v14 =	vld.idx.msk [tilespmem:v15+s3+$0x0], $0xffff  }
0x255: {  	v15 =	vor.u32 v5, v13;
	[tilespmem:s8+$0x30] =	vst.add.f32.msk $0xffff, v12  }
0x256: {  	v12 =	vld.idx.msk [tilespmem:v16+s3+$0x0], $0xffff  }
0x257: {  	[tilespmem:s17+$0x50] =	vst.add.f32.msk $0xffff, v17;
	v16 =	vor.u32 v5, v11  }
0x258: {  	v17 =	vor.u32 v6, v10;
	[tilespmem:s17+$0xFFFFFFE0] =	vst.add.f32.msk $0xffff, v18  }
0x259: {  	v9 =	vor.u32 v7, v9;
	[tilespmem:s8+$0xFFFFFFC0] =	vst.add.f32.msk $0xffff, v14  }
0x25a: {  	v14 =	vld.idx.msk [tilespmem:v15+s3+$0x0], $0xffff  }
0x25b: {  	v15 =	vor.u32 v6, v13;
	[tilespmem:s8+$0x40] =	vst.add.f32.msk $0xffff, v12  }
0x25c: {  	v12 =	vld.idx.msk [tilespmem:v16+s3+$0x0], $0xffff  }
0x25d: {  	v17 =	vld.idx.msk [tilespmem:v17+s3+$0x0], $0xffff;
	v16 =	vor.u32 v6, v11  }
0x25e: {  	v9 =	vld.idx.msk [tilespmem:v9+s3+$0x0], $0xffff  }
0x25f: {  	v10 =	vor.u32 v7, v10;
	[tilespmem:s8+$0xFFFFFFD0] =	vst.add.f32.msk $0xffff, v14  }
0x260: {  	v14 =	vld.idx.msk [tilespmem:v15+s3+$0x0], $0xffff  }
0x261: {  	v13 =	vor.u32 v7, v13;
	[tilespmem:s8+$0x50] =	vst.add.f32.msk $0xffff, v12  }
0x262: {  	v12 =	vld.idx.msk [tilespmem:v16+s3+$0x0], $0xffff  }
0x263: {  	[tilespmem:s17+$0x60] =	vst.add.f32.msk $0xffff, v17;
	v11 =	vor.u32 v7, v11  }
0x264: {  	v10 =	vld.idx.msk [tilespmem:v10+s3+$0x0], $0xffff  }
0x265: {  	[tilespmem:s8+$0xFFFFFFE0] =	vst.add.f32.msk $0xffff, v14  }
0x266: {  	v13 =	vld.idx.msk [tilespmem:v13+s3+$0x0], $0xffff  }
0x267: {  	[tilespmem:s8+$0x60] =	vst.add.f32.msk $0xffff, v12  }
0x268: {  	v11 =	vld.idx.msk [tilespmem:v11+s3+$0x0], $0xffff  }
0x269: {  	[tilespmem:s14+$0x70] =	vst.add.f32.msk $0xffff, v8  }
0x26a: {  	[tilespmem:s17+$0xFFFFFFF0] =	vst.add.f32.msk $0xffff, v9  }
0x26b: {  	[tilespmem:s17+$0x70] =	vst.add.f32.msk $0xffff, v10  }
0x26c: {  	[tilespmem:s8+$0xFFFFFFF0] =	vst.add.f32.msk $0xffff, v13  }
0x26d: {  	s17 =	sadd.s32 s6, s13;
	[tilespmem:s8+$0x70] =	vst.add.f32.msk $0xffff, v11;
	s8 =	simm.s32 $0xF8  }
0x26e: {  	[hbm4b:s17+s3] =	stream.linear.scatter [tilespmem:s21], [sflag:$0x6], $0x7C00, $0x38;
	v8 =	vmov s8;
	[tilespmem:$0x11900] =	vst v63  }
0x26f: {  	s2 =	sadd.s32 $0x3FF80, s2;
	_ =	swait.ge [sflag:s29], $0x7E00;
	v8 =	vand.u32 $0xFFFFFFFE, v8  }
0x270: {  	s18 =	sadd.s32 s5, s2;
	[sflag:s29] =	ssyncset.done $0x0;
	v8 =	vbroadcast v8, $0x0  }
0x271: {  	s14 =	simm.s32 $0x9500;
	s8 =	simm.s32 $0xF9;
	[sflag:s29] =	ssyncadd.s32 $0xFFFF8200  }
0x272: {  	v9 =	vmov s8;
	[tilespmem:s14], [sflag:$0x3] =	stream.linear.gather [hbm4b:s18+s3], $0x7E00, $0x38;
	[tilespmem:$0x11900] =	vst v63  }
0x273: {  	_ =	swait.ge [sflag:s25], $0x7E00  }
0x274: {  	[sflag:s25] =	ssyncset.done $0x0  }
0x275: {  	[sflag:s25] =	ssyncadd.s32 $0xFFFF8200  }
0x276: {  	v8 =	vld.idx.msk [tilespmem:v8+s20+$0x0], $0xffff  }
0x277: {  	v9 =	vld.idx.msk [tilespmem:v9+s20+$0x0], $0xffff;
	_ =	sdelay $0x3  }
0x278: {  	v10 =	vshll.u32 v8, $0x7  }
0x279: {  	v12 =	vshll.u32 v9, $0x7;
	v8 =	vor.u32 v0, v10  }
0x27a: {  	v9 =	vor.u32 v0, v12;
	_ =	sdelay $0x3  }
0x27b: {  	v8 =	vld.idx.msk [tilespmem:v8+s3+$0x0], $0xffff  }
0x27c: {  	v9 =	vld.idx.msk [tilespmem:v9+s3+$0x0], $0xffff  }
0x27d: {  	v11 =	vor.u32 v1, v10  }
0x27e: {  	v13 =	vor.u32 v1, v12;
	_ =	sdelay $0x1  }
0x27f: {  	[tilespmem:s14+$0x0] =	vst.add.f32.msk $0xffff, v8  }
0x280: {  	[tilespmem:s14+$0x80] =	vst.add.f32.msk $0xffff, v9  }
0x281: {  	v8 =	vld.idx.msk [tilespmem:v11+s3+$0x0], $0xffff  }
0x282: {  	v13 =	vld.idx.msk [tilespmem:v13+s3+$0x0], $0xffff  }
0x283: {  	s13 =	simm.s32 $0xFA;
	v11 =	vor.u32 v2, v10  }
0x284: {  	v14 =	vor.u32 v2, v12;
	v9 =	vmov s13  }
0x285: {  	v9 =	vand.u32 $0xFFFFFFFE, v9  }
0x286: {  	v9 =	vbroadcast v9, $0x0;
	[tilespmem:s14+$0x10] =	vst.add.f32.msk $0xffff, v8  }
0x287: {  	[tilespmem:s14+$0x90] =	vst.add.f32.msk $0xffff, v13  }
0x288: {  	v8 =	vld.idx.msk [tilespmem:v11+s3+$0x0], $0xffff  }
0x289: {  	v13 =	vld.idx.msk [tilespmem:v14+s3+$0x0], $0xffff  }
0x28a: {  	s17 =	simm.s32 $0xFB;
	v11 =	vor.u32 v3, v10  }
0x28b: {  	v15 =	vmov s17  }
0x28c: {  	v14 =	vor.u32 v3, v12;
	v9 =	vld.idx.msk [tilespmem:v9+s20+$0x0], $0xffff  }
0x28d: {  	[tilespmem:s14+$0x20] =	vst.add.f32.msk $0xffff, v8  }
0x28e: {  	[tilespmem:s14+$0xA0] =	vst.add.f32.msk $0xffff, v13  }
0x28f: {  	v8 =	vld.idx.msk [tilespmem:v11+s3+$0x0], $0xffff  }
0x290: {  	v11 =	vld.idx.msk [tilespmem:v15+s20+$0x0], $0xffff;
	v15 =	vor.u32 v4, v10  }
0x291: {  	v13 =	vld.idx.msk [tilespmem:v14+s3+$0x0], $0xffff  }
0x292: {  	s18 =	simm.s32 $0xFD;
	v14 =	vor.u32 v4, v12  }
0x293: {  	v16 =	vmov s18;
	v17 =	vshll.u32 v9, $0x7  }
0x294: {  	v9 =	vor.u32 v0, v17;
	[tilespmem:s14+$0x30] =	vst.add.f32.msk $0xffff, v8  }
0x295: {  	v8 =	vshll.u32 v11, $0x7;
	v15 =	vld.idx.msk [tilespmem:v15+s3+$0x0], $0xffff  }
0x296: {  	[tilespmem:s14+$0xB0] =	vst.add.f32.msk $0xffff, v13;
	v13 =	vor.u32 v0, v8  }
0x297: {  	v14 =	vld.idx.msk [tilespmem:v14+s3+$0x0], $0xffff  }
0x298: {  	v16 =	vld.idx.msk [tilespmem:v16+s20+$0x0], $0xffff;
	v11 =	vor.u32 v5, v10  }
0x299: {  	v9 =	vld.idx.msk [tilespmem:v9+s3+$0x0], $0xffff  }
0x29a: {  	v18 =	vor.u32 v5, v12;
	[tilespmem:s14+$0x40] =	vst.add.f32.msk $0xffff, v15  }
0x29b: {  	v15 =	vor.u32 v1, v17;
	v13 =	vld.idx.msk [tilespmem:v13+s3+$0x0], $0xffff  }
0x29c: {  	[tilespmem:s14+$0xC0] =	vst.add.f32.msk $0xffff, v14  }
0x29d: {  	s13 =	simm.s32 $0x9600;
	v11 =	vld.idx.msk [tilespmem:v11+s3+$0x0], $0xffff  }
0x29e: {  	[tilespmem:s13+$0x0] =	vst.add.f32.msk $0xffff, v9;
	v9 =	vor.u32 v1, v8  }
0x29f: {  	v19 =	vor.u32 v6, v10;
	v14 =	vld.idx.msk [tilespmem:v18+s3+$0x0], $0xffff  }
0x2a0: {  	v15 =	vld.idx.msk [tilespmem:v15+s3+$0x0], $0xffff  }
0x2a1: {  	[tilespmem:s13+$0x80] =	vst.add.f32.msk $0xffff, v13  }
0x2a2: {  	[tilespmem:s14+$0x50] =	vst.add.f32.msk $0xffff, v11;
	v11 =	vor.u32 v2, v17  }
0x2a3: {  	s8 =	simm.s32 $0xFC;
	v9 =	vld.idx.msk [tilespmem:v9+s3+$0x0], $0xffff  }
0x2a4: {  	v13 =	vmov s8;
	v18 =	vld.idx.msk [tilespmem:v19+s3+$0x0], $0xffff  }
0x2a5: {  	v10 =	vor.u32 v7, v10;
	v13 =	vand.u32 $0xFFFFFFFE, v13;
	[tilespmem:s14+$0xD0] =	vst.add.f32.msk $0xffff, v14  }
0x2a6: {  	v14 =	vor.u32 v2, v8;
	v13 =	vbroadcast v13, $0x0;
	[tilespmem:s13+$0x10] =	vst.add.f32.msk $0xffff, v15  }
0x2a7: {  	v11 =	vld.idx.msk [tilespmem:v11+s3+$0x0], $0xffff  }
0x2a8: {  	[tilespmem:s13+$0x90] =	vst.add.f32.msk $0xffff, v9  }
0x2a9: {  	v15 =	vor.u32 v3, v17;
	[tilespmem:s14+$0x60] =	vst.add.f32.msk $0xffff, v18  }
0x2aa: {  	v10 =	vld.idx.msk [tilespmem:v10+s3+$0x0], $0xffff  }
0x2ab: {  	v9 =	vld.idx.msk [tilespmem:v14+s3+$0x0], $0xffff;
	v14 =	vor.u32 v6, v12  }
0x2ac: {  	v13 =	vld.idx.msk [tilespmem:v13+s20+$0x0], $0xffff  }
0x2ad: {  	s17 =	simm.s32 $0xFF;
	[tilespmem:s13+$0x20] =	vst.add.f32.msk $0xffff, v11;
	v11 =	vor.u32 v3, v8  }
0x2ae: {  	v18 =	vmov s17;
	v15 =	vld.idx.msk [tilespmem:v15+s3+$0x0], $0xffff  }
0x2af: {  	[tilespmem:s14+$0x70] =	vst.add.f32.msk $0xffff, v10  }
0x2b0: {  	v10 =	vld.idx.msk [tilespmem:v14+s3+$0x0], $0xffff;
	v14 =	vor.u32 v4, v17  }
0x2b1: {  	[tilespmem:s13+$0xA0] =	vst.add.f32.msk $0xffff, v9  }
0x2b2: {  	v12 =	vor.u32 v7, v12;
	v9 =	vshll.u32 v13, $0x7;
	v19 =	vld.idx.msk [tilespmem:v11+s3+$0x0], $0xffff  }
0x2b3: {  	v13 =	vor.u32 v0, v9;
	v11 =	vld.idx.msk [tilespmem:v18+s20+$0x0], $0xffff  }
0x2b4: {  	[tilespmem:s13+$0x30] =	vst.add.f32.msk $0xffff, v15  }
0x2b5: {  	v18 =	vor.u32 v4, v8;
	v14 =	vld.idx.msk [tilespmem:v14+s3+$0x0], $0xffff  }
0x2b6: {  	[tilespmem:s14+$0xE0] =	vst.add.f32.msk $0xffff, v10  }
0x2b7: {  	v15 =	vor.u32 v5, v17;
	v10 =	vshll.u32 v16, $0x7;
	v12 =	vld.idx.msk [tilespmem:v12+s3+$0x0], $0xffff  }
0x2b8: {  	v16 =	vor.u32 v0, v10;
	v13 =	vld.idx.msk [tilespmem:v13+s3+$0x0], $0xffff  }
0x2b9: {  	[tilespmem:s13+$0xB0] =	vst.add.f32.msk $0xffff, v19  }
0x2ba: {  	v18 =	vld.idx.msk [tilespmem:v18+s3+$0x0], $0xffff  }
0x2bb: {  	v19 =	vor.u32 v5, v8;
	[tilespmem:s13+$0x40] =	vst.add.f32.msk $0xffff, v14  }
0x2bc: {  	v14 =	vor.u32 v1, v9;
	v15 =	vld.idx.msk [tilespmem:v15+s3+$0x0], $0xffff  }
0x2bd: {  	s1 =	simm.s32 $0x9700;
	v16 =	vld.idx.msk [tilespmem:v16+s3+$0x0], $0xffff  }
0x2be: {  	[tilespmem:s1+$0x0] =	vst.add.f32.msk $0xffff, v13  }
0x2bf: {  	v20 =	vor.u32 v6, v17;
	[tilespmem:s13+$0xC0] =	vst.add.f32.msk $0xffff, v18  }
0x2c0: {  	v13 =	vor.u32 v1, v10;
	v18 =	vld.idx.msk [tilespmem:v19+s3+$0x0], $0xffff  }
0x2c1: {  	v14 =	vld.idx.msk [tilespmem:v14+s3+$0x0], $0xffff  }
0x2c2: {  	[tilespmem:s13+$0x50] =	vst.add.f32.msk $0xffff, v15  }
0x2c3: {  	s18 =	simm.s32 $0xFE;
	v15 =	vor.u32 v2, v9;
	[tilespmem:s1+$0x80] =	vst.add.f32.msk $0xffff, v16  }
0x2c4: {  	v16 =	vmov s18;
	v19 =	vld.idx.msk [tilespmem:v20+s3+$0x0], $0xffff  }
0x2c5: {  	v17 =	vor.u32 v7, v17;
	v13 =	vld.idx.msk [tilespmem:v13+s3+$0x0], $0xffff;
	v16 =	vand.u32 $0xFFFFFFFE, v16  }
0x2c6: {  	v16 =	vbroadcast v16, $0x0;
	[tilespmem:s13+$0xD0] =	vst.add.f32.msk $0xffff, v18  }
0x2c7: {  	[tilespmem:s1+$0x10] =	vst.add.f32.msk $0xffff, v14  }
0x2c8: {  	v14 =	vor.u32 v2, v10;
	v20 =	vld.idx.msk [tilespmem:v15+s3+$0x0], $0xffff  }
0x2c9: {  	[tilespmem:s13+$0x60] =	vst.add.f32.msk $0xffff, v19  }
0x2ca: {  	v15 =	vld.idx.msk [tilespmem:v17+s3+$0x0], $0xffff;
	v17 =	vor.u32 v3, v9  }
0x2cb: {  	[tilespmem:s1+$0x90] =	vst.add.f32.msk $0xffff, v13  }
0x2cc: {  	v18 =	vor.u32 v6, v8;
	v13 =	vld.idx.msk [tilespmem:v16+s20+$0x0], $0xffff  }
0x2cd: {  	v14 =	vld.idx.msk [tilespmem:v14+s3+$0x0], $0xffff  }
0x2ce: {  	s17 =	simm.s32 $0x6;
	v16 =	vor.u32 v3, v10;
	[tilespmem:s1+$0x20] =	vst.add.f32.msk $0xffff, v20  }
.LBB2_9:
0x2cf: {  	s8 =	sadd.s32 $0xFB, s17;
	v17 =	vld.idx.msk [tilespmem:v17+s3+$0x0], $0xffff  }
0x2d0: {  	v19 =	vmov s8;
	[tilespmem:s13+$0x70] =	vst.add.f32.msk $0xffff, v15  }
0x2d1: {  	v15 =	vld.idx.msk [tilespmem:v18+s3+$0x0], $0xffff  }
0x2d2: {  	v18 =	vor.u32 v4, v9;
	[tilespmem:s1+$0xA0] =	vst.add.f32.msk $0xffff, v14  }
0x2d3: {  	v14 =	vld.idx.msk [tilespmem:v16+s3+$0x0], $0xffff  }
0x2d4: {  	[tilespmem:s14+$0xF0] =	vst.add.f32.msk $0xffff, v12;
	s14 =	smov.u32 s13;
	s13 =	smov.u32 s1  }
0x2d5: {  	v12 =	vor.u32 v4, v10;
	v16 =	vld.idx.msk [tilespmem:v19+s20+$0x0], $0xffff  }
0x2d6: {  	v13 =	vshll.u32 v13, $0x7;
	[tilespmem:s1+$0x30] =	vst.add.f32.msk $0xffff, v17;
	v17 =	vor.u32 v7, v8;
	v8 =	vmov v10  }
0x2d7: {  	v19 =	vor.u32 v0, v13;
	v18 =	vld.idx.msk [tilespmem:v18+s3+$0x0], $0xffff  }
0x2d8: {  	[tilespmem:s14+$0xE0] =	vst.add.f32.msk $0xffff, v15  }
0x2d9: {  	v10 =	vshll.u32 v11, $0x7;
	v15 =	vor.u32 v5, v9;
	[tilespmem:s1+$0xB0] =	vst.add.f32.msk $0xffff, v14  }
0x2da: {  	v14 =	vor.u32 v0, v10;
	v20 =	vld.idx.msk [tilespmem:v12+s3+$0x0], $0xffff  }
0x2db: {  	v11 =	vmov v16;
	v12 =	vld.idx.msk [tilespmem:v17+s3+$0x0], $0xffff  }
0x2dc: {  	v17 =	vor.u32 v5, v8;
	v16 =	vld.idx.msk [tilespmem:v19+s3+$0x0], $0xffff  }
0x2dd: {  	[tilespmem:s1+$0x40] =	vst.add.f32.msk $0xffff, v18  }
0x2de: {  	v18 =	vor.u32 v1, v13;
	v15 =	vld.idx.msk [tilespmem:v15+s3+$0x0], $0xffff  }
0x2df: {  	v14 =	vld.idx.msk [tilespmem:v14+s3+$0x0], $0xffff  }
0x2e0: {  	v19 =	vor.u32 v6, v9;
	[tilespmem:s1+$0xC0] =	vst.add.f32.msk $0xffff, v20  }
0x2e1: {  	s1 =	sadd.s32 $0x100, s1;
	v17 =	vld.idx.msk [tilespmem:v17+s3+$0x0], $0xffff  }
0x2e2: {  	[tilespmem:s1+$0x0] =	vst.add.f32.msk $0xffff, v16;
	v16 =	vor.u32 v1, v10  }
0x2e3: {  	v18 =	vld.idx.msk [tilespmem:v18+s3+$0x0], $0xffff  }
0x2e4: {  	[tilespmem:s13+$0x50] =	vst.add.f32.msk $0xffff, v15  }
0x2e5: {  	v15 =	vor.u32 v2, v13;
	v19 =	vld.idx.msk [tilespmem:v19+s3+$0x0], $0xffff  }
0x2e6: {  	s8 =	sadd.s32 $0xFA, s17;
	[tilespmem:s1+$0x80] =	vst.add.f32.msk $0xffff, v14  }
0x2e7: {  	v20 =	vor.u32 v7, v9;
	v9 =	vmov v13;
	v14 =	vmov s8;
	v16 =	vld.idx.msk [tilespmem:v16+s3+$0x0], $0xffff  }
0x2e8: {  	v13 =	vand.u32 $0xFFFFFFFE, v14;
	[tilespmem:s13+$0xD0] =	vst.add.f32.msk $0xffff, v17  }
0x2e9: {  	v14 =	vor.u32 v2, v10;
	v13 =	vbroadcast v13, $0x0;
	[tilespmem:s1+$0x10] =	vst.add.f32.msk $0xffff, v18  }
0x2ea: {  	s17 =	sadd.s32 $0x2, s17;
	v21 =	vld.idx.msk [tilespmem:v15+s3+$0x0], $0xffff  }
0x2eb: {  	p3 =	slt.u32 s17, $0xFA;
	[tilespmem:s13+$0x60] =	vst.add.f32.msk $0xffff, v19  }
.Ltmp5:
0x2ec: {  	v17 =	vor.u32 v3, v9;
	v15 =	vld.idx.msk [tilespmem:v20+s3+$0x0], $0xffff;
	(pc) =	sbr.rel @p3 .LBB2_9-.Ltmp5, $4  }
0x2ed: {  	[tilespmem:s1+$0x90] =	vst.add.f32.msk $0xffff, v16  }
0x2ee: {  	v18 =	vor.u32 v6, v8;
	v14 =	vld.idx.msk [tilespmem:v14+s3+$0x0], $0xffff  }
0x2ef: {  	v13 =	vld.idx.msk [tilespmem:v13+s20+$0x0], $0xffff  }
0x2f0: {  	v16 =	vor.u32 v3, v10;
	[tilespmem:s1+$0x20] =	vst.add.f32.msk $0xffff, v21  }
0x2f1: {  	_ =	sdelay $0x3  }
0x2f2: {  	v17 =	vld.idx.msk [tilespmem:v17+s3+$0x0], $0xffff  }
0x2f3: {  	[tilespmem:s13+$0x70] =	vst.add.f32.msk $0xffff, v15  }
0x2f4: {  	v39 =	vld.idx.msk [tilespmem:v18+s3+$0x0], $0xffff  }
0x2f5: {  	v40 =	vor.u32 v4, v9;
	[tilespmem:s14+$0xF0] =	vst.add.f32.msk $0xffff, v12;
	v11 =	vshll.u32 v11, $0x7  }
0x2f6: {  	v42 =	vor.u32 v0, v11;
	[tilespmem:s1+$0xA0] =	vst.add.f32.msk $0xffff, v14  }
0x2f7: {  	v8 =	vor.u32 v7, v8;
	v13 =	vshll.u32 v13, $0x7;
	v14 =	vld.idx.msk [tilespmem:v16+s3+$0x0], $0xffff  }
0x2f8: {  	v41 =	vor.u32 v0, v13;
	[tilespmem:s1+$0x30] =	vst.add.f32.msk $0xffff, v17  }
0x2f9: {  	[tilespmem:s13+$0xE0] =	vst.add.f32.msk $0xffff, v39  }
0x2fa: {  	v43 =	vor.u32 v4, v10;
	v18 =	vld.idx.msk [tilespmem:v40+s3+$0x0], $0xffff  }
0x2fb: {  	v12 =	vld.idx.msk [tilespmem:v42+s3+$0x0], $0xffff  }
0x2fc: {  	v47 =	vor.u32 v1, v11;
	v8 =	vld.idx.msk [tilespmem:v8+s3+$0x0], $0xffff  }
0x2fd: {  	v44 =	vld.idx.msk [tilespmem:v41+s3+$0x0], $0xffff  }
0x2fe: {  	v45 =	vor.u32 v1, v13;
	[tilespmem:s1+$0xB0] =	vst.add.f32.msk $0xffff, v14  }
0x2ff: {  	s17 =	sadd.s32 $0x100, s1;
	v46 =	vld.idx.msk [tilespmem:v43+s3+$0x0], $0xffff  }
0x300: {  	v19 =	vor.u32 v5, v9;
	[tilespmem:s17+$0x80] =	vst.add.f32.msk $0xffff, v12  }
0x301: {  	v12 =	vld.idx.msk [tilespmem:v47+s3+$0x0], $0xffff  }
0x302: {  	v49 =	vor.u32 v2, v11;
	[tilespmem:s17+$0x0] =	vst.add.f32.msk $0xffff, v44  }
0x303: {  	v14 =	vld.idx.msk [tilespmem:v45+s3+$0x0], $0xffff  }
0x304: {  	v48 =	vor.u32 v2, v13;
	[tilespmem:s1+$0x40] =	vst.add.f32.msk $0xffff, v18  }
0x305: {  	v18 =	vld.idx.msk [tilespmem:v19+s3+$0x0], $0xffff  }
0x306: {  	v50 =	vor.u32 v5, v10;
	[tilespmem:s17+$0x90] =	vst.add.f32.msk $0xffff, v12  }
0x307: {  	v12 =	vld.idx.msk [tilespmem:v49+s3+$0x0], $0xffff  }
0x308: {  	v52 =	vor.u32 v3, v11;
	[tilespmem:s17+$0x10] =	vst.add.f32.msk $0xffff, v14  }
0x309: {  	v14 =	vld.idx.msk [tilespmem:v48+s3+$0x0], $0xffff  }
0x30a: {  	v51 =	vor.u32 v3, v13;
	[tilespmem:s1+$0xC0] =	vst.add.f32.msk $0xffff, v46  }
0x30b: {  	v53 =	vld.idx.msk [tilespmem:v50+s3+$0x0], $0xffff  }
0x30c: {  	v54 =	vor.u32 v6, v9;
	[tilespmem:s17+$0xA0] =	vst.add.f32.msk $0xffff, v12  }
0x30d: {  	v12 =	vld.idx.msk [tilespmem:v52+s3+$0x0], $0xffff  }
0x30e: {  	v56 =	vor.u32 v4, v11;
	[tilespmem:s17+$0x20] =	vst.add.f32.msk $0xffff, v14  }
0x30f: {  	v14 =	vld.idx.msk [tilespmem:v51+s3+$0x0], $0xffff  }
0x310: {  	v55 =	vor.u32 v4, v13;
	[tilespmem:s1+$0x50] =	vst.add.f32.msk $0xffff, v18  }
0x311: {  	v18 =	vld.idx.msk [tilespmem:v54+s3+$0x0], $0xffff  }
0x312: {  	v60 =	vor.u32 v6, v10;
	[tilespmem:s17+$0xB0] =	vst.add.f32.msk $0xffff, v12  }
0x313: {  	v12 =	vld.idx.msk [tilespmem:v56+s3+$0x0], $0xffff  }
0x314: {  	v58 =	vor.u32 v5, v11;
	[tilespmem:s17+$0x30] =	vst.add.f32.msk $0xffff, v14  }
0x315: {  	v14 =	vld.idx.msk [tilespmem:v55+s3+$0x0], $0xffff  }
0x316: {  	v57 =	vor.u32 v5, v13;
	[tilespmem:s1+$0xD0] =	vst.add.f32.msk $0xffff, v53  }
0x317: {  	v17 =	vld.idx.msk [tilespmem:v60+s3+$0x0], $0xffff  }
0x318: {  	v59 =	vor.u32 v7, v9;
	[tilespmem:s17+$0xC0] =	vst.add.f32.msk $0xffff, v12  }
0x319: {  	v12 =	vld.idx.msk [tilespmem:v58+s3+$0x0], $0xffff  }
0x31a: {  	v62 =	vor.u32 v6, v11;
	[tilespmem:s17+$0x40] =	vst.add.f32.msk $0xffff, v14  }
0x31b: {  	v14 =	vld.idx.msk [tilespmem:v57+s3+$0x0], $0xffff  }
0x31c: {  	v61 =	vor.u32 v6, v13;
	[tilespmem:s1+$0x60] =	vst.add.f32.msk $0xffff, v18  }
0x31d: {  	v9 =	vld.idx.msk [tilespmem:v59+s3+$0x0], $0xffff  }
0x31e: {  	v63 =	vor.u32 v7, v10;
	[tilespmem:s17+$0xD0] =	vst.add.f32.msk $0xffff, v12  }
0x31f: {  	v12 =	vld.idx.msk [tilespmem:v62+s3+$0x0], $0xffff  }
0x320: {  	v11 =	vor.u32 v7, v11;
	[tilespmem:s17+$0x50] =	vst.add.f32.msk $0xffff, v14  }
0x321: {  	v14 =	vld.idx.msk [tilespmem:v61+s3+$0x0], $0xffff  }
0x322: {  	v13 =	vor.u32 v7, v13;
	[tilespmem:s1+$0xE0] =	vst.add.f32.msk $0xffff, v17  }
0x323: {  	v10 =	vld.idx.msk [tilespmem:v63+s3+$0x0], $0xffff  }
0x324: {  	[tilespmem:s17+$0xE0] =	vst.add.f32.msk $0xffff, v12  }
0x325: {  	v11 =	vld.idx.msk [tilespmem:v11+s3+$0x0], $0xffff  }
0x326: {  	[tilespmem:s17+$0x60] =	vst.add.f32.msk $0xffff, v14  }
0x327: {  	v13 =	vld.idx.msk [tilespmem:v13+s3+$0x0], $0xffff  }
0x328: {  	[tilespmem:s13+$0xF0] =	vst.add.f32.msk $0xffff, v8  }
0x329: {  	[tilespmem:s1+$0x70] =	vst.add.f32.msk $0xffff, v9  }
0x32a: {  	[tilespmem:s1+$0xF0] =	vst.add.f32.msk $0xffff, v10  }
.Ltmp6:
0x32b: {  	p3 =	seq.s32 s31, $0x5;
	[tilespmem:s17+$0xF0] =	vst.add.f32.msk $0xffff, v11;
	(pc) =	sbr.rel @!p2 .LBB2_18-.Ltmp6, $4  }
0x32c: {  	s18 =	sadd.s32 s6, s2;
	s2 =	simm.s32 @!p3 $0x80;
	s1 =	sshll.u32 @!p3 s31, $0xC;
	[tilespmem:s17+$0x70] =	vst.add.f32.msk $0xffff, v13  }
0x32d: {  	[hbm4b:s18+s3] =	stream.linear.scatter [tilespmem:s22], [sflag:$0x7], $0x7E00, $0x38;
	[tilespmem:$0x11900] =	vst v63  }
0x32e: {  	s8 =	simm.s32 @!p3 $0x400;
	s13 =	simm.s32 @!p3 $0x11700;
	s1 =	sadd.s32 @!p3 s1, s12  }
0x32f: {  	[tilespmem:s13], [sflag:$0x5] =	stream.strided.gather @!p3 [hbm4b:s1+s2], $0x200, s8, s2, $0x38;
	[tilespmem:$0x11900] =	vst v63  }
0x330: {  	s0 =	sshll.u32 s0, $0x5  }
0x331: {  	s0 =	sor.u32 s4, s0  }
0x332: {  	s0 =	smul.u32 $0xFC00, s0  }
0x333: {  	_ =	swait.ge [sflag:s26], $0x7C00  }
0x334: {  	s31 =	sadd.s32 $0x1, s31;
	[sflag:s26] =	ssyncset.done $0x0;
	s0 =	sshrl.u32 s0, $0x3  }
0x335: {  	p2 =	sne.s32 s31, $0x6;
	[sflag:s26] =	ssyncadd.s32 $0xFFFF8400;
	s0 =	sadd.s32 s5, s0  }
0x336: {  	[tilespmem:s21], [sflag:$0x2] =	stream.linear.gather [hbm4b:s0+s3], $0x7C00, $0x38;
	[tilespmem:$0x11900] =	vst v63  }
.Ltmp7:
0x337: {  	_ = 	snop;
	(pc) =	sbr.rel @p2 .LBB2_2-.Ltmp7, $4  }
0x338: {  	_ =	swait.ge [sflag:s29], $0x7E00  }
0x339: {  	[sflag:s29] =	ssyncset.done $0x0  }
0x33a: {  	s0 =	sadd.s32 $0xF80, s0;
	[sflag:s29] =	ssyncadd.s32 $0xFFFF8200  }
0x33b: {  	[tilespmem:s22], [sflag:$0x3] =	stream.linear.gather [hbm4b:s0+s3], $0x7E00, $0x38;
	[tilespmem:$0x11900] =	vst v63  }
.Ltmp8:
0x33c: {  	(pc) =	sbr.rel @p1 .LBB2_18-.Ltmp8, $1  }
0x33d: {  	_ =	sdelay $0x3  }
0x33e: {  	s0 =	simm.s32 $0x0  }
0x33f: {  	_ =	swait.ge [sflag:s23], $0x200;
	s13 =	simm.s32 $0x1;
	v8 =	vmov s0  }
0x340: {  	[sflag:s23] =	ssyncset.done $0x0;
	v9 =	vmov s13;
	v8 =	vand.u32 $0xFFFFFFFE, v8  }
0x341: {  	[sflag:s23] =	ssyncadd.s32 $0xFFFFFE00;
	v8 =	vbroadcast v8, $0x0  }
0x342: {  	_ =	swait.ge [sflag:s24], $0x7C00  }
0x343: {  	[sflag:s24] =	ssyncset.done $0x0  }
0x344: {  	[sflag:s24] =	ssyncadd.s32 $0xFFFF8400  }
0x345: {  	v9 =	vld.idx.msk [tilespmem:v9+s19+$0x0], $0xffff;
	_ =	sdelay $0x1  }
0x346: {  	v8 =	vld.idx.msk [tilespmem:v8+s19+$0x0], $0xffff;
	_ =	sdelay $0x2  }
0x347: {  	v12 =	vshll.u32 v9, $0x7  }
0x348: {  	v9 =	vor.u32 v0, v12  }
0x349: {  	v10 =	vshll.u32 v8, $0x7  }
0x34a: {  	v8 =	vor.u32 v0, v10;
	_ =	sdelay $0x2  }
0x34b: {  	v9 =	vld.idx.msk [tilespmem:v9+s3+$0x0], $0xffff  }
0x34c: {  	v13 =	vor.u32 v1, v12  }
0x34d: {  	v8 =	vld.idx.msk [tilespmem:v8+s3+$0x0], $0xffff  }
0x34e: {  	v11 =	vor.u32 v1, v10  }
0x34f: {  	s1 =	simm.s32 $0x1980  }
0x350: {  	[tilespmem:s1+$0x0] =	vst.add.f32.msk $0xffff, v9  }
0x351: {  	v13 =	vld.idx.msk [tilespmem:v13+s3+$0x0], $0xffff  }
0x352: {  	s14 =	simm.s32 $0x2;
	v14 =	vor.u32 v2, v12;
	[tilespmem:s1+$0xFFFFFF80] =	vst.add.f32.msk $0xffff, v8  }
0x353: {  	v9 =	vmov s14;
	v8 =	vld.idx.msk [tilespmem:v11+s3+$0x0], $0xffff  }
0x354: {  	v9 =	vand.u32 $0xFFFFFFFE, v9;
	v11 =	vor.u32 v2, v10  }
0x355: {  	v9 =	vbroadcast v9, $0x0  }
0x356: {  	[tilespmem:s1+$0x10] =	vst.add.f32.msk $0xffff, v13  }
0x357: {  	v13 =	vld.idx.msk [tilespmem:v14+s3+$0x0], $0xffff  }
0x358: {  	v14 =	vor.u32 v3, v12;
	[tilespmem:s1+$0xFFFFFF90] =	vst.add.f32.msk $0xffff, v8  }
0x359: {  	v8 =	vld.idx.msk [tilespmem:v11+s3+$0x0], $0xffff  }
0x35a: {  	s17 =	simm.s32 $0x3;
	v11 =	vor.u32 v3, v10  }
0x35b: {  	v15 =	vmov s17;
	v9 =	vld.idx.msk [tilespmem:v9+s19+$0x0], $0xffff  }
0x35c: {  	[tilespmem:s1+$0x20] =	vst.add.f32.msk $0xffff, v13  }
0x35d: {  	v13 =	vld.idx.msk [tilespmem:v14+s3+$0x0], $0xffff  }
0x35e: {  	v14 =	vor.u32 v4, v12;
	[tilespmem:s1+$0xFFFFFFA0] =	vst.add.f32.msk $0xffff, v8  }
0x35f: {  	v8 =	vld.idx.msk [tilespmem:v11+s3+$0x0], $0xffff  }
0x360: {  	v11 =	vld.idx.msk [tilespmem:v15+s19+$0x0], $0xffff;
	v15 =	vor.u32 v4, v10  }
0x361: {  	s18 =	simm.s32 $0x5  }
0x362: {  	v16 =	vmov s18;
	v17 =	vshll.u32 v9, $0x7;
	[tilespmem:s1+$0x30] =	vst.add.f32.msk $0xffff, v13  }
0x363: {  	v9 =	vor.u32 v0, v17;
	v14 =	vld.idx.msk [tilespmem:v14+s3+$0x0], $0xffff  }
0x364: {  	[tilespmem:s1+$0xFFFFFFB0] =	vst.add.f32.msk $0xffff, v8  }
0x365: {  	v8 =	vshll.u32 v11, $0x7;
	v15 =	vld.idx.msk [tilespmem:v15+s3+$0x0], $0xffff  }
0x366: {  	v13 =	vor.u32 v0, v8  }
0x367: {  	v16 =	vld.idx.msk [tilespmem:v16+s19+$0x0], $0xffff;
	v11 =	vor.u32 v5, v10  }
0x368: {  	v9 =	vld.idx.msk [tilespmem:v9+s3+$0x0], $0xffff  }
0x369: {  	v18 =	vor.u32 v5, v12;
	[tilespmem:s1+$0x40] =	vst.add.f32.msk $0xffff, v14  }
0x36a: {  	[tilespmem:s1+$0xFFFFFFC0] =	vst.add.f32.msk $0xffff, v15;
	v15 =	vor.u32 v1, v17  }
0x36b: {  	v13 =	vld.idx.msk [tilespmem:v13+s3+$0x0], $0xffff  }
0x36c: {  	s0 =	simm.s32 $0x1A80;
	v11 =	vld.idx.msk [tilespmem:v11+s3+$0x0], $0xffff  }
0x36d: {  	[tilespmem:s0+$0xFFFFFF80] =	vst.add.f32.msk $0xffff, v9;
	v9 =	vor.u32 v1, v8  }
0x36e: {  	v19 =	vor.u32 v6, v10;
	v14 =	vld.idx.msk [tilespmem:v18+s3+$0x0], $0xffff  }
0x36f: {  	v15 =	vld.idx.msk [tilespmem:v15+s3+$0x0], $0xffff  }
0x370: {  	[tilespmem:s0+$0x0] =	vst.add.f32.msk $0xffff, v13  }
0x371: {  	[tilespmem:s1+$0xFFFFFFD0] =	vst.add.f32.msk $0xffff, v11;
	v11 =	vor.u32 v2, v17  }
0x372: {  	s2 =	simm.s32 $0x4;
	v9 =	vld.idx.msk [tilespmem:v9+s3+$0x0], $0xffff  }
0x373: {  	v13 =	vmov s2;
	v18 =	vld.idx.msk [tilespmem:v19+s3+$0x0], $0xffff  }
0x374: {  	v10 =	vor.u32 v7, v10;
	[tilespmem:s1+$0x50] =	vst.add.f32.msk $0xffff, v14;
	v13 =	vand.u32 $0xFFFFFFFE, v13  }
0x375: {  	v14 =	vor.u32 v2, v8;
	v13 =	vbroadcast v13, $0x0;
	[tilespmem:s0+$0xFFFFFF90] =	vst.add.f32.msk $0xffff, v15  }
0x376: {  	v11 =	vld.idx.msk [tilespmem:v11+s3+$0x0], $0xffff  }
0x377: {  	[tilespmem:s0+$0x10] =	vst.add.f32.msk $0xffff, v9  }
0x378: {  	v15 =	vor.u32 v3, v17;
	[tilespmem:s1+$0xFFFFFFE0] =	vst.add.f32.msk $0xffff, v18  }
0x379: {  	v10 =	vld.idx.msk [tilespmem:v10+s3+$0x0], $0xffff  }
0x37a: {  	v9 =	vld.idx.msk [tilespmem:v14+s3+$0x0], $0xffff;
	v14 =	vor.u32 v6, v12  }
0x37b: {  	v13 =	vld.idx.msk [tilespmem:v13+s19+$0x0], $0xffff  }
0x37c: {  	s31 =	simm.s32 $0x7;
	[tilespmem:s0+$0xFFFFFFA0] =	vst.add.f32.msk $0xffff, v11;
	v11 =	vor.u32 v3, v8  }
0x37d: {  	v18 =	vmov s31;
	v15 =	vld.idx.msk [tilespmem:v15+s3+$0x0], $0xffff  }
0x37e: {  	[tilespmem:s1+$0xFFFFFFF0] =	vst.add.f32.msk $0xffff, v10  }
0x37f: {  	v10 =	vld.idx.msk [tilespmem:v14+s3+$0x0], $0xffff;
	v14 =	vor.u32 v4, v17  }
0x380: {  	[tilespmem:s0+$0x20] =	vst.add.f32.msk $0xffff, v9;
	v9 =	vshll.u32 v13, $0x7  }
0x381: {  	v13 =	vor.u32 v0, v9;
	v19 =	vld.idx.msk [tilespmem:v11+s3+$0x0], $0xffff  }
0x382: {  	v11 =	vld.idx.msk [tilespmem:v18+s19+$0x0], $0xffff  }
0x383: {  	v18 =	vor.u32 v4, v8;
	[tilespmem:s0+$0xFFFFFFB0] =	vst.add.f32.msk $0xffff, v15  }
0x384: {  	v14 =	vld.idx.msk [tilespmem:v14+s3+$0x0], $0xffff  }
0x385: {  	v15 =	vor.u32 v5, v17;
	[tilespmem:s1+$0x60] =	vst.add.f32.msk $0xffff, v10;
	v10 =	vshll.u32 v16, $0x7  }
0x386: {  	v16 =	vor.u32 v0, v10;
	v13 =	vld.idx.msk [tilespmem:v13+s3+$0x0], $0xffff  }
0x387: {  	[tilespmem:s0+$0x30] =	vst.add.f32.msk $0xffff, v19  }
0x388: {  	v18 =	vld.idx.msk [tilespmem:v18+s3+$0x0], $0xffff  }
0x389: {  	v19 =	vor.u32 v5, v8;
	[tilespmem:s0+$0xFFFFFFC0] =	vst.add.f32.msk $0xffff, v14  }
0x38a: {  	v14 =	vor.u32 v1, v9;
	v15 =	vld.idx.msk [tilespmem:v15+s3+$0x0], $0xffff  }
0x38b: {  	s2 =	simm.s32 $0x1B80;
	v16 =	vld.idx.msk [tilespmem:v16+s3+$0x0], $0xffff  }
0x38c: {  	[tilespmem:s2+$0xFFFFFF80] =	vst.add.f32.msk $0xffff, v13  }
0x38d: {  	v20 =	vor.u32 v6, v17;
	[tilespmem:s0+$0x40] =	vst.add.f32.msk $0xffff, v18  }
0x38e: {  	v13 =	vor.u32 v1, v10;
	v18 =	vld.idx.msk [tilespmem:v19+s3+$0x0], $0xffff  }
0x38f: {  	v14 =	vld.idx.msk [tilespmem:v14+s3+$0x0], $0xffff  }
0x390: {  	[tilespmem:s0+$0xFFFFFFD0] =	vst.add.f32.msk $0xffff, v15  }
0x391: {  	v15 =	vor.u32 v2, v9;
	[tilespmem:s2+$0x0] =	vst.add.f32.msk $0xffff, v16  }
0x392: {  	s8 =	simm.s32 $0x6;
	v12 =	vor.u32 v7, v12;
	v19 =	vld.idx.msk [tilespmem:v20+s3+$0x0], $0xffff  }
0x393: {  	v16 =	vmov s8;
	v13 =	vld.idx.msk [tilespmem:v13+s3+$0x0], $0xffff  }
0x394: {  	[tilespmem:s0+$0x50] =	vst.add.f32.msk $0xffff, v18;
	v18 =	vand.u32 $0xFFFFFFFE, v16;
	v16 =	vor.u32 v7, v17  }
0x395: {  	[tilespmem:s2+$0xFFFFFF90] =	vst.add.f32.msk $0xffff, v14  }
0x396: {  	v17 =	vor.u32 v2, v10;
	v14 =	vld.idx.msk [tilespmem:v15+s3+$0x0], $0xffff;
	v15 =	vbroadcast v18, $0x0  }
0x397: {  	v12 =	vld.idx.msk [tilespmem:v12+s3+$0x0], $0xffff  }
0x398: {  	s13 =	simm.s32 $0x8;
	[tilespmem:s0+$0xFFFFFFE0] =	vst.add.f32.msk $0xffff, v19  }
.LBB2_14:
0x399: {  	p2 =	slt.u32 s13, $0xF6;
	v18 =	vor.u32 v3, v9;
	v16 =	vld.idx.msk [tilespmem:v16+s3+$0x0], $0xffff  }
0x39a: {  	[tilespmem:s2+$0x10] =	vst.add.f32.msk $0xffff, v13  }
0x39b: {  	v13 =	vld.idx.msk [tilespmem:v17+s3+$0x0], $0xffff;
	v17 =	vor.u32 v6, v8  }
0x39c: {  	v15 =	vld.idx.msk [tilespmem:v15+s19+$0x0], $0xffff  }
0x39d: {  	[tilespmem:s2+$0xFFFFFFA0] =	vst.add.f32.msk $0xffff, v14;
	v14 =	vor.u32 v3, v10  }
0x39e: {  	s8 =	sadd.s32 $0x1, s13;
	v18 =	vld.idx.msk [tilespmem:v18+s3+$0x0], $0xffff  }
0x39f: {  	v19 =	vmov s8;
	[tilespmem:s0+$0xFFFFFFF0] =	vst.add.f32.msk $0xffff, v16  }
0x3a0: {  	v16 =	vld.idx.msk [tilespmem:v17+s3+$0x0], $0xffff  }
0x3a1: {  	v17 =	vor.u32 v4, v9;
	[tilespmem:s2+$0x20] =	vst.add.f32.msk $0xffff, v13  }
0x3a2: {  	v13 =	vld.idx.msk [tilespmem:v14+s3+$0x0], $0xffff  }
0x3a3: {  	[tilespmem:s1+$0x70] =	vst.add.f32.msk $0xffff, v12;
	s1 =	smov.u32 s0;
	s0 =	smov.u32 s2  }
0x3a4: {  	v12 =	vor.u32 v4, v10;
	v14 =	vld.idx.msk [tilespmem:v19+s19+$0x0], $0xffff  }
0x3a5: {  	v15 =	vshll.u32 v15, $0x7;
	[tilespmem:s2+$0xFFFFFFB0] =	vst.add.f32.msk $0xffff, v18;
	v18 =	vor.u32 v7, v8;
	v8 =	vmov v10  }
0x3a6: {  	v19 =	vor.u32 v0, v15;
	v17 =	vld.idx.msk [tilespmem:v17+s3+$0x0], $0xffff  }
0x3a7: {  	[tilespmem:s1+$0x60] =	vst.add.f32.msk $0xffff, v16  }
0x3a8: {  	v10 =	vshll.u32 v11, $0x7;
	v16 =	vor.u32 v5, v9;
	[tilespmem:s2+$0x30] =	vst.add.f32.msk $0xffff, v13  }
0x3a9: {  	v13 =	vor.u32 v0, v10;
	v20 =	vld.idx.msk [tilespmem:v12+s3+$0x0], $0xffff  }
0x3aa: {  	v11 =	vmov v14;
	v12 =	vld.idx.msk [tilespmem:v18+s3+$0x0], $0xffff  }
0x3ab: {  	v18 =	vor.u32 v5, v8;
	v14 =	vld.idx.msk [tilespmem:v19+s3+$0x0], $0xffff  }
0x3ac: {  	[tilespmem:s2+$0xFFFFFFC0] =	vst.add.f32.msk $0xffff, v17  }
0x3ad: {  	v17 =	vor.u32 v1, v15;
	v16 =	vld.idx.msk [tilespmem:v16+s3+$0x0], $0xffff  }
0x3ae: {  	v13 =	vld.idx.msk [tilespmem:v13+s3+$0x0], $0xffff  }
0x3af: {  	v19 =	vor.u32 v6, v9;
	[tilespmem:s2+$0x40] =	vst.add.f32.msk $0xffff, v20  }
0x3b0: {  	s2 =	sadd.s32 $0x100, s2;
	v18 =	vld.idx.msk [tilespmem:v18+s3+$0x0], $0xffff  }
0x3b1: {  	[tilespmem:s2+$0xFFFFFF80] =	vst.add.f32.msk $0xffff, v14;
	v14 =	vor.u32 v1, v10  }
0x3b2: {  	v17 =	vld.idx.msk [tilespmem:v17+s3+$0x0], $0xffff  }
0x3b3: {  	[tilespmem:s0+$0xFFFFFFD0] =	vst.add.f32.msk $0xffff, v16  }
0x3b4: {  	v20 =	vor.u32 v2, v15;
	v19 =	vld.idx.msk [tilespmem:v19+s3+$0x0], $0xffff  }
0x3b5: {  	[tilespmem:s2+$0x0] =	vst.add.f32.msk $0xffff, v13  }
.Ltmp9:
0x3b6: {  	v21 =	vmov s13;
	v16 =	vor.u32 v7, v9;
	v9 =	vmov v15;
	v13 =	vld.idx.msk [tilespmem:v14+s3+$0x0], $0xffff;
	(pc) =	sbr.rel @p2 .LBB2_14-.Ltmp9, $4  }
0x3b7: {  	v14 =	vand.u32 $0xFFFFFFFE, v21;
	[tilespmem:s0+$0x50] =	vst.add.f32.msk $0xffff, v18  }
0x3b8: {  	v15 =	vbroadcast v14, $0x0;
	[tilespmem:s2+$0xFFFFFF90] =	vst.add.f32.msk $0xffff, v17;
	v17 =	vor.u32 v2, v10  }
0x3b9: {  	v14 =	vld.idx.msk [tilespmem:v20+s3+$0x0], $0xffff  }
0x3ba: {  	s13 =	sadd.s32 $0x2, s13;
	[tilespmem:s0+$0xFFFFFFE0] =	vst.add.f32.msk $0xffff, v19  }
0x3bb: {  	_ =	sdelay $0x3  }
0x3bc: {  	v16 =	vld.idx.msk [tilespmem:v16+s3+$0x0], $0xffff  }
0x3bd: {  	v18 =	vor.u32 v3, v9;
	[tilespmem:s2+$0x10] =	vst.add.f32.msk $0xffff, v13  }
0x3be: {  	v15 =	vld.idx.msk [tilespmem:v15+s19+$0x0], $0xffff  }
0x3bf: {  	v13 =	vld.idx.msk [tilespmem:v17+s3+$0x0], $0xffff;
	v17 =	vor.u32 v6, v8  }
0x3c0: {  	[tilespmem:s1+$0x70] =	vst.add.f32.msk $0xffff, v12  }
0x3c1: {  	[tilespmem:s2+$0xFFFFFFA0] =	vst.add.f32.msk $0xffff, v14  }
0x3c2: {  	v11 =	vshll.u32 v11, $0x7;
	v14 =	vor.u32 v3, v10;
	v18 =	vld.idx.msk [tilespmem:v18+s3+$0x0], $0xffff  }
0x3c3: {  	v12 =	vor.u32 v0, v11;
	[tilespmem:s0+$0xFFFFFFF0] =	vst.add.f32.msk $0xffff, v16  }
0x3c4: {  	v16 =	vld.idx.msk [tilespmem:v17+s3+$0x0], $0xffff  }
0x3c5: {  	v17 =	vor.u32 v4, v9;
	[tilespmem:s2+$0x20] =	vst.add.f32.msk $0xffff, v13;
	v13 =	vshll.u32 v15, $0x7  }
0x3c6: {  	v15 =	vor.u32 v0, v13  }
0x3c7: {  	v14 =	vld.idx.msk [tilespmem:v14+s3+$0x0], $0xffff  }
0x3c8: {  	v12 =	vld.idx.msk [tilespmem:v12+s3+$0x0], $0xffff  }
0x3c9: {  	[tilespmem:s2+$0xFFFFFFB0] =	vst.add.f32.msk $0xffff, v18;
	v18 =	vor.u32 v4, v10  }
0x3ca: {  	v17 =	vld.idx.msk [tilespmem:v17+s3+$0x0], $0xffff  }
0x3cb: {  	v15 =	vld.idx.msk [tilespmem:v15+s3+$0x0], $0xffff  }
0x3cc: {  	[tilespmem:s2+$0x30] =	vst.add.f32.msk $0xffff, v14;
	v14 =	vor.u32 v1, v13  }
0x3cd: {  	v8 =	vor.u32 v7, v8;
	[tilespmem:s0+$0x60] =	vst.add.f32.msk $0xffff, v16  }
0x3ce: {  	s31 =	sadd.s32 $0x100, s2;
	v16 =	vld.idx.msk [tilespmem:v18+s3+$0x0], $0xffff;
	v18 =	vor.u32 v1, v11  }
0x3cf: {  	[tilespmem:s31+$0x0] =	vst.add.f32.msk $0xffff, v12  }
0x3d0: {  	v19 =	vor.u32 v5, v9;
	[tilespmem:s31+$0xFFFFFF80] =	vst.add.f32.msk $0xffff, v15  }
0x3d1: {  	v14 =	vld.idx.msk [tilespmem:v14+s3+$0x0], $0xffff  }
0x3d2: {  	v8 =	vld.idx.msk [tilespmem:v8+s3+$0x0], $0xffff;
	v15 =	vor.u32 v2, v13  }
0x3d3: {  	v12 =	vld.idx.msk [tilespmem:v18+s3+$0x0], $0xffff  }
0x3d4: {  	[tilespmem:s2+$0xFFFFFFC0] =	vst.add.f32.msk $0xffff, v17;
	v17 =	vor.u32 v2, v11  }
0x3d5: {  	v18 =	vld.idx.msk [tilespmem:v19+s3+$0x0], $0xffff  }
0x3d6: {  	v19 =	vor.u32 v5, v10;
	[tilespmem:s31+$0xFFFFFF90] =	vst.add.f32.msk $0xffff, v14  }
0x3d7: {  	v14 =	vld.idx.msk [tilespmem:v15+s3+$0x0], $0xffff  }
0x3d8: {  	v15 =	vor.u32 v3, v13;
	[tilespmem:s31+$0x10] =	vst.add.f32.msk $0xffff, v12  }
0x3d9: {  	v12 =	vld.idx.msk [tilespmem:v17+s3+$0x0], $0xffff  }
0x3da: {  	[tilespmem:s2+$0x40] =	vst.add.f32.msk $0xffff, v16;
	v16 =	vor.u32 v3, v11  }
0x3db: {  	v17 =	vld.idx.msk [tilespmem:v19+s3+$0x0], $0xffff  }
0x3dc: {  	v19 =	vor.u32 v6, v9;
	[tilespmem:s31+$0xFFFFFFA0] =	vst.add.f32.msk $0xffff, v14  }
0x3dd: {  	v14 =	vld.idx.msk [tilespmem:v15+s3+$0x0], $0xffff  }
0x3de: {  	v15 =	vor.u32 v4, v13;
	[tilespmem:s31+$0x20] =	vst.add.f32.msk $0xffff, v12  }
0x3df: {  	v12 =	vld.idx.msk [tilespmem:v16+s3+$0x0], $0xffff  }
0x3e0: {  	[tilespmem:s2+$0xFFFFFFD0] =	vst.add.f32.msk $0xffff, v18;
	v16 =	vor.u32 v4, v11  }
0x3e1: {  	v18 =	vld.idx.msk [tilespmem:v19+s3+$0x0], $0xffff  }
0x3e2: {  	[tilespmem:s31+$0xFFFFFFB0] =	vst.add.f32.msk $0xffff, v14  }
0x3e3: {  	v14 =	vld.idx.msk [tilespmem:v15+s3+$0x0], $0xffff  }
0x3e4: {  	v15 =	vor.u32 v5, v13;
	[tilespmem:s31+$0x30] =	vst.add.f32.msk $0xffff, v12  }
0x3e5: {  	v12 =	vld.idx.msk [tilespmem:v16+s3+$0x0], $0xffff  }
0x3e6: {  	[tilespmem:s2+$0x50] =	vst.add.f32.msk $0xffff, v17;
	v16 =	vor.u32 v5, v11  }
0x3e7: {  	v17 =	vor.u32 v6, v10;
	[tilespmem:s2+$0xFFFFFFE0] =	vst.add.f32.msk $0xffff, v18  }
0x3e8: {  	v9 =	vor.u32 v7, v9;
	[tilespmem:s31+$0xFFFFFFC0] =	vst.add.f32.msk $0xffff, v14  }
0x3e9: {  	v14 =	vld.idx.msk [tilespmem:v15+s3+$0x0], $0xffff  }
0x3ea: {  	v15 =	vor.u32 v6, v13;
	[tilespmem:s31+$0x40] =	vst.add.f32.msk $0xffff, v12  }
0x3eb: {  	v12 =	vld.idx.msk [tilespmem:v16+s3+$0x0], $0xffff  }
0x3ec: {  	v17 =	vld.idx.msk [tilespmem:v17+s3+$0x0], $0xffff;
	v16 =	vor.u32 v6, v11  }
0x3ed: {  	v9 =	vld.idx.msk [tilespmem:v9+s3+$0x0], $0xffff  }
0x3ee: {  	v10 =	vor.u32 v7, v10;
	[tilespmem:s31+$0xFFFFFFD0] =	vst.add.f32.msk $0xffff, v14  }
0x3ef: {  	v14 =	vld.idx.msk [tilespmem:v15+s3+$0x0], $0xffff  }
0x3f0: {  	v13 =	vor.u32 v7, v13;
	[tilespmem:s31+$0x50] =	vst.add.f32.msk $0xffff, v12  }
0x3f1: {  	v12 =	vld.idx.msk [tilespmem:v16+s3+$0x0], $0xffff  }
0x3f2: {  	[tilespmem:s2+$0x60] =	vst.add.f32.msk $0xffff, v17;
	v11 =	vor.u32 v7, v11  }
0x3f3: {  	v10 =	vld.idx.msk [tilespmem:v10+s3+$0x0], $0xffff  }
0x3f4: {  	[tilespmem:s31+$0xFFFFFFE0] =	vst.add.f32.msk $0xffff, v14  }
0x3f5: {  	v13 =	vld.idx.msk [tilespmem:v13+s3+$0x0], $0xffff  }
0x3f6: {  	[tilespmem:s31+$0x60] =	vst.add.f32.msk $0xffff, v12  }
0x3f7: {  	v11 =	vld.idx.msk [tilespmem:v11+s3+$0x0], $0xffff  }
0x3f8: {  	[tilespmem:s0+$0x70] =	vst.add.f32.msk $0xffff, v8  }
0x3f9: {  	s8 =	simm.s32 $0xF8;
	[tilespmem:s2+$0xFFFFFFF0] =	vst.add.f32.msk $0xffff, v9  }
0x3fa: {  	v8 =	vmov s8;
	[tilespmem:s2+$0x70] =	vst.add.f32.msk $0xffff, v10  }
0x3fb: {  	v8 =	vand.u32 $0xFFFFFFFE, v8;
	[tilespmem:s31+$0xFFFFFFF0] =	vst.add.f32.msk $0xffff, v13  }
0x3fc: {  	v8 =	vbroadcast v8, $0x0;
	[tilespmem:s31+$0x70] =	vst.add.f32.msk $0xffff, v11  }
0x3fd: {  	s2 =	simm.s32 $0xF9;
	s0 =	rddreg [dreg:$0x5]  }
0x3fe: {  	v9 =	vmov s2;
	[hbm4b:s0+s3] =	stream.linear.scatter [tilespmem:s21], [sflag:$0x6], $0x7C00, $0x38;
	[tilespmem:$0x11900] =	vst v63  }
0x3ff: {  	_ =	swait.ge [sflag:s25], $0x7E00  }
0x400: {  	[sflag:s25] =	ssyncset.done $0x0  }
0x401: {  	[sflag:s25] =	ssyncadd.s32 $0xFFFF8200  }
0x402: {  	v8 =	vld.idx.msk [tilespmem:v8+s19+$0x0], $0xffff  }
0x403: {  	v9 =	vld.idx.msk [tilespmem:v9+s19+$0x0], $0xffff;
	_ =	sdelay $0x3  }
0x404: {  	v10 =	vshll.u32 v8, $0x7  }
0x405: {  	v12 =	vshll.u32 v9, $0x7;
	v8 =	vor.u32 v0, v10  }
0x406: {  	v9 =	vor.u32 v0, v12;
	_ =	sdelay $0x3  }
0x407: {  	v8 =	vld.idx.msk [tilespmem:v8+s3+$0x0], $0xffff  }
0x408: {  	v9 =	vld.idx.msk [tilespmem:v9+s3+$0x0], $0xffff  }
0x409: {  	v11 =	vor.u32 v1, v10  }
0x40a: {  	v13 =	vor.u32 v1, v12  }
0x40b: {  	s2 =	simm.s32 $0x9500  }
0x40c: {  	[tilespmem:s2+$0x0] =	vst.add.f32.msk $0xffff, v8  }
0x40d: {  	[tilespmem:s2+$0x80] =	vst.add.f32.msk $0xffff, v9  }
0x40e: {  	v8 =	vld.idx.msk [tilespmem:v11+s3+$0x0], $0xffff  }
0x40f: {  	v13 =	vld.idx.msk [tilespmem:v13+s3+$0x0], $0xffff  }
0x410: {  	s8 =	simm.s32 $0xFA;
	v11 =	vor.u32 v2, v10  }
0x411: {  	v14 =	vor.u32 v2, v12;
	v9 =	vmov s8  }
0x412: {  	v9 =	vand.u32 $0xFFFFFFFE, v9  }
0x413: {  	v9 =	vbroadcast v9, $0x0;
	[tilespmem:s2+$0x10] =	vst.add.f32.msk $0xffff, v8  }
0x414: {  	[tilespmem:s2+$0x90] =	vst.add.f32.msk $0xffff, v13  }
0x415: {  	v8 =	vld.idx.msk [tilespmem:v11+s3+$0x0], $0xffff  }
0x416: {  	v13 =	vld.idx.msk [tilespmem:v14+s3+$0x0], $0xffff  }
0x417: {  	s13 =	simm.s32 $0xFB;
	v11 =	vor.u32 v3, v10  }
0x418: {  	v15 =	vmov s13  }
0x419: {  	v14 =	vor.u32 v3, v12;
	v9 =	vld.idx.msk [tilespmem:v9+s19+$0x0], $0xffff  }
0x41a: {  	[tilespmem:s2+$0x20] =	vst.add.f32.msk $0xffff, v8  }
0x41b: {  	[tilespmem:s2+$0xA0] =	vst.add.f32.msk $0xffff, v13  }
0x41c: {  	v8 =	vld.idx.msk [tilespmem:v11+s3+$0x0], $0xffff  }
0x41d: {  	v11 =	vld.idx.msk [tilespmem:v15+s19+$0x0], $0xffff;
	v15 =	vor.u32 v4, v10  }
0x41e: {  	v13 =	vld.idx.msk [tilespmem:v14+s3+$0x0], $0xffff  }
0x41f: {  	s14 =	simm.s32 $0xFD;
	v14 =	vor.u32 v4, v12  }
0x420: {  	v16 =	vmov s14;
	v17 =	vshll.u32 v9, $0x7  }
0x421: {  	v9 =	vor.u32 v0, v17;
	[tilespmem:s2+$0x30] =	vst.add.f32.msk $0xffff, v8  }
0x422: {  	v8 =	vshll.u32 v11, $0x7;
	v15 =	vld.idx.msk [tilespmem:v15+s3+$0x0], $0xffff  }
0x423: {  	[tilespmem:s2+$0xB0] =	vst.add.f32.msk $0xffff, v13;
	v13 =	vor.u32 v0, v8  }
0x424: {  	v14 =	vld.idx.msk [tilespmem:v14+s3+$0x0], $0xffff  }
0x425: {  	v16 =	vld.idx.msk [tilespmem:v16+s19+$0x0], $0xffff;
	v11 =	vor.u32 v5, v10  }
0x426: {  	v9 =	vld.idx.msk [tilespmem:v9+s3+$0x0], $0xffff  }
0x427: {  	v18 =	vor.u32 v5, v12;
	[tilespmem:s2+$0x40] =	vst.add.f32.msk $0xffff, v15  }
0x428: {  	v15 =	vor.u32 v1, v17;
	v13 =	vld.idx.msk [tilespmem:v13+s3+$0x0], $0xffff  }
0x429: {  	[tilespmem:s2+$0xC0] =	vst.add.f32.msk $0xffff, v14  }
0x42a: {  	s0 =	simm.s32 $0x9600;
	v11 =	vld.idx.msk [tilespmem:v11+s3+$0x0], $0xffff  }
0x42b: {  	[tilespmem:s0+$0x0] =	vst.add.f32.msk $0xffff, v9;
	v9 =	vor.u32 v1, v8  }
0x42c: {  	v19 =	vor.u32 v6, v10;
	v14 =	vld.idx.msk [tilespmem:v18+s3+$0x0], $0xffff  }
0x42d: {  	v15 =	vld.idx.msk [tilespmem:v15+s3+$0x0], $0xffff  }
0x42e: {  	[tilespmem:s0+$0x80] =	vst.add.f32.msk $0xffff, v13  }
0x42f: {  	[tilespmem:s2+$0x50] =	vst.add.f32.msk $0xffff, v11;
	v11 =	vor.u32 v2, v17  }
0x430: {  	s17 =	simm.s32 $0xFC;
	v9 =	vld.idx.msk [tilespmem:v9+s3+$0x0], $0xffff  }
0x431: {  	v13 =	vmov s17;
	v18 =	vld.idx.msk [tilespmem:v19+s3+$0x0], $0xffff  }
0x432: {  	v10 =	vor.u32 v7, v10;
	v13 =	vand.u32 $0xFFFFFFFE, v13;
	[tilespmem:s2+$0xD0] =	vst.add.f32.msk $0xffff, v14  }
0x433: {  	v14 =	vor.u32 v2, v8;
	v13 =	vbroadcast v13, $0x0;
	[tilespmem:s0+$0x10] =	vst.add.f32.msk $0xffff, v15  }
0x434: {  	v11 =	vld.idx.msk [tilespmem:v11+s3+$0x0], $0xffff  }
0x435: {  	[tilespmem:s0+$0x90] =	vst.add.f32.msk $0xffff, v9  }
0x436: {  	v15 =	vor.u32 v3, v17;
	[tilespmem:s2+$0x60] =	vst.add.f32.msk $0xffff, v18  }
0x437: {  	v10 =	vld.idx.msk [tilespmem:v10+s3+$0x0], $0xffff  }
0x438: {  	v9 =	vld.idx.msk [tilespmem:v14+s3+$0x0], $0xffff;
	v14 =	vor.u32 v6, v12  }
0x439: {  	v13 =	vld.idx.msk [tilespmem:v13+s19+$0x0], $0xffff  }
0x43a: {  	s18 =	simm.s32 $0xFF;
	[tilespmem:s0+$0x20] =	vst.add.f32.msk $0xffff, v11;
	v11 =	vor.u32 v3, v8  }
0x43b: {  	v18 =	vmov s18;
	v15 =	vld.idx.msk [tilespmem:v15+s3+$0x0], $0xffff  }
0x43c: {  	[tilespmem:s2+$0x70] =	vst.add.f32.msk $0xffff, v10  }
0x43d: {  	v10 =	vld.idx.msk [tilespmem:v14+s3+$0x0], $0xffff;
	v14 =	vor.u32 v4, v17  }
0x43e: {  	[tilespmem:s0+$0xA0] =	vst.add.f32.msk $0xffff, v9  }
0x43f: {  	v12 =	vor.u32 v7, v12;
	v9 =	vshll.u32 v13, $0x7;
	v19 =	vld.idx.msk [tilespmem:v11+s3+$0x0], $0xffff  }
0x440: {  	v13 =	vor.u32 v0, v9;
	v11 =	vld.idx.msk [tilespmem:v18+s19+$0x0], $0xffff  }
0x441: {  	[tilespmem:s0+$0x30] =	vst.add.f32.msk $0xffff, v15  }
0x442: {  	v18 =	vor.u32 v4, v8;
	v14 =	vld.idx.msk [tilespmem:v14+s3+$0x0], $0xffff  }
0x443: {  	[tilespmem:s2+$0xE0] =	vst.add.f32.msk $0xffff, v10  }
0x444: {  	v15 =	vor.u32 v5, v17;
	v10 =	vshll.u32 v16, $0x7;
	v12 =	vld.idx.msk [tilespmem:v12+s3+$0x0], $0xffff  }
0x445: {  	v16 =	vor.u32 v0, v10;
	v13 =	vld.idx.msk [tilespmem:v13+s3+$0x0], $0xffff  }
0x446: {  	[tilespmem:s0+$0xB0] =	vst.add.f32.msk $0xffff, v19  }
0x447: {  	v18 =	vld.idx.msk [tilespmem:v18+s3+$0x0], $0xffff  }
0x448: {  	v19 =	vor.u32 v5, v8;
	[tilespmem:s0+$0x40] =	vst.add.f32.msk $0xffff, v14  }
0x449: {  	v14 =	vor.u32 v1, v9;
	v15 =	vld.idx.msk [tilespmem:v15+s3+$0x0], $0xffff  }
0x44a: {  	s1 =	simm.s32 $0x9700;
	v16 =	vld.idx.msk [tilespmem:v16+s3+$0x0], $0xffff  }
0x44b: {  	[tilespmem:s1+$0x0] =	vst.add.f32.msk $0xffff, v13  }
0x44c: {  	v20 =	vor.u32 v6, v17;
	[tilespmem:s0+$0xC0] =	vst.add.f32.msk $0xffff, v18  }
0x44d: {  	v13 =	vor.u32 v1, v10;
	v18 =	vld.idx.msk [tilespmem:v19+s3+$0x0], $0xffff  }
0x44e: {  	v14 =	vld.idx.msk [tilespmem:v14+s3+$0x0], $0xffff  }
0x44f: {  	[tilespmem:s0+$0x50] =	vst.add.f32.msk $0xffff, v15  }
0x450: {  	s31 =	simm.s32 $0xFE;
	v15 =	vor.u32 v2, v9;
	[tilespmem:s1+$0x80] =	vst.add.f32.msk $0xffff, v16  }
0x451: {  	v16 =	vmov s31;
	v19 =	vld.idx.msk [tilespmem:v20+s3+$0x0], $0xffff  }
0x452: {  	v17 =	vor.u32 v7, v17;
	v13 =	vld.idx.msk [tilespmem:v13+s3+$0x0], $0xffff;
	v16 =	vand.u32 $0xFFFFFFFE, v16  }
0x453: {  	v16 =	vbroadcast v16, $0x0;
	[tilespmem:s0+$0xD0] =	vst.add.f32.msk $0xffff, v18  }
0x454: {  	[tilespmem:s1+$0x10] =	vst.add.f32.msk $0xffff, v14  }
0x455: {  	v14 =	vor.u32 v2, v10;
	v20 =	vld.idx.msk [tilespmem:v15+s3+$0x0], $0xffff  }
0x456: {  	[tilespmem:s0+$0x60] =	vst.add.f32.msk $0xffff, v19  }
0x457: {  	v15 =	vld.idx.msk [tilespmem:v17+s3+$0x0], $0xffff;
	v17 =	vor.u32 v3, v9  }
0x458: {  	[tilespmem:s1+$0x90] =	vst.add.f32.msk $0xffff, v13  }
0x459: {  	v18 =	vor.u32 v6, v8;
	v13 =	vld.idx.msk [tilespmem:v16+s19+$0x0], $0xffff  }
0x45a: {  	v14 =	vld.idx.msk [tilespmem:v14+s3+$0x0], $0xffff  }
0x45b: {  	s13 =	simm.s32 $0x6;
	v16 =	vor.u32 v3, v10;
	[tilespmem:s1+$0x20] =	vst.add.f32.msk $0xffff, v20  }
.LBB2_16:
0x45c: {  	s8 =	sadd.s32 $0xFB, s13;
	v17 =	vld.idx.msk [tilespmem:v17+s3+$0x0], $0xffff  }
0x45d: {  	v19 =	vmov s8;
	[tilespmem:s0+$0x70] =	vst.add.f32.msk $0xffff, v15  }
0x45e: {  	v15 =	vld.idx.msk [tilespmem:v18+s3+$0x0], $0xffff  }
0x45f: {  	v18 =	vor.u32 v4, v9;
	[tilespmem:s1+$0xA0] =	vst.add.f32.msk $0xffff, v14  }
0x460: {  	v14 =	vld.idx.msk [tilespmem:v16+s3+$0x0], $0xffff  }
0x461: {  	[tilespmem:s2+$0xF0] =	vst.add.f32.msk $0xffff, v12;
	s2 =	smov.u32 s0;
	s0 =	smov.u32 s1  }
0x462: {  	v12 =	vor.u32 v4, v10;
	v16 =	vld.idx.msk [tilespmem:v19+s19+$0x0], $0xffff  }
0x463: {  	v13 =	vshll.u32 v13, $0x7;
	[tilespmem:s1+$0x30] =	vst.add.f32.msk $0xffff, v17;
	v17 =	vor.u32 v7, v8;
	v8 =	vmov v10  }
0x464: {  	v19 =	vor.u32 v0, v13;
	v18 =	vld.idx.msk [tilespmem:v18+s3+$0x0], $0xffff  }
0x465: {  	[tilespmem:s2+$0xE0] =	vst.add.f32.msk $0xffff, v15  }
0x466: {  	v10 =	vshll.u32 v11, $0x7;
	v15 =	vor.u32 v5, v9;
	[tilespmem:s1+$0xB0] =	vst.add.f32.msk $0xffff, v14  }
0x467: {  	v14 =	vor.u32 v0, v10;
	v20 =	vld.idx.msk [tilespmem:v12+s3+$0x0], $0xffff  }
0x468: {  	v11 =	vmov v16;
	v12 =	vld.idx.msk [tilespmem:v17+s3+$0x0], $0xffff  }
0x469: {  	v17 =	vor.u32 v5, v8;
	v16 =	vld.idx.msk [tilespmem:v19+s3+$0x0], $0xffff  }
0x46a: {  	[tilespmem:s1+$0x40] =	vst.add.f32.msk $0xffff, v18  }
0x46b: {  	v18 =	vor.u32 v1, v13;
	v15 =	vld.idx.msk [tilespmem:v15+s3+$0x0], $0xffff  }
0x46c: {  	v14 =	vld.idx.msk [tilespmem:v14+s3+$0x0], $0xffff  }
0x46d: {  	v19 =	vor.u32 v6, v9;
	[tilespmem:s1+$0xC0] =	vst.add.f32.msk $0xffff, v20  }
0x46e: {  	s1 =	sadd.s32 $0x100, s1;
	v17 =	vld.idx.msk [tilespmem:v17+s3+$0x0], $0xffff  }
0x46f: {  	[tilespmem:s1+$0x0] =	vst.add.f32.msk $0xffff, v16;
	v16 =	vor.u32 v1, v10  }
0x470: {  	v18 =	vld.idx.msk [tilespmem:v18+s3+$0x0], $0xffff  }
0x471: {  	[tilespmem:s0+$0x50] =	vst.add.f32.msk $0xffff, v15  }
0x472: {  	v15 =	vor.u32 v2, v13;
	v19 =	vld.idx.msk [tilespmem:v19+s3+$0x0], $0xffff  }
0x473: {  	s8 =	sadd.s32 $0xFA, s13;
	[tilespmem:s1+$0x80] =	vst.add.f32.msk $0xffff, v14  }
0x474: {  	v20 =	vor.u32 v7, v9;
	v9 =	vmov v13;
	v14 =	vmov s8;
	v16 =	vld.idx.msk [tilespmem:v16+s3+$0x0], $0xffff  }
0x475: {  	v13 =	vand.u32 $0xFFFFFFFE, v14;
	[tilespmem:s0+$0xD0] =	vst.add.f32.msk $0xffff, v17  }
0x476: {  	v14 =	vor.u32 v2, v10;
	v13 =	vbroadcast v13, $0x0;
	[tilespmem:s1+$0x10] =	vst.add.f32.msk $0xffff, v18  }
0x477: {  	s13 =	sadd.s32 $0x2, s13;
	v21 =	vld.idx.msk [tilespmem:v15+s3+$0x0], $0xffff  }
0x478: {  	p2 =	slt.u32 s13, $0xFA;
	[tilespmem:s0+$0x60] =	vst.add.f32.msk $0xffff, v19  }
.Ltmp10:
0x479: {  	v17 =	vor.u32 v3, v9;
	v15 =	vld.idx.msk [tilespmem:v20+s3+$0x0], $0xffff;
	(pc) =	sbr.rel @p2 .LBB2_16-.Ltmp10, $4  }
0x47a: {  	[tilespmem:s1+$0x90] =	vst.add.f32.msk $0xffff, v16  }
0x47b: {  	v18 =	vor.u32 v6, v8;
	v14 =	vld.idx.msk [tilespmem:v14+s3+$0x0], $0xffff  }
0x47c: {  	v13 =	vld.idx.msk [tilespmem:v13+s19+$0x0], $0xffff  }
0x47d: {  	v16 =	vor.u32 v3, v10;
	[tilespmem:s1+$0x20] =	vst.add.f32.msk $0xffff, v21  }
0x47e: {  	_ =	sdelay $0x3  }
0x47f: {  	v17 =	vld.idx.msk [tilespmem:v17+s3+$0x0], $0xffff  }
0x480: {  	[tilespmem:s0+$0x70] =	vst.add.f32.msk $0xffff, v15  }
0x481: {  	v39 =	vld.idx.msk [tilespmem:v18+s3+$0x0], $0xffff  }
0x482: {  	v40 =	vor.u32 v4, v9;
	[tilespmem:s2+$0xF0] =	vst.add.f32.msk $0xffff, v12;
	v11 =	vshll.u32 v11, $0x7  }
0x483: {  	v42 =	vor.u32 v0, v11;
	[tilespmem:s1+$0xA0] =	vst.add.f32.msk $0xffff, v14  }
0x484: {  	v8 =	vor.u32 v7, v8;
	v13 =	vshll.u32 v13, $0x7;
	v14 =	vld.idx.msk [tilespmem:v16+s3+$0x0], $0xffff  }
0x485: {  	v41 =	vor.u32 v0, v13;
	[tilespmem:s1+$0x30] =	vst.add.f32.msk $0xffff, v17  }
0x486: {  	[tilespmem:s0+$0xE0] =	vst.add.f32.msk $0xffff, v39  }
0x487: {  	v43 =	vor.u32 v4, v10;
	v18 =	vld.idx.msk [tilespmem:v40+s3+$0x0], $0xffff  }
0x488: {  	v12 =	vld.idx.msk [tilespmem:v42+s3+$0x0], $0xffff  }
0x489: {  	v47 =	vor.u32 v1, v11;
	v8 =	vld.idx.msk [tilespmem:v8+s3+$0x0], $0xffff  }
0x48a: {  	v44 =	vld.idx.msk [tilespmem:v41+s3+$0x0], $0xffff  }
0x48b: {  	v45 =	vor.u32 v1, v13;
	[tilespmem:s1+$0xB0] =	vst.add.f32.msk $0xffff, v14  }
0x48c: {  	s31 =	sadd.s32 $0x100, s1;
	v46 =	vld.idx.msk [tilespmem:v43+s3+$0x0], $0xffff  }
0x48d: {  	v19 =	vor.u32 v5, v9;
	[tilespmem:s31+$0x80] =	vst.add.f32.msk $0xffff, v12  }
0x48e: {  	v12 =	vld.idx.msk [tilespmem:v47+s3+$0x0], $0xffff  }
0x48f: {  	v49 =	vor.u32 v2, v11;
	[tilespmem:s31+$0x0] =	vst.add.f32.msk $0xffff, v44  }
0x490: {  	v14 =	vld.idx.msk [tilespmem:v45+s3+$0x0], $0xffff  }
0x491: {  	v48 =	vor.u32 v2, v13;
	[tilespmem:s1+$0x40] =	vst.add.f32.msk $0xffff, v18  }
0x492: {  	v18 =	vld.idx.msk [tilespmem:v19+s3+$0x0], $0xffff  }
0x493: {  	v50 =	vor.u32 v5, v10;
	[tilespmem:s31+$0x90] =	vst.add.f32.msk $0xffff, v12  }
0x494: {  	v12 =	vld.idx.msk [tilespmem:v49+s3+$0x0], $0xffff  }
0x495: {  	v52 =	vor.u32 v3, v11;
	[tilespmem:s31+$0x10] =	vst.add.f32.msk $0xffff, v14  }
0x496: {  	v14 =	vld.idx.msk [tilespmem:v48+s3+$0x0], $0xffff  }
0x497: {  	v51 =	vor.u32 v3, v13;
	[tilespmem:s1+$0xC0] =	vst.add.f32.msk $0xffff, v46  }
0x498: {  	v53 =	vld.idx.msk [tilespmem:v50+s3+$0x0], $0xffff  }
0x499: {  	v54 =	vor.u32 v6, v9;
	[tilespmem:s31+$0xA0] =	vst.add.f32.msk $0xffff, v12  }
0x49a: {  	v12 =	vld.idx.msk [tilespmem:v52+s3+$0x0], $0xffff  }
0x49b: {  	v56 =	vor.u32 v4, v11;
	[tilespmem:s31+$0x20] =	vst.add.f32.msk $0xffff, v14  }
0x49c: {  	v14 =	vld.idx.msk [tilespmem:v51+s3+$0x0], $0xffff  }
0x49d: {  	v55 =	vor.u32 v4, v13;
	[tilespmem:s1+$0x50] =	vst.add.f32.msk $0xffff, v18  }
0x49e: {  	v18 =	vld.idx.msk [tilespmem:v54+s3+$0x0], $0xffff  }
0x49f: {  	v60 =	vor.u32 v6, v10;
	[tilespmem:s31+$0xB0] =	vst.add.f32.msk $0xffff, v12  }
0x4a0: {  	v12 =	vld.idx.msk [tilespmem:v56+s3+$0x0], $0xffff  }
0x4a1: {  	v58 =	vor.u32 v5, v11;
	[tilespmem:s31+$0x30] =	vst.add.f32.msk $0xffff, v14  }
0x4a2: {  	v14 =	vld.idx.msk [tilespmem:v55+s3+$0x0], $0xffff  }
0x4a3: {  	v57 =	vor.u32 v5, v13;
	[tilespmem:s1+$0xD0] =	vst.add.f32.msk $0xffff, v53  }
0x4a4: {  	v17 =	vld.idx.msk [tilespmem:v60+s3+$0x0], $0xffff  }
0x4a5: {  	v59 =	vor.u32 v7, v9;
	[tilespmem:s31+$0xC0] =	vst.add.f32.msk $0xffff, v12  }
0x4a6: {  	v12 =	vld.idx.msk [tilespmem:v58+s3+$0x0], $0xffff  }
0x4a7: {  	v62 =	vor.u32 v6, v11;
	[tilespmem:s31+$0x40] =	vst.add.f32.msk $0xffff, v14  }
0x4a8: {  	v14 =	vld.idx.msk [tilespmem:v57+s3+$0x0], $0xffff  }
0x4a9: {  	v61 =	vor.u32 v6, v13;
	[tilespmem:s1+$0x60] =	vst.add.f32.msk $0xffff, v18  }
0x4aa: {  	v9 =	vld.idx.msk [tilespmem:v59+s3+$0x0], $0xffff  }
0x4ab: {  	v63 =	vor.u32 v7, v10;
	[tilespmem:s31+$0xD0] =	vst.add.f32.msk $0xffff, v12  }
0x4ac: {  	v12 =	vld.idx.msk [tilespmem:v62+s3+$0x0], $0xffff  }
0x4ad: {  	v11 =	vor.u32 v7, v11;
	[tilespmem:s31+$0x50] =	vst.add.f32.msk $0xffff, v14  }
0x4ae: {  	v14 =	vld.idx.msk [tilespmem:v61+s3+$0x0], $0xffff  }
0x4af: {  	v13 =	vor.u32 v7, v13;
	[tilespmem:s1+$0xE0] =	vst.add.f32.msk $0xffff, v17  }
0x4b0: {  	v10 =	vld.idx.msk [tilespmem:v63+s3+$0x0], $0xffff  }
0x4b1: {  	[tilespmem:s31+$0xE0] =	vst.add.f32.msk $0xffff, v12  }
0x4b2: {  	v11 =	vld.idx.msk [tilespmem:v11+s3+$0x0], $0xffff  }
0x4b3: {  	[tilespmem:s31+$0x60] =	vst.add.f32.msk $0xffff, v14  }
0x4b4: {  	v13 =	vld.idx.msk [tilespmem:v13+s3+$0x0], $0xffff  }
0x4b5: {  	[tilespmem:s0+$0xF0] =	vst.add.f32.msk $0xffff, v8  }
0x4b6: {  	[tilespmem:s1+$0x70] =	vst.add.f32.msk $0xffff, v9  }
.Ltmp11:
0x4b7: {  	[tilespmem:s1+$0xF0] =	vst.add.f32.msk $0xffff, v10;
	(pc) =	sbr.rel .LBB2_18-.Ltmp11, $4  }
0x4b8: {  	[tilespmem:s31+$0xF0] =	vst.add.f32.msk $0xffff, v11  }
0x4b9: {  	[tilespmem:s31+$0x70] =	vst.add.f32.msk $0xffff, v13  }
0x4ba: {  	s0 =	rddreg [dreg:$0x6]  }
0x4bb: {  	[hbm4b:s0+s3] =	stream.linear.scatter [tilespmem:s22], [sflag:$0x7], $0x7E00, $0x38;
	[tilespmem:$0x11900] =	vst v63  }
.LBB2_19:
0x4bc: {  	_ =	sfence.sel $0x180000  }
0x4bd: {  	[bflag:$0x0] =	sbarrier.arrive $0xFFFF  }
0x4be: {  	_ =	strace $0x90000047  }
0x4bf: {  	s0 =	stileid.u32;
	[bflag:$0x2] =	sbarrier.arrive $0xFFFF  }
0x4c0: {  	p0 =	sne.s32 s0, $0x0;
	s0 =	rddreg [dreg:$0x3]  }
0x4c1: {  	s0 =	sadd.s32 @!p0 $0x100000, s0  }
0x4c2: {  	[sflag:s0] =	ssyncadd.tile.s32 @!p0 $0x1;
	_ =	shalt  }
.Lfunc_end2:
_tile_overlayer_lowered:
.L_overlay_start_2:
0x4c3: {  	(tag) =	ssettag $0x2  }
0x4c4: {  	s0 =	rddreg [dreg:$0x0];
	s2 =	stileid.u32  }
0x4c5: {  	s1 =	rddreg [dreg:$0x1];
	p0 =	sne.s32 s2, $0x0  }
0x4c6: {  	s3 =	rddreg [dreg:$0x2];
	[bflag:$0x3] =	sbarrier.arrive $0xFFFF;
	s2 =	simm.s32 @!p0 $0x1C08  }
0x4c7: {  	[timem:s3], [sflag:s2] =	dma.local @!p0 [hbm:s0], s1  }
0x4c8: {  	s0 =	simm.s32 @!p0 $0x8  }
0x4c9: {  	_ =	swait.ge @!p0 [sflag:s0], s1  }
0x4ca: {  	s1 =	ssub.s32 @!p0 $0x0, s1;
	[sflag:s0] =	ssyncset.done @!p0 $0x0  }
0x4cb: {  	[sflag:s0] =	ssyncadd.s32 @!p0 s1  }
0x4cc: {  	[bflag:$0x3] =	sbarrier.arrive $0xFFFF  }
0x4cd: {  	_ =	shalt  }

</sc_bundles>
